<compile_context>
chip_gen: v7x
topology: tpu7x:2x2x1
jax: 0.10.2.dev20260603
libtpu: 0.0.44.dev20260713+nightly
codegen_flags: <defaults>
</compile_context>

<pallas_src>
import jax
import jax.numpy as jnp
from jax import lax
from jax.experimental import pallas as pl
from jax.experimental.pallas import tpu as pltpu
from jax.experimental.pallas import tpu_sc as plsc

D = 768
DFF = 2048
E = 8
T = 2048
BLK = 256
NBLK = 24
TRASH = NBLK
NSLOT = (NBLK + 1) * BLK
MAXB = T // BLK

NC = 2
NS = 16
NW = NC * NS
TPW = T // NW
ROW16 = D // 16


def _erf(z):
    a = jnp.abs(z)
    t = 1.0 / (1.0 + 0.3275911 * a)
    poly = t * (0.254829592 + t * (-0.284496736 + t * (1.421413741
               + t * (-1.453152027 + t * 1.061405429))))
    e = 1.0 - poly * jnp.exp(-a * a)
    return jnp.where(z < 0, -e, e)


def _gelu(x):
    return 0.5 * x * (1.0 + _erf(x * 0.7071067811865476))


def _sigmoid(x):
    return 1.0 / (1.0 + jnp.exp(-x))


def _dot_t(a, b):
    return lax.dot_general(a, b, (((1,), (1,)), ((), ())),
                           preferred_element_type=jnp.float32)



def _router_body(x_ref, w1_ref, b1_ref, g_ref, be_ref, w2_ref, b2_ref,
                 temp_ref, bias_ref, gate_ref,
                 ts0_ref, ts1_ref, v0_ref, v1_ref, binfo_ref):
    xf = x_ref[:]
    h = _dot_t(xf, w1_ref[:]) + b1_ref[:]
    mu = jnp.mean(h, axis=-1, keepdims=True)
    var = jnp.mean(h * h, axis=-1, keepdims=True) - mu * mu
    h = (h - mu) / jnp.sqrt(var + 1e-5) * g_ref[:] + be_ref[:]
    h = _gelu(h)
    logits = _dot_t(h, w2_ref[:]) + b2_ref[:]
    logits = (logits / temp_ref[0, 0] + bias_ref[:]) * gate_ref[:]

    m = jnp.max(logits, axis=-1, keepdims=True)
    ex = jnp.exp(logits - m)
    p = ex / jnp.sum(ex, axis=-1, keepdims=True)

    lane = lax.broadcasted_iota(jnp.int32, (T, E), 1)
    v1 = jnp.max(p, axis=-1, keepdims=True)
    i1 = jnp.min(jnp.where(p == v1, lane, 127), axis=-1, keepdims=True)
    oh1 = lane == i1
    p2 = jnp.where(oh1, -1.0, p)
    v2 = jnp.max(p2, axis=-1, keepdims=True)
    i2 = jnp.min(jnp.where(p2 == v2, lane, 127), axis=-1, keepdims=True)
    oh2 = lane == i2

    sel = jnp.where(oh1 | oh2, 1.0, 0.0)

    r_i = lax.broadcasted_iota(jnp.int32, (T, T), 0)
    c_i = lax.broadcasted_iota(jnp.int32, (T, T), 1)
    tri = jnp.where(c_i < r_i, 1.0, 0.0).astype(jnp.bfloat16)
    rank = lax.dot_general(tri, sel.astype(jnp.bfloat16),
                           (((1,), (0,)), ((), ())),
                           preferred_element_type=jnp.float32)

    counts = jnp.sum(sel, axis=0, keepdims=True)
    pc = jnp.ceil(counts / BLK) * BLK
    ii = lax.broadcasted_iota(jnp.int32, (E, E), 0)
    jj = lax.broadcasted_iota(jnp.int32, (E, E), 1)
    cum = jnp.where(ii <= jj, 1.0, 0.0)
    ends = lax.dot_general(pc, cum, (((1,), (0,)), ((), ())),
                           preferred_element_type=jnp.float32)
    starts = ends - pc

    slot = starts + rank
    ts0 = jnp.sum(jnp.where(oh1, slot, 0.0), axis=-1, keepdims=True)
    ts1 = jnp.sum(jnp.where(oh2, slot, 0.0), axis=-1, keepdims=True)
    ts0_ref[:] = ts0.astype(jnp.int32)
    ts1_ref[:] = ts1.astype(jnp.int32)

    v0_ref[:] = jnp.broadcast_to(v1, (T, 16))
    v1_ref[:] = jnp.broadcast_to(v2, (T, 16))

    eye = jnp.where(ii == jj, 1.0, 0.0)
    starts_s = lax.dot_general(eye, starts, (((1,), (1,)), ((), ())),
                               preferred_element_type=jnp.float32)
    nb_s = lax.dot_general(eye, pc, (((1,), (1,)), ((), ())),
                           preferred_element_type=jnp.float32)
    binfo = jnp.concatenate([starts_s / BLK, nb_s / BLK], axis=1)
    binfo_ref[:] = binfo.astype(jnp.int32)



def _dispatch_body(x_hbm, ts0_hbm, ts1_hbm, xs_hbm, idx0, idx1, xbuf, sem):
    wid = lax.axis_index("s") * NC + lax.axis_index("c")
    base = wid * TPW
    pltpu.sync_copy(x_hbm.at[pl.ds(base, TPW)], xbuf)
    pltpu.sync_copy(ts0_hbm.at[pl.ds(base, TPW)], idx0)
    pltpu.sync_copy(ts1_hbm.at[pl.ds(base, TPW)], idx1)
    d0 = pltpu.async_copy(xbuf, xs_hbm.at[idx0], sem)
    d1 = pltpu.async_copy(xbuf, xs_hbm.at[idx1], sem)
    d0.wait()
    d1.wait()


def _run_dispatch(xf, ts0, ts1):
    mesh = plsc.VectorSubcoreMesh(core_axis_name="c", subcore_axis_name="s")
    f = pl.kernel(
        _dispatch_body,
        out_type=jax.ShapeDtypeStruct((NSLOT, D), jnp.float32),
        mesh=mesh,
        scratch_types=[
            pltpu.VMEM((TPW,), jnp.int32),
            pltpu.VMEM((TPW,), jnp.int32),
            pltpu.VMEM((TPW, D), jnp.float32),
            pltpu.SemaphoreType.DMA,
        ],
    )
    return f(xf, ts0, ts1)



def _slot_map(j, info):
    return (jnp.where(j < info[1], info[0] + j, TRASH), 0)


def _w_map(j, info):
    return (0, 0)


def _gelu_fast(x):
    return 0.5 * x * (1.0 + jnp.tanh(0.7978845608028654
                                     * (x + 0.044715 * x * x * x)))


def _ffn0_body(info_ref, xs_ref, *rest):
    w1, b1, w2, b2, ys_ref = rest[-5:]

    @pl.when(pl.program_id(0) < info_ref[1])
    def _():
        h1 = _gelu_fast(_dot_t(xs_ref[:], w1[:]) + b1[:])
        ys_ref[:] = _dot_t(h1, w2[:]) + b2[:]


def _ffn1_body(info_ref, xs_ref, *rest):
    w1, b1, w2, b2, w3, b3, ys_ref = rest[-7:]

    @pl.when(pl.program_id(0) < info_ref[1])
    def _():
        h1 = _dot_t(xs_ref[:], w1[:]) + b1[:]
        h1 = h1 * _sigmoid(h1)
        h2 = _dot_t(h1, w2[:]) + b2[:]
        ys_ref[:] = _dot_t(h2, w3[:]) + b3[:]


def _ffn2_body(info_ref, xs_ref, *rest):
    w1, b1, w2, b2, w3, b3, ys_ref = rest[-7:]

    @pl.when(pl.program_id(0) < info_ref[1])
    def _():
        h1 = jnp.maximum(_dot_t(xs_ref[:], w1[:]) + b1[:], 0.0)
        h2 = _sigmoid(_dot_t(h1, w2[:]) + b2[:])
        ys_ref[:] = _dot_t(h2, w3[:]) + b3[:]


_FFN_BODIES = {0: _ffn0_body, 1: _ffn1_body, 2: _ffn2_body}


def _run_ffn(ep_type, xs, ys, info, weights):
    w_specs = []
    w_args = []
    for (W, b) in weights:
        w_specs.append(pl.BlockSpec(W.shape, _w_map))
        w_specs.append(pl.BlockSpec(b.shape, _w_map))
        w_args.extend([W, b])
    ys_spec = [] if ys is None else [pl.BlockSpec(memory_space=pl.ANY)]
    ys_arg = [] if ys is None else [ys]
    grid_spec = pltpu.PrefetchScalarGridSpec(
        num_scalar_prefetch=1,
        grid=(MAXB,),
        in_specs=[pl.BlockSpec((BLK, D), _slot_map)] + ys_spec + w_specs,
        out_specs=pl.BlockSpec((BLK, D), _slot_map),
    )
    return pl.pallas_call(
        _FFN_BODIES[ep_type],
        grid_spec=grid_spec,
        out_shape=jax.ShapeDtypeStruct((NSLOT, D), jnp.float32),
        input_output_aliases={} if ys is None else {2: 0},
    )(info, xs, *ys_arg, *w_args)



def _combine_body(ys_hbm, ts0_hbm, ts1_hbm, v0_hbm, v1_hbm, out_hbm,
                  idx0, idx1, buf0, buf1, vb0, vb1, sem):
    wid = lax.axis_index("s") * NC + lax.axis_index("c")
    base = wid * TPW
    pltpu.sync_copy(ts0_hbm.at[pl.ds(base, TPW)], idx0)
    pltpu.sync_copy(ts1_hbm.at[pl.ds(base, TPW)], idx1)
    g0 = pltpu.async_copy(ys_hbm.at[idx0], buf0, sem)
    g1 = pltpu.async_copy(ys_hbm.at[idx1], buf1, sem)
    pltpu.sync_copy(v0_hbm.at[pl.ds(base, TPW)], vb0)
    pltpu.sync_copy(v1_hbm.at[pl.ds(base, TPW)], vb1)
    g0.wait()
    g1.wait()

    @plsc.parallel_loop(0, TPW, 1, unroll=2)
    def row(t):
        v0 = vb0[t]
        v1 = vb1[t]
        for c in range(ROW16):
            s = c * 16
            buf0[t, s:s + 16] = (v0 * buf0[t, s:s + 16]
                                 + v1 * buf1[t, s:s + 16])

    pltpu.sync_copy(buf0, out_hbm.at[pl.ds(base, TPW)])


def _run_combine(ys, ts0, ts1, v0, v1):
    mesh = plsc.VectorSubcoreMesh(core_axis_name="c", subcore_axis_name="s")
    f = pl.kernel(
        _combine_body,
        out_type=jax.ShapeDtypeStruct((T, D), jnp.float32),
        mesh=mesh,
        scratch_types=[
            pltpu.VMEM((TPW,), jnp.int32),
            pltpu.VMEM((TPW,), jnp.int32),
            pltpu.VMEM((TPW, D), jnp.float32),
            pltpu.VMEM((TPW, D), jnp.float32),
            pltpu.VMEM((TPW, 16), jnp.float32),
            pltpu.VMEM((TPW, 16), jnp.float32),
            pltpu.SemaphoreType.DMA,
        ],
    )
    return f(ys, ts0, ts1, v0, v1)



def kernel(x, params):
    Bb, Ll, Dm = x.shape
    xf = x.reshape(T, D)
    r = params['router']

    ts0, ts1, v0, v1, binfo = pl.pallas_call(
        _router_body,
        out_shape=(
            jax.ShapeDtypeStruct((T, 1), jnp.int32),
            jax.ShapeDtypeStruct((T, 1), jnp.int32),
            jax.ShapeDtypeStruct((T, 16), jnp.float32),
            jax.ShapeDtypeStruct((T, 16), jnp.float32),
            jax.ShapeDtypeStruct((E, 2), jnp.int32),
        ),
    )(xf, r['w1'], r['b1'].reshape(1, -1), r['gamma'].reshape(1, -1),
      r['beta'].reshape(1, -1), r['w2'], r['b2'].reshape(1, -1),
      params['temp'].reshape(1, 1), params['bias'].reshape(1, -1),
      params['gate'].reshape(1, -1))

    ts0 = ts0.reshape(T)
    ts1 = ts1.reshape(T)

    xs = _run_dispatch(xf, ts0, ts1)

    ys = None
    for e, ep in enumerate(params['experts']):
        t = e % 3
        if t == 0:
            weights = [(ep['l1'][0], ep['l1'][1].reshape(1, -1)),
                       (ep['l2'][0], ep['l2'][1].reshape(1, -1))]
        else:
            weights = [(ep['l1'][0], ep['l1'][1].reshape(1, -1)),
                       (ep['l2'][0], ep['l2'][1].reshape(1, -1)),
                       (ep['l3'][0], ep['l3'][1].reshape(1, -1))]
        ys = _run_ffn(t, xs, ys, binfo[e], weights)

    out = _run_combine(ys, ts0, ts1, v0, v1)
    return out.reshape(Bb, Ll, Dm)

# --- scband reference (transcript-rebuilt; emitter-appended) ---
"""Pipeline reference for scband-mo-elayer-21036749816511 (READ-ONLY COPY).

The authoritative reference and input builder live on the scoring server;
editing this copy changes nothing except your own understanding.
"""

import jax, jax.numpy as jnp
import numpy as np

D_MODEL = 768
D_FF = 2048
NUM_EXPERTS = 8
TOP_K = 2
B, L = 1, 2048


def _linear_params(key, kin, kout):
    k1, k2 = jax.random.split(key)
    s = 1.0 / np.sqrt(kin)
    W = jax.random.uniform(k1, (kout, kin), minval=-s, maxval=s, dtype=jnp.float32)
    b = jax.random.uniform(k2, (kout,), minval=-s, maxval=s, dtype=jnp.float32)
    return W, b


def setup_inputs(seed: int = 0):
    key = jax.random.key(seed)
    keys = jax.random.split(key, 64)
    ki = iter(keys)
    experts = []
    for i in range(NUM_EXPERTS):
        if i % 3 == 0:
            ep = {'l1': _linear_params(next(ki), D_MODEL, D_FF),
                  'l2': _linear_params(next(ki), D_FF, D_MODEL)}
        elif i % 3 == 1:
            ep = {'l1': _linear_params(next(ki), D_MODEL, D_FF),
                  'l2': _linear_params(next(ki), D_FF, D_FF),
                  'l3': _linear_params(next(ki), D_FF, D_MODEL)}
        else:
            ep = {'l1': _linear_params(next(ki), D_MODEL, D_FF),
                  'l2': _linear_params(next(ki), D_FF, D_MODEL),
                  'l3': _linear_params(next(ki), D_MODEL, D_MODEL)}
        experts.append(ep)
    router = {}
    router['w1'], router['b1'] = _linear_params(next(ki), D_MODEL, D_MODEL // 2)
    router['gamma'] = jnp.ones((D_MODEL // 2,), jnp.float32)
    router['beta'] = jnp.zeros((D_MODEL // 2,), jnp.float32)
    router['w2'], router['b2'] = _linear_params(next(ki), D_MODEL // 2, NUM_EXPERTS)
    params = {'experts': experts, 'router': router,
              'temp': jnp.ones((1,), jnp.float32),
              'bias': jnp.zeros((NUM_EXPERTS,), jnp.float32),
              'gate': jnp.ones((NUM_EXPERTS,), jnp.float32)}
    x = jax.random.normal(next(ki), (B, L, D_MODEL), dtype=jnp.float32)
    return {'x': x, 'params': params}


def _forward(x, params):
    Bb, Ll, Dm = x.shape
    xf = x.reshape(-1, Dm)
    r = params['router']
    h = xf @ r['w1'].T + r['b1']
    mu = h.mean(axis=-1, keepdims=True)
    var = ((h - mu) ** 2).mean(axis=-1, keepdims=True)
    h = (h - mu) / jnp.sqrt(var + 1e-5) * r['gamma'] + r['beta']
    h = jax.nn.gelu(h, approximate=False)
    logits = h @ r['w2'].T + r['b2']
    logits = logits / params['temp'] + params['bias']
    logits = logits * params['gate'][None, :]
    p = jax.nn.softmax(logits, axis=-1)
    vals, idx = jax.lax.top_k(p, TOP_K)
    probs = jnp.zeros_like(p).at[jnp.arange(p.shape[0])[:, None], idx].set(vals)
    outs = []
    for i, ep in enumerate(params['experts']):
        t = i % 3
        if t == 0:
            W1, b1 = ep['l1']
            W2, b2 = ep['l2']
            o = jax.nn.gelu(xf @ W1.T + b1, approximate=False) @ W2.T + b2
        elif t == 1:
            W1, b1 = ep['l1']
            W2, b2 = ep['l2']
            W3, b3 = ep['l3']
            h1 = jax.nn.silu(xf @ W1.T + b1)
            h2 = h1 @ W2.T + b2
            o = h2 @ W3.T + b3
        else:
            W1, b1 = ep['l1']
            W2, b2 = ep['l2']
            W3, b3 = ep['l3']
            h1 = jax.nn.relu(xf @ W1.T + b1)
            h2 = jax.nn.sigmoid(h1 @ W2.T + b2)
            o = h2 @ W3.T + b3
        outs.append(o)
    eo = jnp.stack(outs, axis=1)
    out = jnp.einsum('bld,bl->bd', eo, probs)
    return out.reshape(Bb, Ll, Dm)


def reference(x, params):
    return _forward(x, params)

if __name__ == "__main__":
    import jax
    _d = setup_inputs()
    print(jax.jit(kernel)(*tuple(_d.values())))

</pallas_src>

<mosaic_0001>
#map = affine_map<(d0, d1) -> (0, 0)>
#map1 = affine_map<(d0, d1) -> (0)>
module attributes {stable_mosaic.version = 14 : i64} {
  func.func @_dispatch_body(%arg0: i32, %arg1: i32, %arg2: memref<2048x768xf32, #tpu.memory_space<hbm>>, %arg3: memref<2048xi32, #tpu.memory_space<hbm>>, %arg4: memref<2048xi32, #tpu.memory_space<hbm>>, %arg5: memref<6400x768xf32, #tpu.memory_space<hbm>>, %arg6: memref<64xi32, #tpu.memory_space<vmem>>, %arg7: memref<64xi32, #tpu.memory_space<vmem>>, %arg8: memref<64x768xf32, #tpu.memory_space<vmem>>, %arg9: memref<!tpu.dma_semaphore, #tpu.memory_space<semaphore_mem>>) attributes {dimension_semantics = [#tpu.dimension_semantics<core_parallel>, #tpu.dimension_semantics<subcore_parallel>], iteration_bounds = array<i64: 2, 16>, scalar_prefetch = 0 : i64, scratch_operands = 4 : i64, tpu.core_type = #tpu.core_type<sc_vector_subcore>, window_params = [{transform_indices = #map}, {transform_indices = #map1}, {transform_indices = #map1}, {transform_indices = #map}]} {
    %mul3A = arith.constant 2 : i32
    %mul3A_0 = arith.muli %arg1, %mul3A : i32
    %add3A = arith.addi %mul3A_0, %arg0 : i32
    %mul3A_1 = arith.constant 64 : i32
    %mul3A_2 = arith.muli %add3A, %mul3A_1 : i32
    "tpu.region"() ({
      %run_scoped3A = tpu.sem_alloc : memref<!tpu.dma_semaphore, #tpu.memory_space<semaphore_mem>>
      %dma_start3A_13 = arith.constant 0 : i32
      %dma_start3A_14 = tpu.memref_slice %arg2[%mul3A_2, %dma_start3A_13] : memref<2048x768xf32, #tpu.memory_space<hbm>> -> memref<64x768xf32, #tpu.memory_space<hbm>>
      %dma_start3A_15 = arith.constant 0 : i32
      %dma_start3A_16 = tpu.memref_slice %arg2[%mul3A_2, %dma_start3A_15] : memref<2048x768xf32, #tpu.memory_space<hbm>> -> memref<64x768xf32, #tpu.memory_space<hbm>>
      tpu.enqueue_dma source(%dma_start3A_16 : memref<64x768xf32, #tpu.memory_space<hbm>>) target(%arg8 : memref<64x768xf32, #tpu.memory_space<vmem>>) target_semaphore(%run_scoped3A : memref<!tpu.dma_semaphore, #tpu.memory_space<semaphore_mem>>)
      %dma_wait3A_17 = arith.constant 0 : i32
      %dma_wait3A_18 = tpu.memref_slice %arg2[%mul3A_2, %dma_wait3A_17] : memref<2048x768xf32, #tpu.memory_space<hbm>> -> memref<64x768xf32, #tpu.memory_space<hbm>>
      %dma_wait3A_19 = arith.constant 0 : i32
      %dma_wait3A_20 = tpu.memref_slice %arg2[%mul3A_2, %dma_wait3A_19] : memref<2048x768xf32, #tpu.memory_space<hbm>> -> memref<64x768xf32, #tpu.memory_space<hbm>>
      tpu.wait_dma2 semaphore(%run_scoped3A : memref<!tpu.dma_semaphore, #tpu.memory_space<semaphore_mem>>) src(%dma_wait3A_20 : memref<64x768xf32, #tpu.memory_space<hbm>>) dst(%arg8 : memref<64x768xf32, #tpu.memory_space<vmem>>)
      tpu.yield
    }) : () -> ()
    "tpu.region"() ({
      %run_scoped3A = tpu.sem_alloc : memref<!tpu.dma_semaphore, #tpu.memory_space<semaphore_mem>>
      %dma_start3A_13 = tpu.memref_slice %arg3[%mul3A_2] : memref<2048xi32, #tpu.memory_space<hbm>> -> memref<64xi32, #tpu.memory_space<hbm>>
      %dma_start3A_14 = tpu.memref_slice %arg3[%mul3A_2] : memref<2048xi32, #tpu.memory_space<hbm>> -> memref<64xi32, #tpu.memory_space<hbm>>
      tpu.enqueue_dma source(%dma_start3A_14 : memref<64xi32, #tpu.memory_space<hbm>>) target(%arg6 : memref<64xi32, #tpu.memory_space<vmem>>) target_semaphore(%run_scoped3A : memref<!tpu.dma_semaphore, #tpu.memory_space<semaphore_mem>>)
      %dma_wait3A_15 = tpu.memref_slice %arg3[%mul3A_2] : memref<2048xi32, #tpu.memory_space<hbm>> -> memref<64xi32, #tpu.memory_space<hbm>>
      %dma_wait3A_16 = tpu.memref_slice %arg3[%mul3A_2] : memref<2048xi32, #tpu.memory_space<hbm>> -> memref<64xi32, #tpu.memory_space<hbm>>
      tpu.wait_dma2 semaphore(%run_scoped3A : memref<!tpu.dma_semaphore, #tpu.memory_space<semaphore_mem>>) src(%dma_wait3A_16 : memref<64xi32, #tpu.memory_space<hbm>>) dst(%arg6 : memref<64xi32, #tpu.memory_space<vmem>>)
      tpu.yield
    }) : () -> ()
    "tpu.region"() ({
      %run_scoped3A = tpu.sem_alloc : memref<!tpu.dma_semaphore, #tpu.memory_space<semaphore_mem>>
      %dma_start3A_13 = tpu.memref_slice %arg4[%mul3A_2] : memref<2048xi32, #tpu.memory_space<hbm>> -> memref<64xi32, #tpu.memory_space<hbm>>
      %dma_start3A_14 = tpu.memref_slice %arg4[%mul3A_2] : memref<2048xi32, #tpu.memory_space<hbm>> -> memref<64xi32, #tpu.memory_space<hbm>>
      tpu.enqueue_dma source(%dma_start3A_14 : memref<64xi32, #tpu.memory_space<hbm>>) target(%arg7 : memref<64xi32, #tpu.memory_space<vmem>>) target_semaphore(%run_scoped3A : memref<!tpu.dma_semaphore, #tpu.memory_space<semaphore_mem>>)
      %dma_wait3A_15 = tpu.memref_slice %arg4[%mul3A_2] : memref<2048xi32, #tpu.memory_space<hbm>> -> memref<64xi32, #tpu.memory_space<hbm>>
      %dma_wait3A_16 = tpu.memref_slice %arg4[%mul3A_2] : memref<2048xi32, #tpu.memory_space<hbm>> -> memref<64xi32, #tpu.memory_space<hbm>>
      tpu.wait_dma2 semaphore(%run_scoped3A : memref<!tpu.dma_semaphore, #tpu.memory_space<semaphore_mem>>) src(%dma_wait3A_16 : memref<64xi32, #tpu.memory_space<hbm>>) dst(%arg7 : memref<64xi32, #tpu.memory_space<vmem>>)
      tpu.yield
    }) : () -> ()
    %dma_start3A = arith.constant 0 : i32
    %dma_start3A_3 = arith.constant 0 : i32
    %dma_start3A_4 = tpu.memref_slice %arg5[%dma_start3A, %dma_start3A_3] : memref<6400x768xf32, #tpu.memory_space<hbm>> -> memref<6400x768xf32, #tpu.memory_space<hbm>>
    tpu.enqueue_indirect_dma source(%arg8 : memref<64x768xf32, #tpu.memory_space<vmem>>) target(%dma_start3A_4 : memref<6400x768xf32, #tpu.memory_space<hbm>>) offsets(%arg6 : memref<64xi32, #tpu.memory_space<vmem>>) semaphore(%arg9 : memref<!tpu.dma_semaphore, #tpu.memory_space<semaphore_mem>>)
    %dma_start3A_5 = arith.constant 0 : i32
    %dma_start3A_6 = arith.constant 0 : i32
    %dma_start3A_7 = tpu.memref_slice %arg5[%dma_start3A_5, %dma_start3A_6] : memref<6400x768xf32, #tpu.memory_space<hbm>> -> memref<6400x768xf32, #tpu.memory_space<hbm>>
    tpu.enqueue_indirect_dma source(%arg8 : memref<64x768xf32, #tpu.memory_space<vmem>>) target(%dma_start3A_7 : memref<6400x768xf32, #tpu.memory_space<hbm>>) offsets(%arg7 : memref<64xi32, #tpu.memory_space<vmem>>) semaphore(%arg9 : memref<!tpu.dma_semaphore, #tpu.memory_space<semaphore_mem>>)
    %dma_wait3A = arith.constant 0 : i32
    %dma_wait3A_8 = arith.constant 0 : i32
    %dma_wait3A_9 = tpu.memref_slice %arg5[%dma_wait3A, %dma_wait3A_8] : memref<6400x768xf32, #tpu.memory_space<hbm>> -> memref<6400x768xf32, #tpu.memory_space<hbm>>
    tpu.wait_indirect_dma semaphore(%arg9 : memref<!tpu.dma_semaphore, #tpu.memory_space<semaphore_mem>>) src(%arg8 : memref<64x768xf32, #tpu.memory_space<vmem>>) dst(%dma_wait3A_9 : memref<6400x768xf32, #tpu.memory_space<hbm>>)
    %dma_wait3A_10 = arith.constant 0 : i32
    %dma_wait3A_11 = arith.constant 0 : i32
    %dma_wait3A_12 = tpu.memref_slice %arg5[%dma_wait3A_10, %dma_wait3A_11] : memref<6400x768xf32, #tpu.memory_space<hbm>> -> memref<6400x768xf32, #tpu.memory_space<hbm>>
    tpu.wait_indirect_dma semaphore(%arg9 : memref<!tpu.dma_semaphore, #tpu.memory_space<semaphore_mem>>) src(%arg8 : memref<64x768xf32, #tpu.memory_space<vmem>>) dst(%dma_wait3A_12 : memref<6400x768xf32, #tpu.memory_space<hbm>>)
    return
  }
}

#map = affine_map<(d0, d1) -> (0, 0)>
#map1 = affine_map<(d0, d1) -> (0)>
module attributes {stable_mosaic.version = 14 : i64} {
  func.func @_combine_body(%arg0: i32, %arg1: i32, %arg2: memref<6400x768xf32, #tpu.memory_space<hbm>>, %arg3: memref<2048xi32, #tpu.memory_space<hbm>>, %arg4: memref<2048xi32, #tpu.memory_space<hbm>>, %arg5: memref<2048x16xf32, #tpu.memory_space<hbm>>, %arg6: memref<2048x16xf32, #tpu.memory_space<hbm>>, %arg7: memref<2048x768xf32, #tpu.memory_space<hbm>>, %arg8: memref<64xi32, #tpu.memory_space<vmem>>, %arg9: memref<64xi32, #tpu.memory_space<vmem>>, %arg10: memref<64x768xf32, #tpu.memory_space<vmem>>, %arg11: memref<64x768xf32, #tpu.memory_space<vmem>>, %arg12: memref<64x16xf32, #tpu.memory_space<vmem>>, %arg13: memref<64x16xf32, #tpu.memory_space<vmem>>, %arg14: memref<!tpu.dma_semaphore, #tpu.memory_space<semaphore_mem>>) attributes {dimension_semantics = [#tpu.dimension_semantics<core_parallel>, #tpu.dimension_semantics<subcore_parallel>], iteration_bounds = array<i64: 2, 16>, scalar_prefetch = 0 : i64, scratch_operands = 7 : i64, tpu.core_type = #tpu.core_type<sc_vector_subcore>, window_params = [{transform_indices = #map}, {transform_indices = #map1}, {transform_indices = #map1}, {transform_indices = #map}, {transform_indices = #map}, {transform_indices = #map}]} {
    %mul3A = arith.constant 2 : i32
    %mul3A_0 = arith.muli %arg1, %mul3A : i32
    %add3A = arith.addi %mul3A_0, %arg0 : i32
    %mul3A_1 = arith.constant 64 : i32
    %mul3A_2 = arith.muli %add3A, %mul3A_1 : i32
    "tpu.region"() ({
      %run_scoped3A = tpu.sem_alloc : memref<!tpu.dma_semaphore, #tpu.memory_space<semaphore_mem>>
      %dma_start3A_15 = tpu.memref_slice %arg3[%mul3A_2] : memref<2048xi32, #tpu.memory_space<hbm>> -> memref<64xi32, #tpu.memory_space<hbm>>
      %dma_start3A_16 = tpu.memref_slice %arg3[%mul3A_2] : memref<2048xi32, #tpu.memory_space<hbm>> -> memref<64xi32, #tpu.memory_space<hbm>>
      tpu.enqueue_dma source(%dma_start3A_16 : memref<64xi32, #tpu.memory_space<hbm>>) target(%arg8 : memref<64xi32, #tpu.memory_space<vmem>>) target_semaphore(%run_scoped3A : memref<!tpu.dma_semaphore, #tpu.memory_space<semaphore_mem>>)
      %dma_wait3A_17 = tpu.memref_slice %arg3[%mul3A_2] : memref<2048xi32, #tpu.memory_space<hbm>> -> memref<64xi32, #tpu.memory_space<hbm>>
      %dma_wait3A_18 = tpu.memref_slice %arg3[%mul3A_2] : memref<2048xi32, #tpu.memory_space<hbm>> -> memref<64xi32, #tpu.memory_space<hbm>>
      tpu.wait_dma2 semaphore(%run_scoped3A : memref<!tpu.dma_semaphore, #tpu.memory_space<semaphore_mem>>) src(%dma_wait3A_18 : memref<64xi32, #tpu.memory_space<hbm>>) dst(%arg8 : memref<64xi32, #tpu.memory_space<vmem>>)
      tpu.yield
    }) : () -> ()
    "tpu.region"() ({
      %run_scoped3A = tpu.sem_alloc : memref<!tpu.dma_semaphore, #tpu.memory_space<semaphore_mem>>
      %dma_start3A_15 = tpu.memref_slice %arg4[%mul3A_2] : memref<2048xi32, #tpu.memory_space<hbm>> -> memref<64xi32, #tpu.memory_space<hbm>>
      %dma_start3A_16 = tpu.memref_slice %arg4[%mul3A_2] : memref<2048xi32, #tpu.memory_space<hbm>> -> memref<64xi32, #tpu.memory_space<hbm>>
      tpu.enqueue_dma source(%dma_start3A_16 : memref<64xi32, #tpu.memory_space<hbm>>) target(%arg9 : memref<64xi32, #tpu.memory_space<vmem>>) target_semaphore(%run_scoped3A : memref<!tpu.dma_semaphore, #tpu.memory_space<semaphore_mem>>)
      %dma_wait3A_17 = tpu.memref_slice %arg4[%mul3A_2] : memref<2048xi32, #tpu.memory_space<hbm>> -> memref<64xi32, #tpu.memory_space<hbm>>
      %dma_wait3A_18 = tpu.memref_slice %arg4[%mul3A_2] : memref<2048xi32, #tpu.memory_space<hbm>> -> memref<64xi32, #tpu.memory_space<hbm>>
      tpu.wait_dma2 semaphore(%run_scoped3A : memref<!tpu.dma_semaphore, #tpu.memory_space<semaphore_mem>>) src(%dma_wait3A_18 : memref<64xi32, #tpu.memory_space<hbm>>) dst(%arg9 : memref<64xi32, #tpu.memory_space<vmem>>)
      tpu.yield
    }) : () -> ()
    %dma_start3A = arith.constant 0 : i32
    %dma_start3A_3 = arith.constant 0 : i32
    %dma_start3A_4 = tpu.memref_slice %arg2[%dma_start3A, %dma_start3A_3] : memref<6400x768xf32, #tpu.memory_space<hbm>> -> memref<6400x768xf32, #tpu.memory_space<hbm>>
    tpu.enqueue_indirect_dma source(%dma_start3A_4 : memref<6400x768xf32, #tpu.memory_space<hbm>>) target(%arg10 : memref<64x768xf32, #tpu.memory_space<vmem>>) offsets(%arg8 : memref<64xi32, #tpu.memory_space<vmem>>) semaphore(%arg14 : memref<!tpu.dma_semaphore, #tpu.memory_space<semaphore_mem>>)
    %dma_start3A_5 = arith.constant 0 : i32
    %dma_start3A_6 = arith.constant 0 : i32
    %dma_start3A_7 = tpu.memref_slice %arg2[%dma_start3A_5, %dma_start3A_6] : memref<6400x768xf32, #tpu.memory_space<hbm>> -> memref<6400x768xf32, #tpu.memory_space<hbm>>
    tpu.enqueue_indirect_dma source(%dma_start3A_7 : memref<6400x768xf32, #tpu.memory_space<hbm>>) target(%arg11 : memref<64x768xf32, #tpu.memory_space<vmem>>) offsets(%arg9 : memref<64xi32, #tpu.memory_space<vmem>>) semaphore(%arg14 : memref<!tpu.dma_semaphore, #tpu.memory_space<semaphore_mem>>)
    "tpu.region"() ({
      %run_scoped3A = tpu.sem_alloc : memref<!tpu.dma_semaphore, #tpu.memory_space<semaphore_mem>>
      %dma_start3A_15 = arith.constant 0 : i32
      %dma_start3A_16 = tpu.memref_slice %arg5[%mul3A_2, %dma_start3A_15] : memref<2048x16xf32, #tpu.memory_space<hbm>> -> memref<64x16xf32, #tpu.memory_space<hbm>>
      %dma_start3A_17 = arith.constant 0 : i32
      %dma_start3A_18 = tpu.memref_slice %arg5[%mul3A_2, %dma_start3A_17] : memref<2048x16xf32, #tpu.memory_space<hbm>> -> memref<64x16xf32, #tpu.memory_space<hbm>>
      tpu.enqueue_dma source(%dma_start3A_18 : memref<64x16xf32, #tpu.memory_space<hbm>>) target(%arg12 : memref<64x16xf32, #tpu.memory_space<vmem>>) target_semaphore(%run_scoped3A : memref<!tpu.dma_semaphore, #tpu.memory_space<semaphore_mem>>)
      %dma_wait3A_19 = arith.constant 0 : i32
      %dma_wait3A_20 = tpu.memref_slice %arg5[%mul3A_2, %dma_wait3A_19] : memref<2048x16xf32, #tpu.memory_space<hbm>> -> memref<64x16xf32, #tpu.memory_space<hbm>>
      %dma_wait3A_21 = arith.constant 0 : i32
      %dma_wait3A_22 = tpu.memref_slice %arg5[%mul3A_2, %dma_wait3A_21] : memref<2048x16xf32, #tpu.memory_space<hbm>> -> memref<64x16xf32, #tpu.memory_space<hbm>>
      tpu.wait_dma2 semaphore(%run_scoped3A : memref<!tpu.dma_semaphore, #tpu.memory_space<semaphore_mem>>) src(%dma_wait3A_22 : memref<64x16xf32, #tpu.memory_space<hbm>>) dst(%arg12 : memref<64x16xf32, #tpu.memory_space<vmem>>)
      tpu.yield
    }) : () -> ()
    "tpu.region"() ({
      %run_scoped3A = tpu.sem_alloc : memref<!tpu.dma_semaphore, #tpu.memory_space<semaphore_mem>>
      %dma_start3A_15 = arith.constant 0 : i32
      %dma_start3A_16 = tpu.memref_slice %arg6[%mul3A_2, %dma_start3A_15] : memref<2048x16xf32, #tpu.memory_space<hbm>> -> memref<64x16xf32, #tpu.memory_space<hbm>>
      %dma_start3A_17 = arith.constant 0 : i32
      %dma_start3A_18 = tpu.memref_slice %arg6[%mul3A_2, %dma_start3A_17] : memref<2048x16xf32, #tpu.memory_space<hbm>> -> memref<64x16xf32, #tpu.memory_space<hbm>>
      tpu.enqueue_dma source(%dma_start3A_18 : memref<64x16xf32, #tpu.memory_space<hbm>>) target(%arg13 : memref<64x16xf32, #tpu.memory_space<vmem>>) target_semaphore(%run_scoped3A : memref<!tpu.dma_semaphore, #tpu.memory_space<semaphore_mem>>)
      %dma_wait3A_19 = arith.constant 0 : i32
      %dma_wait3A_20 = tpu.memref_slice %arg6[%mul3A_2, %dma_wait3A_19] : memref<2048x16xf32, #tpu.memory_space<hbm>> -> memref<64x16xf32, #tpu.memory_space<hbm>>
      %dma_wait3A_21 = arith.constant 0 : i32
      %dma_wait3A_22 = tpu.memref_slice %arg6[%mul3A_2, %dma_wait3A_21] : memref<2048x16xf32, #tpu.memory_space<hbm>> -> memref<64x16xf32, #tpu.memory_space<hbm>>
      tpu.wait_dma2 semaphore(%run_scoped3A : memref<!tpu.dma_semaphore, #tpu.memory_space<semaphore_mem>>) src(%dma_wait3A_22 : memref<64x16xf32, #tpu.memory_space<hbm>>) dst(%arg13 : memref<64x16xf32, #tpu.memory_space<vmem>>)
      tpu.yield
    }) : () -> ()
    %dma_wait3A = arith.constant 0 : i32
    %dma_wait3A_8 = arith.constant 0 : i32
    %dma_wait3A_9 = tpu.memref_slice %arg2[%dma_wait3A, %dma_wait3A_8] : memref<6400x768xf32, #tpu.memory_space<hbm>> -> memref<6400x768xf32, #tpu.memory_space<hbm>>
    tpu.wait_indirect_dma semaphore(%arg14 : memref<!tpu.dma_semaphore, #tpu.memory_space<semaphore_mem>>) src(%dma_wait3A_9 : memref<6400x768xf32, #tpu.memory_space<hbm>>) dst(%arg10 : memref<64x768xf32, #tpu.memory_space<vmem>>)
    %dma_wait3A_10 = arith.constant 0 : i32
    %dma_wait3A_11 = arith.constant 0 : i32
    %dma_wait3A_12 = tpu.memref_slice %arg2[%dma_wait3A_10, %dma_wait3A_11] : memref<6400x768xf32, #tpu.memory_space<hbm>> -> memref<6400x768xf32, #tpu.memory_space<hbm>>
    tpu.wait_indirect_dma semaphore(%arg14 : memref<!tpu.dma_semaphore, #tpu.memory_space<semaphore_mem>>) src(%dma_wait3A_12 : memref<6400x768xf32, #tpu.memory_space<hbm>>) dst(%arg11 : memref<64x768xf32, #tpu.memory_space<vmem>>)
    %parallel_loop3A = arith.constant 0 : i32
    %parallel_loop3A_13 = arith.constant 64 : i32
    %parallel_loop3A_14 = arith.constant 1 : i32
    scf.for %parallel_loop3A_15 = %parallel_loop3A to %parallel_loop3A_13 step %parallel_loop3A_14  : i32 {
      %parallel_loop3A_16 = arith.index_cast %parallel_loop3A_15 : i32 to index
      %parallel_loop3A_17 = arith.constant 0 : index
      %parallel_loop3A_18 = tpu.vector_load %arg12[%parallel_loop3A_16, %parallel_loop3A_17] {strides = array<i32>} : memref<64x16xf32, #tpu.memory_space<vmem>>, vector<1x16xf32>,
      %parallel_loop3A_19 = vector.shape_cast %parallel_loop3A_18 : vector<1x16xf32> to vector<16xf32>
      %parallel_loop3A_20 = arith.index_cast %parallel_loop3A_15 : i32 to index
      %parallel_loop3A_21 = arith.constant 0 : index
      %parallel_loop3A_22 = tpu.vector_load %arg13[%parallel_loop3A_20, %parallel_loop3A_21] {strides = array<i32>} : memref<64x16xf32, #tpu.memory_space<vmem>>, vector<1x16xf32>,
      %parallel_loop3A_23 = vector.shape_cast %parallel_loop3A_22 : vector<1x16xf32> to vector<16xf32>
      %parallel_loop3A_24 = arith.index_cast %parallel_loop3A_15 : i32 to index
      %parallel_loop3A_25 = arith.constant 0 : index
      %parallel_loop3A_26 = tpu.vector_load %arg10[%parallel_loop3A_24, %parallel_loop3A_25] {strides = array<i32>} : memref<64x768xf32, #tpu.memory_space<vmem>>, vector<1x16xf32>,
      %parallel_loop3A_27 = vector.shape_cast %parallel_loop3A_26 : vector<1x16xf32> to vector<16xf32>
      %parallel_loop3A_28 = arith.mulf %parallel_loop3A_19, %parallel_loop3A_27 : vector<16xf32>
      %parallel_loop3A_29 = arith.index_cast %parallel_loop3A_15 : i32 to index
      %parallel_loop3A_30 = arith.constant 0 : index
      %parallel_loop3A_31 = tpu.vector_load %arg11[%parallel_loop3A_29, %parallel_loop3A_30] {strides = array<i32>} : memref<64x768xf32, #tpu.memory_space<vmem>>, vector<1x16xf32>,
      %parallel_loop3A_32 = vector.shape_cast %parallel_loop3A_31 : vector<1x16xf32> to vector<16xf32>
      %parallel_loop3A_33 = arith.mulf %parallel_loop3A_23, %parallel_loop3A_32 : vector<16xf32>
      %parallel_loop3A_34 = arith.addf %parallel_loop3A_28, %parallel_loop3A_33 : vector<16xf32>
      %parallel_loop3A_35 = arith.index_cast %parallel_loop3A_15 : i32 to index
      %parallel_loop3A_36 = arith.constant 0 : index
      %parallel_loop3A_37 = tpu.vector_load %arg10[%parallel_loop3A_35, %parallel_loop3A_36] {strides = array<i32>} : memref<64x768xf32, #tpu.memory_space<vmem>>, vector<1x16xf32>,
      %parallel_loop3A_38 = vector.shape_cast %parallel_loop3A_37 : vector<1x16xf32> to vector<16xf32>
      %parallel_loop3A_39 = vector.shape_cast %parallel_loop3A_34 : vector<16xf32> to vector<1x16xf32>
      tpu.vector_store %arg10[%parallel_loop3A_35, %parallel_loop3A_36], %parallel_loop3A_39 {strides = array<i32>} : memref<64x768xf32, #tpu.memory_space<vmem>>, vector<1x16xf32>,
      %parallel_loop3A_40 = arith.index_cast %parallel_loop3A_15 : i32 to index
      %parallel_loop3A_41 = arith.constant 16 : index
      %parallel_loop3A_42 = tpu.vector_load %arg10[%parallel_loop3A_40, %parallel_loop3A_41] {strides = array<i32>} : memref<64x768xf32, #tpu.memory_space<vmem>>, vector<1x16xf32>,
      %parallel_loop3A_43 = vector.shape_cast %parallel_loop3A_42 : vector<1x16xf32> to vector<16xf32>
      %parallel_loop3A_44 = arith.mulf %parallel_loop3A_19, %parallel_loop3A_43 : vector<16xf32>
      %parallel_loop3A_45 = arith.index_cast %parallel_loop3A_15 : i32 to index
      %parallel_loop3A_46 = arith.constant 16 : index
      %parallel_loop3A_47 = tpu.vector_load %arg11[%parallel_loop3A_45, %parallel_loop3A_46] {strides = array<i32>} : memref<64x768xf32, #tpu.memory_space<vmem>>, vector<1x16xf32>,
      %parallel_loop3A_48 = vector.shape_cast %parallel_loop3A_47 : vector<1x16xf32> to vector<16xf32>
      %parallel_loop3A_49 = arith.mulf %parallel_loop3A_23, %parallel_loop3A_48 : vector<16xf32>
      %parallel_loop3A_50 = arith.addf %parallel_loop3A_44, %parallel_loop3A_49 : vector<16xf32>
      %parallel_loop3A_51 = arith.index_cast %parallel_loop3A_15 : i32 to index
      %parallel_loop3A_52 = arith.constant 16 : index
      %parallel_loop3A_53 = tpu.vector_load %arg10[%parallel_loop3A_51, %parallel_loop3A_52] {strides = array<i32>} : memref<64x768xf32, #tpu.memory_space<vmem>>, vector<1x16xf32>,
      %parallel_loop3A_54 = vector.shape_cast %parallel_loop3A_53 : vector<1x16xf32> to vector<16xf32>
      %parallel_loop3A_55 = vector.shape_cast %parallel_loop3A_50 : vector<16xf32> to vector<1x16xf32>
      tpu.vector_store %arg10[%parallel_loop3A_51, %parallel_loop3A_52], %parallel_loop3A_55 {strides = array<i32>} : memref<64x768xf32, #tpu.memory_space<vmem>>, vector<1x16xf32>,
      %parallel_loop3A_56 = arith.index_cast %parallel_loop3A_15 : i32 to index
      %parallel_loop3A_57 = arith.constant 32 : index
      %parallel_loop3A_58 = tpu.vector_load %arg10[%parallel_loop3A_56, %parallel_loop3A_57] {strides = array<i32>} : memref<64x768xf32, #tpu.memory_space<vmem>>, vector<1x16xf32>,
      %parallel_loop3A_59 = vector.shape_cast %parallel_loop3A_58 : vector<1x16xf32> to vector<16xf32>
      %parallel_loop3A_60 = arith.mulf %parallel_loop3A_19, %parallel_loop3A_59 : vector<16xf32>
      %parallel_loop3A_61 = arith.index_cast %parallel_loop3A_15 : i32 to index
      %parallel_loop3A_62 = arith.constant 32 : index
      %parallel_loop3A_63 = tpu.vector_load %arg11[%parallel_loop3A_61, %parallel_loop3A_62] {strides = array<i32>} : memref<64x768xf32, #tpu.memory_space<vmem>>, vector<1x16xf32>,
      %parallel_loop3A_64 = vector.shape_cast %parallel_loop3A_63 : vector<1x16xf32> to vector<16xf32>
      %parallel_loop3A_65 = arith.mulf %parallel_loop3A_23, %parallel_loop3A_64 : vector<16xf32>
      %parallel_loop3A_66 = arith.addf %parallel_loop3A_60, %parallel_loop3A_65 : vector<16xf32>
      %parallel_loop3A_67 = arith.index_cast %parallel_loop3A_15 : i32 to index
      %parallel_loop3A_68 = arith.constant 32 : index
      %parallel_loop3A_69 = tpu.vector_load %arg10[%parallel_loop3A_67, %parallel_loop3A_68] {strides = array<i32>} : memref<64x768xf32, #tpu.memory_space<vmem>>, vector<1x16xf32>,
      %parallel_loop3A_70 = vector.shape_cast %parallel_loop3A_69 : vector<1x16xf32> to vector<16xf32>
      %parallel_loop3A_71 = vector.shape_cast %parallel_loop3A_66 : vector<16xf32> to vector<1x16xf32>
      tpu.vector_store %arg10[%parallel_loop3A_67, %parallel_loop3A_68], %parallel_loop3A_71 {strides = array<i32>} : memref<64x768xf32, #tpu.memory_space<vmem>>, vector<1x16xf32>,
      %parallel_loop3A_72 = arith.index_cast %parallel_loop3A_15 : i32 to index
      %parallel_loop3A_73 = arith.constant 48 : index
      %parallel_loop3A_74 = tpu.vector_load %arg10[%parallel_loop3A_72, %parallel_loop3A_73] {strides = array<i32>} : memref<64x768xf32, #tpu.memory_space<vmem>>, vector<1x16xf32>,
      %parallel_loop3A_75 = vector.shape_cast %parallel_loop3A_74 : vector<1x16xf32> to vector<16xf32>
      %parallel_loop3A_76 = arith.mulf %parallel_loop3A_19, %parallel_loop3A_75 : vector<16xf32>
      %parallel_loop3A_77 = arith.index_cast %parallel_loop3A_15 : i32 to index
      %parallel_loop3A_78 = arith.constant 48 : index
      %parallel_loop3A_79 = tpu.vector_load %arg11[%parallel_loop3A_77, %parallel_loop3A_78] {strides = array<i32>} : memref<64x768xf32, #tpu.memory_space<vmem>>, vector<1x16xf32>,
      %parallel_loop3A_80 = vector.shape_cast %parallel_loop3A_79 : vector<1x16xf32> to vector<16xf32>
      %parallel_loop3A_81 = arith.mulf %parallel_loop3A_23, %parallel_loop3A_80 : vector<16xf32>
      %parallel_loop3A_82 = arith.addf %parallel_loop3A_76, %parallel_loop3A_81 : vector<16xf32>
      %parallel_loop3A_83 = arith.index_cast %parallel_loop3A_15 : i32 to index
      %parallel_loop3A_84 = arith.constant 48 : index
      %parallel_loop3A_85 = tpu.vector_load %arg10[%parallel_loop3A_83, %parallel_loop3A_84] {strides = array<i32>} : memref<64x768xf32, #tpu.memory_space<vmem>>, vector<1x16xf32>,
      %parallel_loop3A_86 = vector.shape_cast %parallel_loop3A_85 : vector<1x16xf32> to vector<16xf32>
      %parallel_loop3A_87 = vector.shape_cast %parallel_loop3A_82 : vector<16xf32> to vector<1x16xf32>
      tpu.vector_store %arg10[%parallel_loop3A_83, %parallel_loop3A_84], %parallel_loop3A_87 {strides = array<i32>} : memref<64x768xf32, #tpu.memory_space<vmem>>, vector<1x16xf32>,
      %parallel_loop3A_88 = arith.index_cast %parallel_loop3A_15 : i32 to index
      %parallel_loop3A_89 = arith.constant 64 : index
      %parallel_loop3A_90 = tpu.vector_load %arg10[%parallel_loop3A_88, %parallel_loop3A_89] {strides = array<i32>} : memref<64x768xf32, #tpu.memory_space<vmem>>, vector<1x16xf32>,
      %parallel_loop3A_91 = vector.shape_cast %parallel_loop3A_90 : vector<1x16xf32> to vector<16xf32>
      %parallel_loop3A_92 = arith.mulf %parallel_loop3A_19, %parallel_loop3A_91 : vector<16xf32>
      %parallel_loop3A_93 = arith.index_cast %parallel_loop3A_15 : i32 to index
      %parallel_loop3A_94 = arith.constant 64 : index
      %parallel_loop3A_95 = tpu.vector_load %arg11[%parallel_loop3A_93, %parallel_loop3A_94] {strides = array<i32>} : memref<64x768xf32, #tpu.memory_space<vmem>>, vector<1x16xf32>,
      %parallel_loop3A_96 = vector.shape_cast %parallel_loop3A_95 : vector<1x16xf32> to vector<16xf32>
      %parallel_loop3A_97 = arith.mulf %parallel_loop3A_23, %parallel_loop3A_96 : vector<16xf32>
      %parallel_loop3A_98 = arith.addf %parallel_loop3A_92, %parallel_loop3A_97 : vector<16xf32>
      %parallel_loop3A_99 = arith.index_cast %parallel_loop3A_15 : i32 to index
      %parallel_loop3A_100 = arith.constant 64 : index
      %parallel_loop3A_101 = tpu.vector_load %arg10[%parallel_loop3A_99, %parallel_loop3A_100] {strides = array<i32>} : memref<64x768xf32, #tpu.memory_space<vmem>>, vector<1x16xf32>,
      %parallel_loop3A_102 = vector.shape_cast %parallel_loop3A_101 : vector<1x16xf32> to vector<16xf32>
      %parallel_loop3A_103 = vector.shape_cast %parallel_loop3A_98 : vector<16xf32> to vector<1x16xf32>
      tpu.vector_store %arg10[%parallel_loop3A_99, %parallel_loop3A_100], %parallel_loop3A_103 {strides = array<i32>} : memref<64x768xf32, #tpu.memory_space<vmem>>, vector<1x16xf32>,
      %parallel_loop3A_104 = arith.index_cast %parallel_loop3A_15 : i32 to index
      %parallel_loop3A_105 = arith.constant 80 : index
      %parallel_loop3A_106 = tpu.vector_load %arg10[%parallel_loop3A_104, %parallel_loop3A_105] {strides = array<i32>} : memref<64x768xf32, #tpu.memory_space<vmem>>, vector<1x16xf32>,
      %parallel_loop3A_107 = vector.shape_cast %parallel_loop3A_106 : vector<1x16xf32> to vector<16xf32>
      %parallel_loop3A_108 = arith.mulf %parallel_loop3A_19, %parallel_loop3A_107 : vector<16xf32>
      %parallel_loop3A_109 = arith.index_cast %parallel_loop3A_15 : i32 to index
      %parallel_loop3A_110 = arith.constant 80 : index
      %parallel_loop3A_111 = tpu.vector_load %arg11[%parallel_loop3A_109, %parallel_loop3A_110] {strides = array<i32>} : memref<64x768xf32, #tpu.memory_space<vmem>>, vector<1x16xf32>,
      %parallel_loop3A_112 = vector.shape_cast %parallel_loop3A_111 : vector<1x16xf32> to vector<16xf32>
      %parallel_loop3A_113 = arith.mulf %parallel_loop3A_23, %parallel_loop3A_112 : vector<16xf32>
      %parallel_loop3A_114 = arith.addf %parallel_loop3A_108, %parallel_loop3A_113 : vector<16xf32>
      %parallel_loop3A_115 = arith.index_cast %parallel_loop3A_15 : i32 to index
      %parallel_loop3A_116 = arith.constant 80 : index
      %parallel_loop3A_117 = tpu.vector_load %arg10[%parallel_loop3A_115, %parallel_loop3A_116] {strides = array<i32>} : memref<64x768xf32, #tpu.memory_space<vmem>>, vector<1x16xf32>,
      %parallel_loop3A_118 = vector.shape_cast %parallel_loop3A_117 : vector<1x16xf32> to vector<16xf32>
      %parallel_loop3A_119 = vector.shape_cast %parallel_loop3A_114 : vector<16xf32> to vector<1x16xf32>
      tpu.vector_store %arg10[%parallel_loop3A_115, %parallel_loop3A_116], %parallel_loop3A_119 {strides = array<i32>} : memref<64x768xf32, #tpu.memory_space<vmem>>, vector<1x16xf32>,
      %parallel_loop3A_120 = arith.index_cast %parallel_loop3A_15 : i32 to index
      %parallel_loop3A_121 = arith.constant 96 : index
      %parallel_loop3A_122 = tpu.vector_load %arg10[%parallel_loop3A_120, %parallel_loop3A_121] {strides = array<i32>} : memref<64x768xf32, #tpu.memory_space<vmem>>, vector<1x16xf32>,
      %parallel_loop3A_123 = vector.shape_cast %parallel_loop3A_122 : vector<1x16xf32> to vector<16xf32>
      %parallel_loop3A_124 = arith.mulf %parallel_loop3A_19, %parallel_loop3A_123 : vector<16xf32>
      %parallel_loop3A_125 = arith.index_cast %parallel_loop3A_15 : i32 to index
      %parallel_loop3A_126 = arith.constant 96 : index
      %parallel_loop3A_127 = tpu.vector_load %arg11[%parallel_loop3A_125, %parallel_loop3A_126] {strides = array<i32>} : memref<64x768xf32, #tpu.memory_space<vmem>>, vector<1x16xf32>,
      %parallel_loop3A_128 = vector.shape_cast %parallel_loop3A_127 : vector<1x16xf32> to vector<16xf32>
      %parallel_loop3A_129 = arith.mulf %parallel_loop3A_23, %parallel_loop3A_128 : vector<16xf32>
      %parallel_loop3A_130 = arith.addf %parallel_loop3A_124, %parallel_loop3A_129 : vector<16xf32>
      %parallel_loop3A_131 = arith.index_cast %parallel_loop3A_15 : i32 to index
      %parallel_loop3A_132 = arith.constant 96 : index
      %parallel_loop3A_133 = tpu.vector_load %arg10[%parallel_loop3A_131, %parallel_loop3A_132] {strides = array<i32>} : memref<64x768xf32, #tpu.memory_space<vmem>>, vector<1x16xf32>,
      %parallel_loop3A_134 = vector.shape_cast %parallel_loop3A_133 : vector<1x16xf32> to vector<16xf32>
      %parallel_loop3A_135 = vector.shape_cast %parallel_loop3A_130 : vector<16xf32> to vector<1x16xf32>
      tpu.vector_store %arg10[%parallel_loop3A_131, %parallel_loop3A_132], %parallel_loop3A_135 {strides = array<i32>} : memref<64x768xf32, #tpu.memory_space<vmem>>, vector<1x16xf32>,
      %parallel_loop3A_136 = arith.index_cast %parallel_loop3A_15 : i32 to index
      %parallel_loop3A_137 = arith.constant 112 : index
      %parallel_loop3A_138 = tpu.vector_load %arg10[%parallel_loop3A_136, %parallel_loop3A_137] {strides = array<i32>} : memref<64x768xf32, #tpu.memory_space<vmem>>, vector<1x16xf32>,
      %parallel_loop3A_139 = vector.shape_cast %parallel_loop3A_138 : vector<1x16xf32> to vector<16xf32>
      %parallel_loop3A_140 = arith.mulf %parallel_loop3A_19, %parallel_loop3A_139 : vector<16xf32>
      %parallel_loop3A_141 = arith.index_cast %parallel_loop3A_15 : i32 to index
      %parallel_loop3A_142 = arith.constant 112 : index
      %parallel_loop3A_143 = tpu.vector_load %arg11[%parallel_loop3A_141, %parallel_loop3A_142] {strides = array<i32>} : memref<64x768xf32, #tpu.memory_space<vmem>>, vector<1x16xf32>,
      %parallel_loop3A_144 = vector.shape_cast %parallel_loop3A_143 : vector<1x16xf32> to vector<16xf32>
      %parallel_loop3A_145 = arith.mulf %parallel_loop3A_23, %parallel_loop3A_144 : vector<16xf32>
      %parallel_loop3A_146 = arith.addf %parallel_loop3A_140, %parallel_loop3A_145 : vector<16xf32>
      %parallel_loop3A_147 = arith.index_cast %parallel_loop3A_15 : i32 to index
      %parallel_loop3A_148 = arith.constant 112 : index
      %parallel_loop3A_149 = tpu.vector_load %arg10[%parallel_loop3A_147, %parallel_loop3A_148] {strides = array<i32>} : memref<64x768xf32, #tpu.memory_space<vmem>>, vector<1x16xf32>,
      %parallel_loop3A_150 = vector.shape_cast %parallel_loop3A_149 : vector<1x16xf32> to vector<16xf32>
      %parallel_loop3A_151 = vector.shape_cast %parallel_loop3A_146 : vector<16xf32> to vector<1x16xf32>
      tpu.vector_store %arg10[%parallel_loop3A_147, %parallel_loop3A_148], %parallel_loop3A_151 {strides = array<i32>} : memref<64x768xf32, #tpu.memory_space<vmem>>, vector<1x16xf32>,
      %parallel_loop3A_152 = arith.index_cast %parallel_loop3A_15 : i32 to index
      %parallel_loop3A_153 = arith.constant 128 : index
      %parallel_loop3A_154 = tpu.vector_load %arg10[%parallel_loop3A_152, %parallel_loop3A_153] {strides = array<i32>} : memref<64x768xf32, #tpu.memory_space<vmem>>, vector<1x16xf32>,
      %parallel_loop3A_155 = vector.shape_cast %parallel_loop3A_154 : vector<1x16xf32> to vector<16xf32>
      %parallel_loop3A_156 = arith.mulf %parallel_loop3A_19, %parallel_loop3A_155 : vector<16xf32>
      %parallel_loop3A_157 = arith.index_cast %parallel_loop3A_15 : i32 to index
      %parallel_loop3A_158 = arith.constant 128 : index
      %parallel_loop3A_159 = tpu.vector_load %arg11[%parallel_loop3A_157, %parallel_loop3A_158] {strides = array<i32>} : memref<64x768xf32, #tpu.memory_space<vmem>>, vector<1x16xf32>,
      %parallel_loop3A_160 = vector.shape_cast %parallel_loop3A_159 : vector<1x16xf32> to vector<16xf32>
      %parallel_loop3A_161 = arith.mulf %parallel_loop3A_23, %parallel_loop3A_160 : vector<16xf32>
      %parallel_loop3A_162 = arith.addf %parallel_loop3A_156, %parallel_loop3A_161 : vector<16xf32>
      %parallel_loop3A_163 = arith.index_cast %parallel_loop3A_15 : i32 to index
      %parallel_loop3A_164 = arith.constant 128 : index
      %parallel_loop3A_165 = tpu.vector_load %arg10[%parallel_loop3A_163, %parallel_loop3A_164] {strides = array<i32>} : memref<64x768xf32, #tpu.memory_space<vmem>>, vector<1x16xf32>,
      %parallel_loop3A_166 = vector.shape_cast %parallel_loop3A_165 : vector<1x16xf32> to vector<16xf32>
      %parallel_loop3A_167 = vector.shape_cast %parallel_loop3A_162 : vector<16xf32> to vector<1x16xf32>
      tpu.vector_store %arg10[%parallel_loop3A_163, %parallel_loop3A_164], %parallel_loop3A_167 {strides = array<i32>} : memref<64x768xf32, #tpu.memory_space<vmem>>, vector<1x16xf32>,
      %parallel_loop3A_168 = arith.index_cast %parallel_loop3A_15 : i32 to index
      %parallel_loop3A_169 = arith.constant 144 : index
      %parallel_loop3A_170 = tpu.vector_load %arg10[%parallel_loop3A_168, %parallel_loop3A_169] {strides = array<i32>} : memref<64x768xf32, #tpu.memory_space<vmem>>, vector<1x16xf32>,
      %parallel_loop3A_171 = vector.shape_cast %parallel_loop3A_170 : vector<1x16xf32> to vector<16xf32>
      %parallel_loop3A_172 = arith.mulf %parallel_loop3A_19, %parallel_loop3A_171 : vector<16xf32>
      %parallel_loop3A_173 = arith.index_cast %parallel_loop3A_15 : i32 to index
      %parallel_loop3A_174 = arith.constant 144 : index
      %parallel_loop3A_175 = tpu.vector_load %arg11[%parallel_loop3A_173, %parallel_loop3A_174] {strides = array<i32>} : memref<64x768xf32, #tpu.memory_space<vmem>>, vector<1x16xf32>,
      %parallel_loop3A_176 = vector.shape_cast %parallel_loop3A_175 : vector<1x16xf32> to vector<16xf32>
      %parallel_loop3A_177 = arith.mulf %parallel_loop3A_23, %parallel_loop3A_176 : vector<16xf32>
      %parallel_loop3A_178 = arith.addf %parallel_loop3A_172, %parallel_loop3A_177 : vector<16xf32>
      %parallel_loop3A_179 = arith.index_cast %parallel_loop3A_15 : i32 to index
      %parallel_loop3A_180 = arith.constant 144 : index
      %parallel_loop3A_181 = tpu.vector_load %arg10[%parallel_loop3A_179, %parallel_loop3A_180] {strides = array<i32>} : memref<64x768xf32, #tpu.memory_space<vmem>>, vector<1x16xf32>,
      %parallel_loop3A_182 = vector.shape_cast %parallel_loop3A_181 : vector<1x16xf32> to vector<16xf32>
      %parallel_loop3A_183 = vector.shape_cast %parallel_loop3A_178 : vector<16xf32> to vector<1x16xf32>
      tpu.vector_store %arg10[%parallel_loop3A_179, %parallel_loop3A_180], %parallel_loop3A_183 {strides = array<i32>} : memref<64x768xf32, #tpu.memory_space<vmem>>, vector<1x16xf32>,
      %parallel_loop3A_184 = arith.index_cast %parallel_loop3A_15 : i32 to index
      %parallel_loop3A_185 = arith.constant 160 : index
      %parallel_loop3A_186 = tpu.vector_load %arg10[%parallel_loop3A_184, %parallel_loop3A_185] {strides = array<i32>} : memref<64x768xf32, #tpu.memory_space<vmem>>, vector<1x16xf32>,
      %parallel_loop3A_187 = vector.shape_cast %parallel_loop3A_186 : vector<1x16xf32> to vector<16xf32>
      %parallel_loop3A_188 = arith.mulf %parallel_loop3A_19, %parallel_loop3A_187 : vector<16xf32>
      %parallel_loop3A_189 = arith.index_cast %parallel_loop3A_15 : i32 to index
      %parallel_loop3A_190 = arith.constant 160 : index
      %parallel_loop3A_191 = tpu.vector_load %arg11[%parallel_loop3A_189, %parallel_loop3A_190] {strides = array<i32>} : memref<64x768xf32, #tpu.memory_space<vmem>>, vector<1x16xf32>,
      %parallel_loop3A_192 = vector.shape_cast %parallel_loop3A_191 : vector<1x16xf32> to vector<16xf32>
      %parallel_loop3A_193 = arith.mulf %parallel_loop3A_23, %parallel_loop3A_192 : vector<16xf32>
      %parallel_loop3A_194 = arith.addf %parallel_loop3A_188, %parallel_loop3A_193 : vector<16xf32>
      %parallel_loop3A_195 = arith.index_cast %parallel_loop3A_15 : i32 to index
      %parallel_loop3A_196 = arith.constant 160 : index
      %parallel_loop3A_197 = tpu.vector_load %arg10[%parallel_loop3A_195, %parallel_loop3A_196] {strides = array<i32>} : memref<64x768xf32, #tpu.memory_space<vmem>>, vector<1x16xf32>,
      %parallel_loop3A_198 = vector.shape_cast %parallel_loop3A_197 : vector<1x16xf32> to vector<16xf32>
      %parallel_loop3A_199 = vector.shape_cast %parallel_loop3A_194 : vector<16xf32> to vector<1x16xf32>
      tpu.vector_store %arg10[%parallel_loop3A_195, %parallel_loop3A_196], %parallel_loop3A_199 {strides = array<i32>} : memref<64x768xf32, #tpu.memory_space<vmem>>, vector<1x16xf32>,
      %parallel_loop3A_200 = arith.index_cast %parallel_loop3A_15 : i32 to index
      %parallel_loop3A_201 = arith.constant 176 : index
      %parallel_loop3A_202 = tpu.vector_load %arg10[%parallel_loop3A_200, %parallel_loop3A_201] {strides = array<i32>} : memref<64x768xf32, #tpu.memory_space<vmem>>, vector<1x16xf32>,
      %parallel_loop3A_203 = vector.shape_cast %parallel_loop3A_202 : vector<1x16xf32> to vector<16xf32>
      %parallel_loop3A_204 = arith.mulf %parallel_loop3A_19, %parallel_loop3A_203 : vector<16xf32>
      %parallel_loop3A_205 = arith.index_cast %parallel_loop3A_15 : i32 to index
      %parallel_loop3A_206 = arith.constant 176 : index
      %parallel_loop3A_207 = tpu.vector_load %arg11[%parallel_loop3A_205, %parallel_loop3A_206] {strides = array<i32>} : memref<64x768xf32, #tpu.memory_space<vmem>>, vector<1x16xf32>,
      %parallel_loop3A_208 = vector.shape_cast %parallel_loop3A_207 : vector<1x16xf32> to vector<16xf32>
      %parallel_loop3A_209 = arith.mulf %parallel_loop3A_23, %parallel_loop3A_208 : vector<16xf32>
      %parallel_loop3A_210 = arith.addf %parallel_loop3A_204, %parallel_loop3A_209 : vector<16xf32>
      %parallel_loop3A_211 = arith.index_cast %parallel_loop3A_15 : i32 to index
      %parallel_loop3A_212 = arith.constant 176 : index
      %parallel_loop3A_213 = tpu.vector_load %arg10[%parallel_loop3A_211, %parallel_loop3A_212] {strides = array<i32>} : memref<64x768xf32, #tpu.memory_space<vmem>>, vector<1x16xf32>,
      %parallel_loop3A_214 = vector.shape_cast %parallel_loop3A_213 : vector<1x16xf32> to vector<16xf32>
      %parallel_loop3A_215 = vector.shape_cast %parallel_loop3A_210 : vector<16xf32> to vector<1x16xf32>
      tpu.vector_store %arg10[%parallel_loop3A_211, %parallel_loop3A_212], %parallel_loop3A_215 {strides = array<i32>} : memref<64x768xf32, #tpu.memory_space<vmem>>, vector<1x16xf32>,
      %parallel_loop3A_216 = arith.index_cast %parallel_loop3A_15 : i32 to index
      %parallel_loop3A_217 = arith.constant 192 : index
      %parallel_loop3A_218 = tpu.vector_load %arg10[%parallel_loop3A_216, %parallel_loop3A_217] {strides = array<i32>} : memref<64x768xf32, #tpu.memory_space<vmem>>, vector<1x16xf32>,
      %parallel_loop3A_219 = vector.shape_cast %parallel_loop3A_218 : vector<1x16xf32> to vector<16xf32>
      %parallel_loop3A_220 = arith.mulf %parallel_loop3A_19, %parallel_loop3A_219 : vector<16xf32>
      %parallel_loop3A_221 = arith.index_cast %parallel_loop3A_15 : i32 to index
      %parallel_loop3A_222 = arith.constant 192 : index
      %parallel_loop3A_223 = tpu.vector_load %arg11[%parallel_loop3A_221, %parallel_loop3A_222] {strides = array<i32>} : memref<64x768xf32, #tpu.memory_space<vmem>>, vector<1x16xf32>,
      %parallel_loop3A_224 = vector.shape_cast %parallel_loop3A_223 : vector<1x16xf32> to vector<16xf32>
      %parallel_loop3A_225 = arith.mulf %parallel_loop3A_23, %parallel_loop3A_224 : vector<16xf32>
      %parallel_loop3A_226 = arith.addf %parallel_loop3A_220, %parallel_loop3A_225 : vector<16xf32>
      %parallel_loop3A_227 = arith.index_cast %parallel_loop3A_15 : i32 to index
      %parallel_loop3A_228 = arith.constant 192 : index
      %parallel_loop3A_229 = tpu.vector_load %arg10[%parallel_loop3A_227, %parallel_loop3A_228] {strides = array<i32>} : memref<64x768xf32, #tpu.memory_space<vmem>>, vector<1x16xf32>,
      %parallel_loop3A_230 = vector.shape_cast %parallel_loop3A_229 : vector<1x16xf32> to vector<16xf32>
      %parallel_loop3A_231 = vector.shape_cast %parallel_loop3A_226 : vector<16xf32> to vector<1x16xf32>
      tpu.vector_store %arg10[%parallel_loop3A_227, %parallel_loop3A_228], %parallel_loop3A_231 {strides = array<i32>} : memref<64x768xf32, #tpu.memory_space<vmem>>, vector<1x16xf32>,
      %parallel_loop3A_232 = arith.index_cast %parallel_loop3A_15 : i32 to index
      %parallel_loop3A_233 = arith.constant 208 : index
      %parallel_loop3A_234 = tpu.vector_load %arg10[%parallel_loop3A_232, %parallel_loop3A_233] {strides = array<i32>} : memref<64x768xf32, #tpu.memory_space<vmem>>, vector<1x16xf32>,
      %parallel_loop3A_235 = vector.shape_cast %parallel_loop3A_234 : vector<1x16xf32> to vector<16xf32>
      %parallel_loop3A_236 = arith.mulf %parallel_loop3A_19, %parallel_loop3A_235 : vector<16xf32>
      %parallel_loop3A_237 = arith.index_cast %parallel_loop3A_15 : i32 to index
      %parallel_loop3A_238 = arith.constant 208 : index
      %parallel_loop3A_239 = tpu.vector_load %arg11[%parallel_loop3A_237, %parallel_loop3A_238] {strides = array<i32>} : memref<64x768xf32, #tpu.memory_space<vmem>>, vector<1x16xf32>,
      %parallel_loop3A_240 = vector.shape_cast %parallel_loop3A_239 : vector<1x16xf32> to vector<16xf32>
      %parallel_loop3A_241 = arith.mulf %parallel_loop3A_23, %parallel_loop3A_240 : vector<16xf32>
      %parallel_loop3A_242 = arith.addf %parallel_loop3A_236, %parallel_loop3A_241 : vector<16xf32>
      %parallel_loop3A_243 = arith.index_cast %parallel_loop3A_15 : i32 to index
      %parallel_loop3A_244 = arith.constant 208 : index
      %parallel_loop3A_245 = tpu.vector_load %arg10[%parallel_loop3A_243, %parallel_loop3A_244] {strides = array<i32>} : memref<64x768xf32, #tpu.memory_space<vmem>>, vector<1x16xf32>,
      %parallel_loop3A_246 = vector.shape_cast %parallel_loop3A_245 : vector<1x16xf32> to vector<16xf32>
      %parallel_loop3A_247 = vector.shape_cast %parallel_loop3A_242 : vector<16xf32> to vector<1x16xf32>
      tpu.vector_store %arg10[%parallel_loop3A_243, %parallel_loop3A_244], %parallel_loop3A_247 {strides = array<i32>} : memref<64x768xf32, #tpu.memory_space<vmem>>, vector<1x16xf32>,
      %parallel_loop3A_248 = arith.index_cast %parallel_loop3A_15 : i32 to index
      %parallel_loop3A_249 = arith.constant 224 : index
      %parallel_loop3A_250 = tpu.vector_load %arg10[%parallel_loop3A_248, %parallel_loop3A_249] {strides = array<i32>} : memref<64x768xf32, #tpu.memory_space<vmem>>, vector<1x16xf32>,
      %parallel_loop3A_251 = vector.shape_cast %parallel_loop3A_250 : vector<1x16xf32> to vector<16xf32>
      %parallel_loop3A_252 = arith.mulf %parallel_loop3A_19, %parallel_loop3A_251 : vector<16xf32>
      %parallel_loop3A_253 = arith.index_cast %parallel_loop3A_15 : i32 to index
      %parallel_loop3A_254 = arith.constant 224 : index
      %parallel_loop3A_255 = tpu.vector_load %arg11[%parallel_loop3A_253, %parallel_loop3A_254] {strides = array<i32>} : memref<64x768xf32, #tpu.memory_space<vmem>>, vector<1x16xf32>,
      %parallel_loop3A_256 = vector.shape_cast %parallel_loop3A_255 : vector<1x16xf32> to vector<16xf32>
      %parallel_loop3A_257 = arith.mulf %parallel_loop3A_23, %parallel_loop3A_256 : vector<16xf32>
      %parallel_loop3A_258 = arith.addf %parallel_loop3A_252, %parallel_loop3A_257 : vector<16xf32>
      %parallel_loop3A_259 = arith.index_cast %parallel_loop3A_15 : i32 to index
      %parallel_loop3A_260 = arith.constant 224 : index
      %parallel_loop3A_261 = tpu.vector_load %arg10[%parallel_loop3A_259, %parallel_loop3A_260] {strides = array<i32>} : memref<64x768xf32, #tpu.memory_space<vmem>>, vector<1x16xf32>,
      %parallel_loop3A_262 = vector.shape_cast %parallel_loop3A_261 : vector<1x16xf32> to vector<16xf32>
      %parallel_loop3A_263 = vector.shape_cast %parallel_loop3A_258 : vector<16xf32> to vector<1x16xf32>
      tpu.vector_store %arg10[%parallel_loop3A_259, %parallel_loop3A_260], %parallel_loop3A_263 {strides = array<i32>} : memref<64x768xf32, #tpu.memory_space<vmem>>, vector<1x16xf32>,
      %parallel_loop3A_264 = arith.index_cast %parallel_loop3A_15 : i32 to index
      %parallel_loop3A_265 = arith.constant 240 : index
      %parallel_loop3A_266 = tpu.vector_load %arg10[%parallel_loop3A_264, %parallel_loop3A_265] {strides = array<i32>} : memref<64x768xf32, #tpu.memory_space<vmem>>, vector<1x16xf32>,
      %parallel_loop3A_267 = vector.shape_cast %parallel_loop3A_266 : vector<1x16xf32> to vector<16xf32>
      %parallel_loop3A_268 = arith.mulf %parallel_loop3A_19, %parallel_loop3A_267 : vector<16xf32>
      %parallel_loop3A_269 = arith.index_cast %parallel_loop3A_15 : i32 to index
      %parallel_loop3A_270 = arith.constant 240 : index
      %parallel_loop3A_271 = tpu.vector_load %arg11[%parallel_loop3A_269, %parallel_loop3A_270] {strides = array<i32>} : memref<64x768xf32, #tpu.memory_space<vmem>>, vector<1x16xf32>,
      %parallel_loop3A_272 = vector.shape_cast %parallel_loop3A_271 : vector<1x16xf32> to vector<16xf32>
      %parallel_loop3A_273 = arith.mulf %parallel_loop3A_23, %parallel_loop3A_272 : vector<16xf32>
      %parallel_loop3A_274 = arith.addf %parallel_loop3A_268, %parallel_loop3A_273 : vector<16xf32>
      %parallel_loop3A_275 = arith.index_cast %parallel_loop3A_15 : i32 to index
      %parallel_loop3A_276 = arith.constant 240 : index
      %parallel_loop3A_277 = tpu.vector_load %arg10[%parallel_loop3A_275, %parallel_loop3A_276] {strides = array<i32>} : memref<64x768xf32, #tpu.memory_space<vmem>>, vector<1x16xf32>,
      %parallel_loop3A_278 = vector.shape_cast %parallel_loop3A_277 : vector<1x16xf32> to vector<16xf32>
      %parallel_loop3A_279 = vector.shape_cast %parallel_loop3A_274 : vector<16xf32> to vector<1x16xf32>
      tpu.vector_store %arg10[%parallel_loop3A_275, %parallel_loop3A_276], %parallel_loop3A_279 {strides = array<i32>} : memref<64x768xf32, #tpu.memory_space<vmem>>, vector<1x16xf32>,
      %parallel_loop3A_280 = arith.index_cast %parallel_loop3A_15 : i32 to index
      %parallel_loop3A_281 = arith.constant 256 : index
      %parallel_loop3A_282 = tpu.vector_load %arg10[%parallel_loop3A_280, %parallel_loop3A_281] {strides = array<i32>} : memref<64x768xf32, #tpu.memory_space<vmem>>, vector<1x16xf32>,
      %parallel_loop3A_283 = vector.shape_cast %parallel_loop3A_282 : vector<1x16xf32> to vector<16xf32>
      %parallel_loop3A_284 = arith.mulf %parallel_loop3A_19, %parallel_loop3A_283 : vector<16xf32>
      %parallel_loop3A_285 = arith.index_cast %parallel_loop3A_15 : i32 to index
      %parallel_loop3A_286 = arith.constant 256 : index
      %parallel_loop3A_287 = tpu.vector_load %arg11[%parallel_loop3A_285, %parallel_loop3A_286] {strides = array<i32>} : memref<64x768xf32, #tpu.memory_space<vmem>>, vector<1x16xf32>,
      %parallel_loop3A_288 = vector.shape_cast %parallel_loop3A_287 : vector<1x16xf32> to vector<16xf32>
      %parallel_loop3A_289 = arith.mulf %parallel_loop3A_23, %parallel_loop3A_288 : vector<16xf32>
      %parallel_loop3A_290 = arith.addf %parallel_loop3A_284, %parallel_loop3A_289 : vector<16xf32>
      %parallel_loop3A_291 = arith.index_cast %parallel_loop3A_15 : i32 to index
      %parallel_loop3A_292 = arith.constant 256 : index
      %parallel_loop3A_293 = tpu.vector_load %arg10[%parallel_loop3A_291, %parallel_loop3A_292] {strides = array<i32>} : memref<64x768xf32, #tpu.memory_space<vmem>>, vector<1x16xf32>,
      %parallel_loop3A_294 = vector.shape_cast %parallel_loop3A_293 : vector<1x16xf32> to vector<16xf32>
      %parallel_loop3A_295 = vector.shape_cast %parallel_loop3A_290 : vector<16xf32> to vector<1x16xf32>
      tpu.vector_store %arg10[%parallel_loop3A_291, %parallel_loop3A_292], %parallel_loop3A_295 {strides = array<i32>} : memref<64x768xf32, #tpu.memory_space<vmem>>, vector<1x16xf32>,
      %parallel_loop3A_296 = arith.index_cast %parallel_loop3A_15 : i32 to index
      %parallel_loop3A_297 = arith.constant 272 : index
      %parallel_loop3A_298 = tpu.vector_load %arg10[%parallel_loop3A_296, %parallel_loop3A_297] {strides = array<i32>} : memref<64x768xf32, #tpu.memory_space<vmem>>, vector<1x16xf32>,
      %parallel_loop3A_299 = vector.shape_cast %parallel_loop3A_298 : vector<1x16xf32> to vector<16xf32>
      %parallel_loop3A_300 = arith.mulf %parallel_loop3A_19, %parallel_loop3A_299 : vector<16xf32>
      %parallel_loop3A_301 = arith.index_cast %parallel_loop3A_15 : i32 to index
      %parallel_loop3A_302 = arith.constant 272 : index
      %parallel_loop3A_303 = tpu.vector_load %arg11[%parallel_loop3A_301, %parallel_loop3A_302] {strides = array<i32>} : memref<64x768xf32, #tpu.memory_space<vmem>>, vector<1x16xf32>,
      %parallel_loop3A_304 = vector.shape_cast %parallel_loop3A_303 : vector<1x16xf32> to vector<16xf32>
      %parallel_loop3A_305 = arith.mulf %parallel_loop3A_23, %parallel_loop3A_304 : vector<16xf32>
      %parallel_loop3A_306 = arith.addf %parallel_loop3A_300, %parallel_loop3A_305 : vector<16xf32>
      %parallel_loop3A_307 = arith.index_cast %parallel_loop3A_15 : i32 to index
      %parallel_loop3A_308 = arith.constant 272 : index
      %parallel_loop3A_309 = tpu.vector_load %arg10[%parallel_loop3A_307, %parallel_loop3A_308] {strides = array<i32>} : memref<64x768xf32, #tpu.memory_space<vmem>>, vector<1x16xf32>,
      %parallel_loop3A_310 = vector.shape_cast %parallel_loop3A_309 : vector<1x16xf32> to vector<16xf32>
      %parallel_loop3A_311 = vector.shape_cast %parallel_loop3A_306 : vector<16xf32> to vector<1x16xf32>
      tpu.vector_store %arg10[%parallel_loop3A_307, %parallel_loop3A_308], %parallel_loop3A_311 {strides = array<i32>} : memref<64x768xf32, #tpu.memory_space<vmem>>, vector<1x16xf32>,
      %parallel_loop3A_312 = arith.index_cast %parallel_loop3A_15 : i32 to index
      %parallel_loop3A_313 = arith.constant 288 : index
      %parallel_loop3A_314 = tpu.vector_load %arg10[%parallel_loop3A_312, %parallel_loop3A_313] {strides = array<i32>} : memref<64x768xf32, #tpu.memory_space<vmem>>, vector<1x16xf32>,
      %parallel_loop3A_315 = vector.shape_cast %parallel_loop3A_314 : vector<1x16xf32> to vector<16xf32>
      %parallel_loop3A_316 = arith.mulf %parallel_loop3A_19, %parallel_loop3A_315 : vector<16xf32>
      %parallel_loop3A_317 = arith.index_cast %parallel_loop3A_15 : i32 to index
      %parallel_loop3A_318 = arith.constant 288 : index
      %parallel_loop3A_319 = tpu.vector_load %arg11[%parallel_loop3A_317, %parallel_loop3A_318] {strides = array<i32>} : memref<64x768xf32, #tpu.memory_space<vmem>>, vector<1x16xf32>,
      %parallel_loop3A_320 = vector.shape_cast %parallel_loop3A_319 : vector<1x16xf32> to vector<16xf32>
      %parallel_loop3A_321 = arith.mulf %parallel_loop3A_23, %parallel_loop3A_320 : vector<16xf32>
      %parallel_loop3A_322 = arith.addf %parallel_loop3A_316, %parallel_loop3A_321 : vector<16xf32>
      %parallel_loop3A_323 = arith.index_cast %parallel_loop3A_15 : i32 to index
      %parallel_loop3A_324 = arith.constant 288 : index
      %parallel_loop3A_325 = tpu.vector_load %arg10[%parallel_loop3A_323, %parallel_loop3A_324] {strides = array<i32>} : memref<64x768xf32, #tpu.memory_space<vmem>>, vector<1x16xf32>,
      %parallel_loop3A_326 = vector.shape_cast %parallel_loop3A_325 : vector<1x16xf32> to vector<16xf32>
      %parallel_loop3A_327 = vector.shape_cast %parallel_loop3A_322 : vector<16xf32> to vector<1x16xf32>
      tpu.vector_store %arg10[%parallel_loop3A_323, %parallel_loop3A_324], %parallel_loop3A_327 {strides = array<i32>} : memref<64x768xf32, #tpu.memory_space<vmem>>, vector<1x16xf32>,
      %parallel_loop3A_328 = arith.index_cast %parallel_loop3A_15 : i32 to index
      %parallel_loop3A_329 = arith.constant 304 : index
      %parallel_loop3A_330 = tpu.vector_load %arg10[%parallel_loop3A_328, %parallel_loop3A_329] {strides = array<i32>} : memref<64x768xf32, #tpu.memory_space<vmem>>, vector<1x16xf32>,
      %parallel_loop3A_331 = vector.shape_cast %parallel_loop3A_330 : vector<1x16xf32> to vector<16xf32>
      %parallel_loop3A_332 = arith.mulf %parallel_loop3A_19, %parallel_loop3A_331 : vector<16xf32>
      %parallel_loop3A_333 = arith.index_cast %parallel_loop3A_15 : i32 to index
      %parallel_loop3A_334 = arith.constant 304 : index
      %parallel_loop3A_335 = tpu.vector_load %arg11[%parallel_loop3A_333, %parallel_loop3A_334] {strides = array<i32>} : memref<64x768xf32, #tpu.memory_space<vmem>>, vector<1x16xf32>,
      %parallel_loop3A_336 = vector.shape_cast %parallel_loop3A_335 : vector<1x16xf32> to vector<16xf32>
      %parallel_loop3A_337 = arith.mulf %parallel_loop3A_23, %parallel_loop3A_336 : vector<16xf32>
      %parallel_loop3A_338 = arith.addf %parallel_loop3A_332, %parallel_loop3A_337 : vector<16xf32>
      %parallel_loop3A_339 = arith.index_cast %parallel_loop3A_15 : i32 to index
      %parallel_loop3A_340 = arith.constant 304 : index
      %parallel_loop3A_341 = tpu.vector_load %arg10[%parallel_loop3A_339, %parallel_loop3A_340] {strides = array<i32>} : memref<64x768xf32, #tpu.memory_space<vmem>>, vector<1x16xf32>,
      %parallel_loop3A_342 = vector.shape_cast %parallel_loop3A_341 : vector<1x16xf32> to vector<16xf32>
      %parallel_loop3A_343 = vector.shape_cast %parallel_loop3A_338 : vector<16xf32> to vector<1x16xf32>
      tpu.vector_store %arg10[%parallel_loop3A_339, %parallel_loop3A_340], %parallel_loop3A_343 {strides = array<i32>} : memref<64x768xf32, #tpu.memory_space<vmem>>, vector<1x16xf32>,
      %parallel_loop3A_344 = arith.index_cast %parallel_loop3A_15 : i32 to index
      %parallel_loop3A_345 = arith.constant 320 : index
      %parallel_loop3A_346 = tpu.vector_load %arg10[%parallel_loop3A_344, %parallel_loop3A_345] {strides = array<i32>} : memref<64x768xf32, #tpu.memory_space<vmem>>, vector<1x16xf32>,
      %parallel_loop3A_347 = vector.shape_cast %parallel_loop3A_346 : vector<1x16xf32> to vector<16xf32>
      %parallel_loop3A_348 = arith.mulf %parallel_loop3A_19, %parallel_loop3A_347 : vector<16xf32>
      %parallel_loop3A_349 = arith.index_cast %parallel_loop3A_15 : i32 to index
      %parallel_loop3A_350 = arith.constant 320 : index
      %parallel_loop3A_351 = tpu.vector_load %arg11[%parallel_loop3A_349, %parallel_loop3A_350] {strides = array<i32>} : memref<64x768xf32, #tpu.memory_space<vmem>>, vector<1x16xf32>,
      %parallel_loop3A_352 = vector.shape_cast %parallel_loop3A_351 : vector<1x16xf32> to vector<16xf32>
      %parallel_loop3A_353 = arith.mulf %parallel_loop3A_23, %parallel_loop3A_352 : vector<16xf32>
      %parallel_loop3A_354 = arith.addf %parallel_loop3A_348, %parallel_loop3A_353 : vector<16xf32>
      %parallel_loop3A_355 = arith.index_cast %parallel_loop3A_15 : i32 to index
      %parallel_loop3A_356 = arith.constant 320 : index
      %parallel_loop3A_357 = tpu.vector_load %arg10[%parallel_loop3A_355, %parallel_loop3A_356] {strides = array<i32>} : memref<64x768xf32, #tpu.memory_space<vmem>>, vector<1x16xf32>,
      %parallel_loop3A_358 = vector.shape_cast %parallel_loop3A_357 : vector<1x16xf32> to vector<16xf32>
      %parallel_loop3A_359 = vector.shape_cast %parallel_loop3A_354 : vector<16xf32> to vector<1x16xf32>
      tpu.vector_store %arg10[%parallel_loop3A_355, %parallel_loop3A_356], %parallel_loop3A_359 {strides = array<i32>} : memref<64x768xf32, #tpu.memory_space<vmem>>, vector<1x16xf32>,
      %parallel_loop3A_360 = arith.index_cast %parallel_loop3A_15 : i32 to index
      %parallel_loop3A_361 = arith.constant 336 : index
      %parallel_loop3A_362 = tpu.vector_load %arg10[%parallel_loop3A_360, %parallel_loop3A_361] {strides = array<i32>} : memref<64x768xf32, #tpu.memory_space<vmem>>, vector<1x16xf32>,
      %parallel_loop3A_363 = vector.shape_cast %parallel_loop3A_362 : vector<1x16xf32> to vector<16xf32>
      %parallel_loop3A_364 = arith.mulf %parallel_loop3A_19, %parallel_loop3A_363 : vector<16xf32>
      %parallel_loop3A_365 = arith.index_cast %parallel_loop3A_15 : i32 to index
      %parallel_loop3A_366 = arith.constant 336 : index
      %parallel_loop3A_367 = tpu.vector_load %arg11[%parallel_loop3A_365, %parallel_loop3A_366] {strides = array<i32>} : memref<64x768xf32, #tpu.memory_space<vmem>>, vector<1x16xf32>,
      %parallel_loop3A_368 = vector.shape_cast %parallel_loop3A_367 : vector<1x16xf32> to vector<16xf32>
      %parallel_loop3A_369 = arith.mulf %parallel_loop3A_23, %parallel_loop3A_368 : vector<16xf32>
      %parallel_loop3A_370 = arith.addf %parallel_loop3A_364, %parallel_loop3A_369 : vector<16xf32>
      %parallel_loop3A_371 = arith.index_cast %parallel_loop3A_15 : i32 to index
      %parallel_loop3A_372 = arith.constant 336 : index
      %parallel_loop3A_373 = tpu.vector_load %arg10[%parallel_loop3A_371, %parallel_loop3A_372] {strides = array<i32>} : memref<64x768xf32, #tpu.memory_space<vmem>>, vector<1x16xf32>,
      %parallel_loop3A_374 = vector.shape_cast %parallel_loop3A_373 : vector<1x16xf32> to vector<16xf32>
      %parallel_loop3A_375 = vector.shape_cast %parallel_loop3A_370 : vector<16xf32> to vector<1x16xf32>
      tpu.vector_store %arg10[%parallel_loop3A_371, %parallel_loop3A_372], %parallel_loop3A_375 {strides = array<i32>} : memref<64x768xf32, #tpu.memory_space<vmem>>, vector<1x16xf32>,
      %parallel_loop3A_376 = arith.index_cast %parallel_loop3A_15 : i32 to index
      %parallel_loop3A_377 = arith.constant 352 : index
      %parallel_loop3A_378 = tpu.vector_load %arg10[%parallel_loop3A_376, %parallel_loop3A_377] {strides = array<i32>} : memref<64x768xf32, #tpu.memory_space<vmem>>, vector<1x16xf32>,
      %parallel_loop3A_379 = vector.shape_cast %parallel_loop3A_378 : vector<1x16xf32> to vector<16xf32>
      %parallel_loop3A_380 = arith.mulf %parallel_loop3A_19, %parallel_loop3A_379 : vector<16xf32>
      %parallel_loop3A_381 = arith.index_cast %parallel_loop3A_15 : i32 to index
      %parallel_loop3A_382 = arith.constant 352 : index
      %parallel_loop3A_383 = tpu.vector_load %arg11[%parallel_loop3A_381, %parallel_loop3A_382] {strides = array<i32>} : memref<64x768xf32, #tpu.memory_space<vmem>>, vector<1x16xf32>,
      %parallel_loop3A_384 = vector.shape_cast %parallel_loop3A_383 : vector<1x16xf32> to vector<16xf32>
      %parallel_loop3A_385 = arith.mulf %parallel_loop3A_23, %parallel_loop3A_384 : vector<16xf32>
      %parallel_loop3A_386 = arith.addf %parallel_loop3A_380, %parallel_loop3A_385 : vector<16xf32>
      %parallel_loop3A_387 = arith.index_cast %parallel_loop3A_15 : i32 to index
      %parallel_loop3A_388 = arith.constant 352 : index
      %parallel_loop3A_389 = tpu.vector_load %arg10[%parallel_loop3A_387, %parallel_loop3A_388] {strides = array<i32>} : memref<64x768xf32, #tpu.memory_space<vmem>>, vector<1x16xf32>,
      %parallel_loop3A_390 = vector.shape_cast %parallel_loop3A_389 : vector<1x16xf32> to vector<16xf32>
      %parallel_loop3A_391 = vector.shape_cast %parallel_loop3A_386 : vector<16xf32> to vector<1x16xf32>
      tpu.vector_store %arg10[%parallel_loop3A_387, %parallel_loop3A_388], %parallel_loop3A_391 {strides = array<i32>} : memref<64x768xf32, #tpu.memory_space<vmem>>, vector<1x16xf32>,
      %parallel_loop3A_392 = arith.index_cast %parallel_loop3A_15 : i32 to index
      %parallel_loop3A_393 = arith.constant 368 : index
      %parallel_loop3A_394 = tpu.vector_load %arg10[%parallel_loop3A_392, %parallel_loop3A_393] {strides = array<i32>} : memref<64x768xf32, #tpu.memory_space<vmem>>, vector<1x16xf32>,
      %parallel_loop3A_395 = vector.shape_cast %parallel_loop3A_394 : vector<1x16xf32> to vector<16xf32>
      %parallel_loop3A_396 = arith.mulf %parallel_loop3A_19, %parallel_loop3A_395 : vector<16xf32>
      %parallel_loop3A_397 = arith.index_cast %parallel_loop3A_15 : i32 to index
      %parallel_loop3A_398 = arith.constant 368 : index
      %parallel_loop3A_399 = tpu.vector_load %arg11[%parallel_loop3A_397, %parallel_loop3A_398] {strides = array<i32>} : memref<64x768xf32, #tpu.memory_space<vmem>>, vector<1x16xf32>,
      %parallel_loop3A_400 = vector.shape_cast %parallel_loop3A_399 : vector<1x16xf32> to vector<16xf32>
      %parallel_loop3A_401 = arith.mulf %parallel_loop3A_23, %parallel_loop3A_400 : vector<16xf32>
      %parallel_loop3A_402 = arith.addf %parallel_loop3A_396, %parallel_loop3A_401 : vector<16xf32>
      %parallel_loop3A_403 = arith.index_cast %parallel_loop3A_15 : i32 to index
      %parallel_loop3A_404 = arith.constant 368 : index
      %parallel_loop3A_405 = tpu.vector_load %arg10[%parallel_loop3A_403, %parallel_loop3A_404] {strides = array<i32>} : memref<64x768xf32, #tpu.memory_space<vmem>>, vector<1x16xf32>,
      %parallel_loop3A_406 = vector.shape_cast %parallel_loop3A_405 : vector<1x16xf32> to vector<16xf32>
      %parallel_loop3A_407 = vector.shape_cast %parallel_loop3A_402 : vector<16xf32> to vector<1x16xf32>
      tpu.vector_store %arg10[%parallel_loop3A_403, %parallel_loop3A_404], %parallel_loop3A_407 {strides = array<i32>} : memref<64x768xf32, #tpu.memory_space<vmem>>, vector<1x16xf32>,
      %parallel_loop3A_408 = arith.index_cast %parallel_loop3A_15 : i32 to index
      %parallel_loop3A_409 = arith.constant 384 : index
      %parallel_loop3A_410 = tpu.vector_load %arg10[%parallel_loop3A_408, %parallel_loop3A_409] {strides = array<i32>} : memref<64x768xf32, #tpu.memory_space<vmem>>, vector<1x16xf32>,
      %parallel_loop3A_411 = vector.shape_cast %parallel_loop3A_410 : vector<1x16xf32> to vector<16xf32>
      %parallel_loop3A_412 = arith.mulf %parallel_loop3A_19, %parallel_loop3A_411 : vector<16xf32>
      %parallel_loop3A_413 = arith.index_cast %parallel_loop3A_15 : i32 to index
      %parallel_loop3A_414 = arith.constant 384 : index
      %parallel_loop3A_415 = tpu.vector_load %arg11[%parallel_loop3A_413, %parallel_loop3A_414] {strides = array<i32>} : memref<64x768xf32, #tpu.memory_space<vmem>>, vector<1x16xf32>,
      %parallel_loop3A_416 = vector.shape_cast %parallel_loop3A_415 : vector<1x16xf32> to vector<16xf32>
      %parallel_loop3A_417 = arith.mulf %parallel_loop3A_23, %parallel_loop3A_416 : vector<16xf32>
      %parallel_loop3A_418 = arith.addf %parallel_loop3A_412, %parallel_loop3A_417 : vector<16xf32>
      %parallel_loop3A_419 = arith.index_cast %parallel_loop3A_15 : i32 to index
      %parallel_loop3A_420 = arith.constant 384 : index
      %parallel_loop3A_421 = tpu.vector_load %arg10[%parallel_loop3A_419, %parallel_loop3A_420] {strides = array<i32>} : memref<64x768xf32, #tpu.memory_space<vmem>>, vector<1x16xf32>,
      %parallel_loop3A_422 = vector.shape_cast %parallel_loop3A_421 : vector<1x16xf32> to vector<16xf32>
      %parallel_loop3A_423 = vector.shape_cast %parallel_loop3A_418 : vector<16xf32> to vector<1x16xf32>
      tpu.vector_store %arg10[%parallel_loop3A_419, %parallel_loop3A_420], %parallel_loop3A_423 {strides = array<i32>} : memref<64x768xf32, #tpu.memory_space<vmem>>, vector<1x16xf32>,
      %parallel_loop3A_424 = arith.index_cast %parallel_loop3A_15 : i32 to index
      %parallel_loop3A_425 = arith.constant 400 : index
      %parallel_loop3A_426 = tpu.vector_load %arg10[%parallel_loop3A_424, %parallel_loop3A_425] {strides = array<i32>} : memref<64x768xf32, #tpu.memory_space<vmem>>, vector<1x16xf32>,
      %parallel_loop3A_427 = vector.shape_cast %parallel_loop3A_426 : vector<1x16xf32> to vector<16xf32>
      %parallel_loop3A_428 = arith.mulf %parallel_loop3A_19, %parallel_loop3A_427 : vector<16xf32>
      %parallel_loop3A_429 = arith.index_cast %parallel_loop3A_15 : i32 to index
      %parallel_loop3A_430 = arith.constant 400 : index
      %parallel_loop3A_431 = tpu.vector_load %arg11[%parallel_loop3A_429, %parallel_loop3A_430] {strides = array<i32>} : memref<64x768xf32, #tpu.memory_space<vmem>>, vector<1x16xf32>,
      %parallel_loop3A_432 = vector.shape_cast %parallel_loop3A_431 : vector<1x16xf32> to vector<16xf32>
      %parallel_loop3A_433 = arith.mulf %parallel_loop3A_23, %parallel_loop3A_432 : vector<16xf32>
      %parallel_loop3A_434 = arith.addf %parallel_loop3A_428, %parallel_loop3A_433 : vector<16xf32>
      %parallel_loop3A_435 = arith.index_cast %parallel_loop3A_15 : i32 to index
      %parallel_loop3A_436 = arith.constant 400 : index
      %parallel_loop3A_437 = tpu.vector_load %arg10[%parallel_loop3A_435, %parallel_loop3A_436] {strides = array<i32>} : memref<64x768xf32, #tpu.memory_space<vmem>>, vector<1x16xf32>,
      %parallel_loop3A_438 = vector.shape_cast %parallel_loop3A_437 : vector<1x16xf32> to vector<16xf32>
      %parallel_loop3A_439 = vector.shape_cast %parallel_loop3A_434 : vector<16xf32> to vector<1x16xf32>
      tpu.vector_store %arg10[%parallel_loop3A_435, %parallel_loop3A_436], %parallel_loop3A_439 {strides = array<i32>} : memref<64x768xf32, #tpu.memory_space<vmem>>, vector<1x16xf32>,
      %parallel_loop3A_440 = arith.index_cast %parallel_loop3A_15 : i32 to index
      %parallel_loop3A_441 = arith.constant 416 : index
      %parallel_loop3A_442 = tpu.vector_load %arg10[%parallel_loop3A_440, %parallel_loop3A_441] {strides = array<i32>} : memref<64x768xf32, #tpu.memory_space<vmem>>, vector<1x16xf32>,
      %parallel_loop3A_443 = vector.shape_cast %parallel_loop3A_442 : vector<1x16xf32> to vector<16xf32>
      %parallel_loop3A_444 = arith.mulf %parallel_loop3A_19, %parallel_loop3A_443 : vector<16xf32>
      %parallel_loop3A_445 = arith.index_cast %parallel_loop3A_15 : i32 to index
      %parallel_loop3A_446 = arith.constant 416 : index
      %parallel_loop3A_447 = tpu.vector_load %arg11[%parallel_loop3A_445, %parallel_loop3A_446] {strides = array<i32>} : memref<64x768xf32, #tpu.memory_space<vmem>>, vector<1x16xf32>,
      %parallel_loop3A_448 = vector.shape_cast %parallel_loop3A_447 : vector<1x16xf32> to vector<16xf32>
      %parallel_loop3A_449 = arith.mulf %parallel_loop3A_23, %parallel_loop3A_448 : vector<16xf32>
      %parallel_loop3A_450 = arith.addf %parallel_loop3A_444, %parallel_loop3A_449 : vector<16xf32>
      %parallel_loop3A_451 = arith.index_cast %parallel_loop3A_15 : i32 to index
      %parallel_loop3A_452 = arith.constant 416 : index
      %parallel_loop3A_453 = tpu.vector_load %arg10[%parallel_loop3A_451, %parallel_loop3A_452] {strides = array<i32>} : memref<64x768xf32, #tpu.memory_space<vmem>>, vector<1x16xf32>,
      %parallel_loop3A_454 = vector.shape_cast %parallel_loop3A_453 : vector<1x16xf32> to vector<16xf32>
      %parallel_loop3A_455 = vector.shape_cast %parallel_loop3A_450 : vector<16xf32> to vector<1x16xf32>
      tpu.vector_store %arg10[%parallel_loop3A_451, %parallel_loop3A_452], %parallel_loop3A_455 {strides = array<i32>} : memref<64x768xf32, #tpu.memory_space<vmem>>, vector<1x16xf32>,
      %parallel_loop3A_456 = arith.index_cast %parallel_loop3A_15 : i32 to index
      %parallel_loop3A_457 = arith.constant 432 : index
      %parallel_loop3A_458 = tpu.vector_load %arg10[%parallel_loop3A_456, %parallel_loop3A_457] {strides = array<i32>} : memref<64x768xf32, #tpu.memory_space<vmem>>, vector<1x16xf32>,
      %parallel_loop3A_459 = vector.shape_cast %parallel_loop3A_458 : vector<1x16xf32> to vector<16xf32>
      %parallel_loop3A_460 = arith.mulf %parallel_loop3A_19, %parallel_loop3A_459 : vector<16xf32>
      %parallel_loop3A_461 = arith.index_cast %parallel_loop3A_15 : i32 to index
      %parallel_loop3A_462 = arith.constant 432 : index
      %parallel_loop3A_463 = tpu.vector_load %arg11[%parallel_loop3A_461, %parallel_loop3A_462] {strides = array<i32>} : memref<64x768xf32, #tpu.memory_space<vmem>>, vector<1x16xf32>,
      %parallel_loop3A_464 = vector.shape_cast %parallel_loop3A_463 : vector<1x16xf32> to vector<16xf32>
      %parallel_loop3A_465 = arith.mulf %parallel_loop3A_23, %parallel_loop3A_464 : vector<16xf32>
      %parallel_loop3A_466 = arith.addf %parallel_loop3A_460, %parallel_loop3A_465 : vector<16xf32>
      %parallel_loop3A_467 = arith.index_cast %parallel_loop3A_15 : i32 to index
      %parallel_loop3A_468 = arith.constant 432 : index
      %parallel_loop3A_469 = tpu.vector_load %arg10[%parallel_loop3A_467, %parallel_loop3A_468] {strides = array<i32>} : memref<64x768xf32, #tpu.memory_space<vmem>>, vector<1x16xf32>,
      %parallel_loop3A_470 = vector.shape_cast %parallel_loop3A_469 : vector<1x16xf32> to vector<16xf32>
      %parallel_loop3A_471 = vector.shape_cast %parallel_loop3A_466 : vector<16xf32> to vector<1x16xf32>
      tpu.vector_store %arg10[%parallel_loop3A_467, %parallel_loop3A_468], %parallel_loop3A_471 {strides = array<i32>} : memref<64x768xf32, #tpu.memory_space<vmem>>, vector<1x16xf32>,
      %parallel_loop3A_472 = arith.index_cast %parallel_loop3A_15 : i32 to index
      %parallel_loop3A_473 = arith.constant 448 : index
      %parallel_loop3A_474 = tpu.vector_load %arg10[%parallel_loop3A_472, %parallel_loop3A_473] {strides = array<i32>} : memref<64x768xf32, #tpu.memory_space<vmem>>, vector<1x16xf32>,
      %parallel_loop3A_475 = vector.shape_cast %parallel_loop3A_474 : vector<1x16xf32> to vector<16xf32>
      %parallel_loop3A_476 = arith.mulf %parallel_loop3A_19, %parallel_loop3A_475 : vector<16xf32>
      %parallel_loop3A_477 = arith.index_cast %parallel_loop3A_15 : i32 to index
      %parallel_loop3A_478 = arith.constant 448 : index
      %parallel_loop3A_479 = tpu.vector_load %arg11[%parallel_loop3A_477, %parallel_loop3A_478] {strides = array<i32>} : memref<64x768xf32, #tpu.memory_space<vmem>>, vector<1x16xf32>,
      %parallel_loop3A_480 = vector.shape_cast %parallel_loop3A_479 : vector<1x16xf32> to vector<16xf32>
      %parallel_loop3A_481 = arith.mulf %parallel_loop3A_23, %parallel_loop3A_480 : vector<16xf32>
      %parallel_loop3A_482 = arith.addf %parallel_loop3A_476, %parallel_loop3A_481 : vector<16xf32>
      %parallel_loop3A_483 = arith.index_cast %parallel_loop3A_15 : i32 to index
      %parallel_loop3A_484 = arith.constant 448 : index
      %parallel_loop3A_485 = tpu.vector_load %arg10[%parallel_loop3A_483, %parallel_loop3A_484] {strides = array<i32>} : memref<64x768xf32, #tpu.memory_space<vmem>>, vector<1x16xf32>,
      %parallel_loop3A_486 = vector.shape_cast %parallel_loop3A_485 : vector<1x16xf32> to vector<16xf32>
      %parallel_loop3A_487 = vector.shape_cast %parallel_loop3A_482 : vector<16xf32> to vector<1x16xf32>
      tpu.vector_store %arg10[%parallel_loop3A_483, %parallel_loop3A_484], %parallel_loop3A_487 {strides = array<i32>} : memref<64x768xf32, #tpu.memory_space<vmem>>, vector<1x16xf32>,
      %parallel_loop3A_488 = arith.index_cast %parallel_loop3A_15 : i32 to index
      %parallel_loop3A_489 = arith.constant 464 : index
      %parallel_loop3A_490 = tpu.vector_load %arg10[%parallel_loop3A_488, %parallel_loop3A_489] {strides = array<i32>} : memref<64x768xf32, #tpu.memory_space<vmem>>, vector<1x16xf32>,
      %parallel_loop3A_491 = vector.shape_cast %parallel_loop3A_490 : vector<1x16xf32> to vector<16xf32>
      %parallel_loop3A_492 = arith.mulf %parallel_loop3A_19, %parallel_loop3A_491 : vector<16xf32>
      %parallel_loop3A_493 = arith.index_cast %parallel_loop3A_15 : i32 to index
      %parallel_loop3A_494 = arith.constant 464 : index
      %parallel_loop3A_495 = tpu.vector_load %arg11[%parallel_loop3A_493, %parallel_loop3A_494] {strides = array<i32>} : memref<64x768xf32, #tpu.memory_space<vmem>>, vector<1x16xf32>,
      %parallel_loop3A_496 = vector.shape_cast %parallel_loop3A_495 : vector<1x16xf32> to vector<16xf32>
      %parallel_loop3A_497 = arith.mulf %parallel_loop3A_23, %parallel_loop3A_496 : vector<16xf32>
      %parallel_loop3A_498 = arith.addf %parallel_loop3A_492, %parallel_loop3A_497 : vector<16xf32>
      %parallel_loop3A_499 = arith.index_cast %parallel_loop3A_15 : i32 to index
      %parallel_loop3A_500 = arith.constant 464 : index
      %parallel_loop3A_501 = tpu.vector_load %arg10[%parallel_loop3A_499, %parallel_loop3A_500] {strides = array<i32>} : memref<64x768xf32, #tpu.memory_space<vmem>>, vector<1x16xf32>,
      %parallel_loop3A_502 = vector.shape_cast %parallel_loop3A_501 : vector<1x16xf32> to vector<16xf32>
      %parallel_loop3A_503 = vector.shape_cast %parallel_loop3A_498 : vector<16xf32> to vector<1x16xf32>
      tpu.vector_store %arg10[%parallel_loop3A_499, %parallel_loop3A_500], %parallel_loop3A_503 {strides = array<i32>} : memref<64x768xf32, #tpu.memory_space<vmem>>, vector<1x16xf32>,
      %parallel_loop3A_504 = arith.index_cast %parallel_loop3A_15 : i32 to index
      %parallel_loop3A_505 = arith.constant 480 : index
      %parallel_loop3A_506 = tpu.vector_load %arg10[%parallel_loop3A_504, %parallel_loop3A_505] {strides = array<i32>} : memref<64x768xf32, #tpu.memory_space<vmem>>, vector<1x16xf32>,
      %parallel_loop3A_507 = vector.shape_cast %parallel_loop3A_506 : vector<1x16xf32> to vector<16xf32>
      %parallel_loop3A_508 = arith.mulf %parallel_loop3A_19, %parallel_loop3A_507 : vector<16xf32>
      %parallel_loop3A_509 = arith.index_cast %parallel_loop3A_15 : i32 to index
      %parallel_loop3A_510 = arith.constant 480 : index
      %parallel_loop3A_511 = tpu.vector_load %arg11[%parallel_loop3A_509, %parallel_loop3A_510] {strides = array<i32>} : memref<64x768xf32, #tpu.memory_space<vmem>>, vector<1x16xf32>,
      %parallel_loop3A_512 = vector.shape_cast %parallel_loop3A_511 : vector<1x16xf32> to vector<16xf32>
      %parallel_loop3A_513 = arith.mulf %parallel_loop3A_23, %parallel_loop3A_512 : vector<16xf32>
      %parallel_loop3A_514 = arith.addf %parallel_loop3A_508, %parallel_loop3A_513 : vector<16xf32>
      %parallel_loop3A_515 = arith.index_cast %parallel_loop3A_15 : i32 to index
      %parallel_loop3A_516 = arith.constant 480 : index
      %parallel_loop3A_517 = tpu.vector_load %arg10[%parallel_loop3A_515, %parallel_loop3A_516] {strides = array<i32>} : memref<64x768xf32, #tpu.memory_space<vmem>>, vector<1x16xf32>,
      %parallel_loop3A_518 = vector.shape_cast %parallel_loop3A_517 : vector<1x16xf32> to vector<16xf32>
      %parallel_loop3A_519 = vector.shape_cast %parallel_loop3A_514 : vector<16xf32> to vector<1x16xf32>
      tpu.vector_store %arg10[%parallel_loop3A_515, %parallel_loop3A_516], %parallel_loop3A_519 {strides = array<i32>} : memref<64x768xf32, #tpu.memory_space<vmem>>, vector<1x16xf32>,
      %parallel_loop3A_520 = arith.index_cast %parallel_loop3A_15 : i32 to index
      %parallel_loop3A_521 = arith.constant 496 : index
      %parallel_loop3A_522 = tpu.vector_load %arg10[%parallel_loop3A_520, %parallel_loop3A_521] {strides = array<i32>} : memref<64x768xf32, #tpu.memory_space<vmem>>, vector<1x16xf32>,
      %parallel_loop3A_523 = vector.shape_cast %parallel_loop3A_522 : vector<1x16xf32> to vector<16xf32>
      %parallel_loop3A_524 = arith.mulf %parallel_loop3A_19, %parallel_loop3A_523 : vector<16xf32>
      %parallel_loop3A_525 = arith.index_cast %parallel_loop3A_15 : i32 to index
      %parallel_loop3A_526 = arith.constant 496 : index
      %parallel_loop3A_527 = tpu.vector_load %arg11[%parallel_loop3A_525, %parallel_loop3A_526] {strides = array<i32>} : memref<64x768xf32, #tpu.memory_space<vmem>>, vector<1x16xf32>,
      %parallel_loop3A_528 = vector.shape_cast %parallel_loop3A_527 : vector<1x16xf32> to vector<16xf32>
      %parallel_loop3A_529 = arith.mulf %parallel_loop3A_23, %parallel_loop3A_528 : vector<16xf32>
      %parallel_loop3A_530 = arith.addf %parallel_loop3A_524, %parallel_loop3A_529 : vector<16xf32>
      %parallel_loop3A_531 = arith.index_cast %parallel_loop3A_15 : i32 to index
      %parallel_loop3A_532 = arith.constant 496 : index
      %parallel_loop3A_533 = tpu.vector_load %arg10[%parallel_loop3A_531, %parallel_loop3A_532] {strides = array<i32>} : memref<64x768xf32, #tpu.memory_space<vmem>>, vector<1x16xf32>,
      %parallel_loop3A_534 = vector.shape_cast %parallel_loop3A_533 : vector<1x16xf32> to vector<16xf32>
      %parallel_loop3A_535 = vector.shape_cast %parallel_loop3A_530 : vector<16xf32> to vector<1x16xf32>
      tpu.vector_store %arg10[%parallel_loop3A_531, %parallel_loop3A_532], %parallel_loop3A_535 {strides = array<i32>} : memref<64x768xf32, #tpu.memory_space<vmem>>, vector<1x16xf32>,
      %parallel_loop3A_536 = arith.index_cast %parallel_loop3A_15 : i32 to index
      %parallel_loop3A_537 = arith.constant 512 : index
      %parallel_loop3A_538 = tpu.vector_load %arg10[%parallel_loop3A_536, %parallel_loop3A_537] {strides = array<i32>} : memref<64x768xf32, #tpu.memory_space<vmem>>, vector<1x16xf32>,
      %parallel_loop3A_539 = vector.shape_cast %parallel_loop3A_538 : vector<1x16xf32> to vector<16xf32>
      %parallel_loop3A_540 = arith.mulf %parallel_loop3A_19, %parallel_loop3A_539 : vector<16xf32>
      %parallel_loop3A_541 = arith.index_cast %parallel_loop3A_15 : i32 to index
      %parallel_loop3A_542 = arith.constant 512 : index
      %parallel_loop3A_543 = tpu.vector_load %arg11[%parallel_loop3A_541, %parallel_loop3A_542] {strides = array<i32>} : memref<64x768xf32, #tpu.memory_space<vmem>>, vector<1x16xf32>,
      %parallel_loop3A_544 = vector.shape_cast %parallel_loop3A_543 : vector<1x16xf32> to vector<16xf32>
      %parallel_loop3A_545 = arith.mulf %parallel_loop3A_23, %parallel_loop3A_544 : vector<16xf32>
      %parallel_loop3A_546 = arith.addf %parallel_loop3A_540, %parallel_loop3A_545 : vector<16xf32>
      %parallel_loop3A_547 = arith.index_cast %parallel_loop3A_15 : i32 to index
      %parallel_loop3A_548 = arith.constant 512 : index
      %parallel_loop3A_549 = tpu.vector_load %arg10[%parallel_loop3A_547, %parallel_loop3A_548] {strides = array<i32>} : memref<64x768xf32, #tpu.memory_space<vmem>>, vector<1x16xf32>,
      %parallel_loop3A_550 = vector.shape_cast %parallel_loop3A_549 : vector<1x16xf32> to vector<16xf32>
      %parallel_loop3A_551 = vector.shape_cast %parallel_loop3A_546 : vector<16xf32> to vector<1x16xf32>
      tpu.vector_store %arg10[%parallel_loop3A_547, %parallel_loop3A_548], %parallel_loop3A_551 {strides = array<i32>} : memref<64x768xf32, #tpu.memory_space<vmem>>, vector<1x16xf32>,
      %parallel_loop3A_552 = arith.index_cast %parallel_loop3A_15 : i32 to index
      %parallel_loop3A_553 = arith.constant 528 : index
      %parallel_loop3A_554 = tpu.vector_load %arg10[%parallel_loop3A_552, %parallel_loop3A_553] {strides = array<i32>} : memref<64x768xf32, #tpu.memory_space<vmem>>, vector<1x16xf32>,
      %parallel_loop3A_555 = vector.shape_cast %parallel_loop3A_554 : vector<1x16xf32> to vector<16xf32>
      %parallel_loop3A_556 = arith.mulf %parallel_loop3A_19, %parallel_loop3A_555 : vector<16xf32>
      %parallel_loop3A_557 = arith.index_cast %parallel_loop3A_15 : i32 to index
      %parallel_loop3A_558 = arith.constant 528 : index
      %parallel_loop3A_559 = tpu.vector_load %arg11[%parallel_loop3A_557, %parallel_loop3A_558] {strides = array<i32>} : memref<64x768xf32, #tpu.memory_space<vmem>>, vector<1x16xf32>,
      %parallel_loop3A_560 = vector.shape_cast %parallel_loop3A_559 : vector<1x16xf32> to vector<16xf32>
      %parallel_loop3A_561 = arith.mulf %parallel_loop3A_23, %parallel_loop3A_560 : vector<16xf32>
      %parallel_loop3A_562 = arith.addf %parallel_loop3A_556, %parallel_loop3A_561 : vector<16xf32>
      %parallel_loop3A_563 = arith.index_cast %parallel_loop3A_15 : i32 to index
      %parallel_loop3A_564 = arith.constant 528 : index
      %parallel_loop3A_565 = tpu.vector_load %arg10[%parallel_loop3A_563, %parallel_loop3A_564] {strides = array<i32>} : memref<64x768xf32, #tpu.memory_space<vmem>>, vector<1x16xf32>,
      %parallel_loop3A_566 = vector.shape_cast %parallel_loop3A_565 : vector<1x16xf32> to vector<16xf32>
      %parallel_loop3A_567 = vector.shape_cast %parallel_loop3A_562 : vector<16xf32> to vector<1x16xf32>
      tpu.vector_store %arg10[%parallel_loop3A_563, %parallel_loop3A_564], %parallel_loop3A_567 {strides = array<i32>} : memref<64x768xf32, #tpu.memory_space<vmem>>, vector<1x16xf32>,
      %parallel_loop3A_568 = arith.index_cast %parallel_loop3A_15 : i32 to index
      %parallel_loop3A_569 = arith.constant 544 : index
      %parallel_loop3A_570 = tpu.vector_load %arg10[%parallel_loop3A_568, %parallel_loop3A_569] {strides = array<i32>} : memref<64x768xf32, #tpu.memory_space<vmem>>, vector<1x16xf32>,
      %parallel_loop3A_571 = vector.shape_cast %parallel_loop3A_570 : vector<1x16xf32> to vector<16xf32>
      %parallel_loop3A_572 = arith.mulf %parallel_loop3A_19, %parallel_loop3A_571 : vector<16xf32>
      %parallel_loop3A_573 = arith.index_cast %parallel_loop3A_15 : i32 to index
      %parallel_loop3A_574 = arith.constant 544 : index
      %parallel_loop3A_575 = tpu.vector_load %arg11[%parallel_loop3A_573, %parallel_loop3A_574] {strides = array<i32>} : memref<64x768xf32, #tpu.memory_space<vmem>>, vector<1x16xf32>,
      %parallel_loop3A_576 = vector.shape_cast %parallel_loop3A_575 : vector<1x16xf32> to vector<16xf32>
      %parallel_loop3A_577 = arith.mulf %parallel_loop3A_23, %parallel_loop3A_576 : vector<16xf32>
      %parallel_loop3A_578 = arith.addf %parallel_loop3A_572, %parallel_loop3A_577 : vector<16xf32>
      %parallel_loop3A_579 = arith.index_cast %parallel_loop3A_15 : i32 to index
      %parallel_loop3A_580 = arith.constant 544 : index
      %parallel_loop3A_581 = tpu.vector_load %arg10[%parallel_loop3A_579, %parallel_loop3A_580] {strides = array<i32>} : memref<64x768xf32, #tpu.memory_space<vmem>>, vector<1x16xf32>,
      %parallel_loop3A_582 = vector.shape_cast %parallel_loop3A_581 : vector<1x16xf32> to vector<16xf32>
      %parallel_loop3A_583 = vector.shape_cast %parallel_loop3A_578 : vector<16xf32> to vector<1x16xf32>
      tpu.vector_store %arg10[%parallel_loop3A_579, %parallel_loop3A_580], %parallel_loop3A_583 {strides = array<i32>} : memref<64x768xf32, #tpu.memory_space<vmem>>, vector<1x16xf32>,
      %parallel_loop3A_584 = arith.index_cast %parallel_loop3A_15 : i32 to index
      %parallel_loop3A_585 = arith.constant 560 : index
      %parallel_loop3A_586 = tpu.vector_load %arg10[%parallel_loop3A_584, %parallel_loop3A_585] {strides = array<i32>} : memref<64x768xf32, #tpu.memory_space<vmem>>, vector<1x16xf32>,
      %parallel_loop3A_587 = vector.shape_cast %parallel_loop3A_586 : vector<1x16xf32> to vector<16xf32>
      %parallel_loop3A_588 = arith.mulf %parallel_loop3A_19, %parallel_loop3A_587 : vector<16xf32>
      %parallel_loop3A_589 = arith.index_cast %parallel_loop3A_15 : i32 to index
      %parallel_loop3A_590 = arith.constant 560 : index
      %parallel_loop3A_591 = tpu.vector_load %arg11[%parallel_loop3A_589, %parallel_loop3A_590] {strides = array<i32>} : memref<64x768xf32, #tpu.memory_space<vmem>>, vector<1x16xf32>,
      %parallel_loop3A_592 = vector.shape_cast %parallel_loop3A_591 : vector<1x16xf32> to vector<16xf32>
      %parallel_loop3A_593 = arith.mulf %parallel_loop3A_23, %parallel_loop3A_592 : vector<16xf32>
      %parallel_loop3A_594 = arith.addf %parallel_loop3A_588, %parallel_loop3A_593 : vector<16xf32>
      %parallel_loop3A_595 = arith.index_cast %parallel_loop3A_15 : i32 to index
      %parallel_loop3A_596 = arith.constant 560 : index
      %parallel_loop3A_597 = tpu.vector_load %arg10[%parallel_loop3A_595, %parallel_loop3A_596] {strides = array<i32>} : memref<64x768xf32, #tpu.memory_space<vmem>>, vector<1x16xf32>,
      %parallel_loop3A_598 = vector.shape_cast %parallel_loop3A_597 : vector<1x16xf32> to vector<16xf32>
      %parallel_loop3A_599 = vector.shape_cast %parallel_loop3A_594 : vector<16xf32> to vector<1x16xf32>
      tpu.vector_store %arg10[%parallel_loop3A_595, %parallel_loop3A_596], %parallel_loop3A_599 {strides = array<i32>} : memref<64x768xf32, #tpu.memory_space<vmem>>, vector<1x16xf32>,
      %parallel_loop3A_600 = arith.index_cast %parallel_loop3A_15 : i32 to index
      %parallel_loop3A_601 = arith.constant 576 : index
      %parallel_loop3A_602 = tpu.vector_load %arg10[%parallel_loop3A_600, %parallel_loop3A_601] {strides = array<i32>} : memref<64x768xf32, #tpu.memory_space<vmem>>, vector<1x16xf32>,
      %parallel_loop3A_603 = vector.shape_cast %parallel_loop3A_602 : vector<1x16xf32> to vector<16xf32>
      %parallel_loop3A_604 = arith.mulf %parallel_loop3A_19, %parallel_loop3A_603 : vector<16xf32>
      %parallel_loop3A_605 = arith.index_cast %parallel_loop3A_15 : i32 to index
      %parallel_loop3A_606 = arith.constant 576 : index
      %parallel_loop3A_607 = tpu.vector_load %arg11[%parallel_loop3A_605, %parallel_loop3A_606] {strides = array<i32>} : memref<64x768xf32, #tpu.memory_space<vmem>>, vector<1x16xf32>,
      %parallel_loop3A_608 = vector.shape_cast %parallel_loop3A_607 : vector<1x16xf32> to vector<16xf32>
      %parallel_loop3A_609 = arith.mulf %parallel_loop3A_23, %parallel_loop3A_608 : vector<16xf32>
      %parallel_loop3A_610 = arith.addf %parallel_loop3A_604, %parallel_loop3A_609 : vector<16xf32>
      %parallel_loop3A_611 = arith.index_cast %parallel_loop3A_15 : i32 to index
      %parallel_loop3A_612 = arith.constant 576 : index
      %parallel_loop3A_613 = tpu.vector_load %arg10[%parallel_loop3A_611, %parallel_loop3A_612] {strides = array<i32>} : memref<64x768xf32, #tpu.memory_space<vmem>>, vector<1x16xf32>,
      %parallel_loop3A_614 = vector.shape_cast %parallel_loop3A_613 : vector<1x16xf32> to vector<16xf32>
      %parallel_loop3A_615 = vector.shape_cast %parallel_loop3A_610 : vector<16xf32> to vector<1x16xf32>
      tpu.vector_store %arg10[%parallel_loop3A_611, %parallel_loop3A_612], %parallel_loop3A_615 {strides = array<i32>} : memref<64x768xf32, #tpu.memory_space<vmem>>, vector<1x16xf32>,
      %parallel_loop3A_616 = arith.index_cast %parallel_loop3A_15 : i32 to index
      %parallel_loop3A_617 = arith.constant 592 : index
      %parallel_loop3A_618 = tpu.vector_load %arg10[%parallel_loop3A_616, %parallel_loop3A_617] {strides = array<i32>} : memref<64x768xf32, #tpu.memory_space<vmem>>, vector<1x16xf32>,
      %parallel_loop3A_619 = vector.shape_cast %parallel_loop3A_618 : vector<1x16xf32> to vector<16xf32>
      %parallel_loop3A_620 = arith.mulf %parallel_loop3A_19, %parallel_loop3A_619 : vector<16xf32>
      %parallel_loop3A_621 = arith.index_cast %parallel_loop3A_15 : i32 to index
      %parallel_loop3A_622 = arith.constant 592 : index
      %parallel_loop3A_623 = tpu.vector_load %arg11[%parallel_loop3A_621, %parallel_loop3A_622] {strides = array<i32>} : memref<64x768xf32, #tpu.memory_space<vmem>>, vector<1x16xf32>,
      %parallel_loop3A_624 = vector.shape_cast %parallel_loop3A_623 : vector<1x16xf32> to vector<16xf32>
      %parallel_loop3A_625 = arith.mulf %parallel_loop3A_23, %parallel_loop3A_624 : vector<16xf32>
      %parallel_loop3A_626 = arith.addf %parallel_loop3A_620, %parallel_loop3A_625 : vector<16xf32>
      %parallel_loop3A_627 = arith.index_cast %parallel_loop3A_15 : i32 to index
      %parallel_loop3A_628 = arith.constant 592 : index
      %parallel_loop3A_629 = tpu.vector_load %arg10[%parallel_loop3A_627, %parallel_loop3A_628] {strides = array<i32>} : memref<64x768xf32, #tpu.memory_space<vmem>>, vector<1x16xf32>,
      %parallel_loop3A_630 = vector.shape_cast %parallel_loop3A_629 : vector<1x16xf32> to vector<16xf32>
      %parallel_loop3A_631 = vector.shape_cast %parallel_loop3A_626 : vector<16xf32> to vector<1x16xf32>
      tpu.vector_store %arg10[%parallel_loop3A_627, %parallel_loop3A_628], %parallel_loop3A_631 {strides = array<i32>} : memref<64x768xf32, #tpu.memory_space<vmem>>, vector<1x16xf32>,
      %parallel_loop3A_632 = arith.index_cast %parallel_loop3A_15 : i32 to index
      %parallel_loop3A_633 = arith.constant 608 : index
      %parallel_loop3A_634 = tpu.vector_load %arg10[%parallel_loop3A_632, %parallel_loop3A_633] {strides = array<i32>} : memref<64x768xf32, #tpu.memory_space<vmem>>, vector<1x16xf32>,
      %parallel_loop3A_635 = vector.shape_cast %parallel_loop3A_634 : vector<1x16xf32> to vector<16xf32>
      %parallel_loop3A_636 = arith.mulf %parallel_loop3A_19, %parallel_loop3A_635 : vector<16xf32>
      %parallel_loop3A_637 = arith.index_cast %parallel_loop3A_15 : i32 to index
      %parallel_loop3A_638 = arith.constant 608 : index
      %parallel_loop3A_639 = tpu.vector_load %arg11[%parallel_loop3A_637, %parallel_loop3A_638] {strides = array<i32>} : memref<64x768xf32, #tpu.memory_space<vmem>>, vector<1x16xf32>,
      %parallel_loop3A_640 = vector.shape_cast %parallel_loop3A_639 : vector<1x16xf32> to vector<16xf32>
      %parallel_loop3A_641 = arith.mulf %parallel_loop3A_23, %parallel_loop3A_640 : vector<16xf32>
      %parallel_loop3A_642 = arith.addf %parallel_loop3A_636, %parallel_loop3A_641 : vector<16xf32>
      %parallel_loop3A_643 = arith.index_cast %parallel_loop3A_15 : i32 to index
      %parallel_loop3A_644 = arith.constant 608 : index
      %parallel_loop3A_645 = tpu.vector_load %arg10[%parallel_loop3A_643, %parallel_loop3A_644] {strides = array<i32>} : memref<64x768xf32, #tpu.memory_space<vmem>>, vector<1x16xf32>,
      %parallel_loop3A_646 = vector.shape_cast %parallel_loop3A_645 : vector<1x16xf32> to vector<16xf32>
      %parallel_loop3A_647 = vector.shape_cast %parallel_loop3A_642 : vector<16xf32> to vector<1x16xf32>
      tpu.vector_store %arg10[%parallel_loop3A_643, %parallel_loop3A_644], %parallel_loop3A_647 {strides = array<i32>} : memref<64x768xf32, #tpu.memory_space<vmem>>, vector<1x16xf32>,
      %parallel_loop3A_648 = arith.index_cast %parallel_loop3A_15 : i32 to index
      %parallel_loop3A_649 = arith.constant 624 : index
      %parallel_loop3A_650 = tpu.vector_load %arg10[%parallel_loop3A_648, %parallel_loop3A_649] {strides = array<i32>} : memref<64x768xf32, #tpu.memory_space<vmem>>, vector<1x16xf32>,
      %parallel_loop3A_651 = vector.shape_cast %parallel_loop3A_650 : vector<1x16xf32> to vector<16xf32>
      %parallel_loop3A_652 = arith.mulf %parallel_loop3A_19, %parallel_loop3A_651 : vector<16xf32>
      %parallel_loop3A_653 = arith.index_cast %parallel_loop3A_15 : i32 to index
      %parallel_loop3A_654 = arith.constant 624 : index
      %parallel_loop3A_655 = tpu.vector_load %arg11[%parallel_loop3A_653, %parallel_loop3A_654] {strides = array<i32>} : memref<64x768xf32, #tpu.memory_space<vmem>>, vector<1x16xf32>,
      %parallel_loop3A_656 = vector.shape_cast %parallel_loop3A_655 : vector<1x16xf32> to vector<16xf32>
      %parallel_loop3A_657 = arith.mulf %parallel_loop3A_23, %parallel_loop3A_656 : vector<16xf32>
      %parallel_loop3A_658 = arith.addf %parallel_loop3A_652, %parallel_loop3A_657 : vector<16xf32>
      %parallel_loop3A_659 = arith.index_cast %parallel_loop3A_15 : i32 to index
      %parallel_loop3A_660 = arith.constant 624 : index
      %parallel_loop3A_661 = tpu.vector_load %arg10[%parallel_loop3A_659, %parallel_loop3A_660] {strides = array<i32>} : memref<64x768xf32, #tpu.memory_space<vmem>>, vector<1x16xf32>,
      %parallel_loop3A_662 = vector.shape_cast %parallel_loop3A_661 : vector<1x16xf32> to vector<16xf32>
      %parallel_loop3A_663 = vector.shape_cast %parallel_loop3A_658 : vector<16xf32> to vector<1x16xf32>
      tpu.vector_store %arg10[%parallel_loop3A_659, %parallel_loop3A_660], %parallel_loop3A_663 {strides = array<i32>} : memref<64x768xf32, #tpu.memory_space<vmem>>, vector<1x16xf32>,
      %parallel_loop3A_664 = arith.index_cast %parallel_loop3A_15 : i32 to index
      %parallel_loop3A_665 = arith.constant 640 : index
      %parallel_loop3A_666 = tpu.vector_load %arg10[%parallel_loop3A_664, %parallel_loop3A_665] {strides = array<i32>} : memref<64x768xf32, #tpu.memory_space<vmem>>, vector<1x16xf32>,
      %parallel_loop3A_667 = vector.shape_cast %parallel_loop3A_666 : vector<1x16xf32> to vector<16xf32>
      %parallel_loop3A_668 = arith.mulf %parallel_loop3A_19, %parallel_loop3A_667 : vector<16xf32>
      %parallel_loop3A_669 = arith.index_cast %parallel_loop3A_15 : i32 to index
      %parallel_loop3A_670 = arith.constant 640 : index
      %parallel_loop3A_671 = tpu.vector_load %arg11[%parallel_loop3A_669, %parallel_loop3A_670] {strides = array<i32>} : memref<64x768xf32, #tpu.memory_space<vmem>>, vector<1x16xf32>,
      %parallel_loop3A_672 = vector.shape_cast %parallel_loop3A_671 : vector<1x16xf32> to vector<16xf32>
      %parallel_loop3A_673 = arith.mulf %parallel_loop3A_23, %parallel_loop3A_672 : vector<16xf32>
      %parallel_loop3A_674 = arith.addf %parallel_loop3A_668, %parallel_loop3A_673 : vector<16xf32>
      %parallel_loop3A_675 = arith.index_cast %parallel_loop3A_15 : i32 to index
      %parallel_loop3A_676 = arith.constant 640 : index
      %parallel_loop3A_677 = tpu.vector_load %arg10[%parallel_loop3A_675, %parallel_loop3A_676] {strides = array<i32>} : memref<64x768xf32, #tpu.memory_space<vmem>>, vector<1x16xf32>,
      %parallel_loop3A_678 = vector.shape_cast %parallel_loop3A_677 : vector<1x16xf32> to vector<16xf32>
      %parallel_loop3A_679 = vector.shape_cast %parallel_loop3A_674 : vector<16xf32> to vector<1x16xf32>
      tpu.vector_store %arg10[%parallel_loop3A_675, %parallel_loop3A_676], %parallel_loop3A_679 {strides = array<i32>} : memref<64x768xf32, #tpu.memory_space<vmem>>, vector<1x16xf32>,
      %parallel_loop3A_680 = arith.index_cast %parallel_loop3A_15 : i32 to index
      %parallel_loop3A_681 = arith.constant 656 : index
      %parallel_loop3A_682 = tpu.vector_load %arg10[%parallel_loop3A_680, %parallel_loop3A_681] {strides = array<i32>} : memref<64x768xf32, #tpu.memory_space<vmem>>, vector<1x16xf32>,
      %parallel_loop3A_683 = vector.shape_cast %parallel_loop3A_682 : vector<1x16xf32> to vector<16xf32>
      %parallel_loop3A_684 = arith.mulf %parallel_loop3A_19, %parallel_loop3A_683 : vector<16xf32>
      %parallel_loop3A_685 = arith.index_cast %parallel_loop3A_15 : i32 to index
      %parallel_loop3A_686 = arith.constant 656 : index
      %parallel_loop3A_687 = tpu.vector_load %arg11[%parallel_loop3A_685, %parallel_loop3A_686] {strides = array<i32>} : memref<64x768xf32, #tpu.memory_space<vmem>>, vector<1x16xf32>,
      %parallel_loop3A_688 = vector.shape_cast %parallel_loop3A_687 : vector<1x16xf32> to vector<16xf32>
      %parallel_loop3A_689 = arith.mulf %parallel_loop3A_23, %parallel_loop3A_688 : vector<16xf32>
      %parallel_loop3A_690 = arith.addf %parallel_loop3A_684, %parallel_loop3A_689 : vector<16xf32>
      %parallel_loop3A_691 = arith.index_cast %parallel_loop3A_15 : i32 to index
      %parallel_loop3A_692 = arith.constant 656 : index
      %parallel_loop3A_693 = tpu.vector_load %arg10[%parallel_loop3A_691, %parallel_loop3A_692] {strides = array<i32>} : memref<64x768xf32, #tpu.memory_space<vmem>>, vector<1x16xf32>,
      %parallel_loop3A_694 = vector.shape_cast %parallel_loop3A_693 : vector<1x16xf32> to vector<16xf32>
      %parallel_loop3A_695 = vector.shape_cast %parallel_loop3A_690 : vector<16xf32> to vector<1x16xf32>
      tpu.vector_store %arg10[%parallel_loop3A_691, %parallel_loop3A_692], %parallel_loop3A_695 {strides = array<i32>} : memref<64x768xf32, #tpu.memory_space<vmem>>, vector<1x16xf32>,
      %parallel_loop3A_696 = arith.index_cast %parallel_loop3A_15 : i32 to index
      %parallel_loop3A_697 = arith.constant 672 : index
      %parallel_loop3A_698 = tpu.vector_load %arg10[%parallel_loop3A_696, %parallel_loop3A_697] {strides = array<i32>} : memref<64x768xf32, #tpu.memory_space<vmem>>, vector<1x16xf32>,
      %parallel_loop3A_699 = vector.shape_cast %parallel_loop3A_698 : vector<1x16xf32> to vector<16xf32>
      %parallel_loop3A_700 = arith.mulf %parallel_loop3A_19, %parallel_loop3A_699 : vector<16xf32>
      %parallel_loop3A_701 = arith.index_cast %parallel_loop3A_15 : i32 to index
      %parallel_loop3A_702 = arith.constant 672 : index
      %parallel_loop3A_703 = tpu.vector_load %arg11[%parallel_loop3A_701, %parallel_loop3A_702] {strides = array<i32>} : memref<64x768xf32, #tpu.memory_space<vmem>>, vector<1x16xf32>,
      %parallel_loop3A_704 = vector.shape_cast %parallel_loop3A_703 : vector<1x16xf32> to vector<16xf32>
      %parallel_loop3A_705 = arith.mulf %parallel_loop3A_23, %parallel_loop3A_704 : vector<16xf32>
      %parallel_loop3A_706 = arith.addf %parallel_loop3A_700, %parallel_loop3A_705 : vector<16xf32>
      %parallel_loop3A_707 = arith.index_cast %parallel_loop3A_15 : i32 to index
      %parallel_loop3A_708 = arith.constant 672 : index
      %parallel_loop3A_709 = tpu.vector_load %arg10[%parallel_loop3A_707, %parallel_loop3A_708] {strides = array<i32>} : memref<64x768xf32, #tpu.memory_space<vmem>>, vector<1x16xf32>,
      %parallel_loop3A_710 = vector.shape_cast %parallel_loop3A_709 : vector<1x16xf32> to vector<16xf32>
      %parallel_loop3A_711 = vector.shape_cast %parallel_loop3A_706 : vector<16xf32> to vector<1x16xf32>
      tpu.vector_store %arg10[%parallel_loop3A_707, %parallel_loop3A_708], %parallel_loop3A_711 {strides = array<i32>} : memref<64x768xf32, #tpu.memory_space<vmem>>, vector<1x16xf32>,
      %parallel_loop3A_712 = arith.index_cast %parallel_loop3A_15 : i32 to index
      %parallel_loop3A_713 = arith.constant 688 : index
      %parallel_loop3A_714 = tpu.vector_load %arg10[%parallel_loop3A_712, %parallel_loop3A_713] {strides = array<i32>} : memref<64x768xf32, #tpu.memory_space<vmem>>, vector<1x16xf32>,
      %parallel_loop3A_715 = vector.shape_cast %parallel_loop3A_714 : vector<1x16xf32> to vector<16xf32>
      %parallel_loop3A_716 = arith.mulf %parallel_loop3A_19, %parallel_loop3A_715 : vector<16xf32>
      %parallel_loop3A_717 = arith.index_cast %parallel_loop3A_15 : i32 to index
      %parallel_loop3A_718 = arith.constant 688 : index
      %parallel_loop3A_719 = tpu.vector_load %arg11[%parallel_loop3A_717, %parallel_loop3A_718] {strides = array<i32>} : memref<64x768xf32, #tpu.memory_space<vmem>>, vector<1x16xf32>,
      %parallel_loop3A_720 = vector.shape_cast %parallel_loop3A_719 : vector<1x16xf32> to vector<16xf32>
      %parallel_loop3A_721 = arith.mulf %parallel_loop3A_23, %parallel_loop3A_720 : vector<16xf32>
      %parallel_loop3A_722 = arith.addf %parallel_loop3A_716, %parallel_loop3A_721 : vector<16xf32>
      %parallel_loop3A_723 = arith.index_cast %parallel_loop3A_15 : i32 to index
      %parallel_loop3A_724 = arith.constant 688 : index
      %parallel_loop3A_725 = tpu.vector_load %arg10[%parallel_loop3A_723, %parallel_loop3A_724] {strides = array<i32>} : memref<64x768xf32, #tpu.memory_space<vmem>>, vector<1x16xf32>,
      %parallel_loop3A_726 = vector.shape_cast %parallel_loop3A_725 : vector<1x16xf32> to vector<16xf32>
      %parallel_loop3A_727 = vector.shape_cast %parallel_loop3A_722 : vector<16xf32> to vector<1x16xf32>
      tpu.vector_store %arg10[%parallel_loop3A_723, %parallel_loop3A_724], %parallel_loop3A_727 {strides = array<i32>} : memref<64x768xf32, #tpu.memory_space<vmem>>, vector<1x16xf32>,
      %parallel_loop3A_728 = arith.index_cast %parallel_loop3A_15 : i32 to index
      %parallel_loop3A_729 = arith.constant 704 : index
      %parallel_loop3A_730 = tpu.vector_load %arg10[%parallel_loop3A_728, %parallel_loop3A_729] {strides = array<i32>} : memref<64x768xf32, #tpu.memory_space<vmem>>, vector<1x16xf32>,
      %parallel_loop3A_731 = vector.shape_cast %parallel_loop3A_730 : vector<1x16xf32> to vector<16xf32>
      %parallel_loop3A_732 = arith.mulf %parallel_loop3A_19, %parallel_loop3A_731 : vector<16xf32>
      %parallel_loop3A_733 = arith.index_cast %parallel_loop3A_15 : i32 to index
      %parallel_loop3A_734 = arith.constant 704 : index
      %parallel_loop3A_735 = tpu.vector_load %arg11[%parallel_loop3A_733, %parallel_loop3A_734] {strides = array<i32>} : memref<64x768xf32, #tpu.memory_space<vmem>>, vector<1x16xf32>,
      %parallel_loop3A_736 = vector.shape_cast %parallel_loop3A_735 : vector<1x16xf32> to vector<16xf32>
      %parallel_loop3A_737 = arith.mulf %parallel_loop3A_23, %parallel_loop3A_736 : vector<16xf32>
      %parallel_loop3A_738 = arith.addf %parallel_loop3A_732, %parallel_loop3A_737 : vector<16xf32>
      %parallel_loop3A_739 = arith.index_cast %parallel_loop3A_15 : i32 to index
      %parallel_loop3A_740 = arith.constant 704 : index
      %parallel_loop3A_741 = tpu.vector_load %arg10[%parallel_loop3A_739, %parallel_loop3A_740] {strides = array<i32>} : memref<64x768xf32, #tpu.memory_space<vmem>>, vector<1x16xf32>,
      %parallel_loop3A_742 = vector.shape_cast %parallel_loop3A_741 : vector<1x16xf32> to vector<16xf32>
      %parallel_loop3A_743 = vector.shape_cast %parallel_loop3A_738 : vector<16xf32> to vector<1x16xf32>
      tpu.vector_store %arg10[%parallel_loop3A_739, %parallel_loop3A_740], %parallel_loop3A_743 {strides = array<i32>} : memref<64x768xf32, #tpu.memory_space<vmem>>, vector<1x16xf32>,
      %parallel_loop3A_744 = arith.index_cast %parallel_loop3A_15 : i32 to index
      %parallel_loop3A_745 = arith.constant 720 : index
      %parallel_loop3A_746 = tpu.vector_load %arg10[%parallel_loop3A_744, %parallel_loop3A_745] {strides = array<i32>} : memref<64x768xf32, #tpu.memory_space<vmem>>, vector<1x16xf32>,
      %parallel_loop3A_747 = vector.shape_cast %parallel_loop3A_746 : vector<1x16xf32> to vector<16xf32>
      %parallel_loop3A_748 = arith.mulf %parallel_loop3A_19, %parallel_loop3A_747 : vector<16xf32>
      %parallel_loop3A_749 = arith.index_cast %parallel_loop3A_15 : i32 to index
      %parallel_loop3A_750 = arith.constant 720 : index
      %parallel_loop3A_751 = tpu.vector_load %arg11[%parallel_loop3A_749, %parallel_loop3A_750] {strides = array<i32>} : memref<64x768xf32, #tpu.memory_space<vmem>>, vector<1x16xf32>,
      %parallel_loop3A_752 = vector.shape_cast %parallel_loop3A_751 : vector<1x16xf32> to vector<16xf32>
      %parallel_loop3A_753 = arith.mulf %parallel_loop3A_23, %parallel_loop3A_752 : vector<16xf32>
      %parallel_loop3A_754 = arith.addf %parallel_loop3A_748, %parallel_loop3A_753 : vector<16xf32>
      %parallel_loop3A_755 = arith.index_cast %parallel_loop3A_15 : i32 to index
      %parallel_loop3A_756 = arith.constant 720 : index
      %parallel_loop3A_757 = tpu.vector_load %arg10[%parallel_loop3A_755, %parallel_loop3A_756] {strides = array<i32>} : memref<64x768xf32, #tpu.memory_space<vmem>>, vector<1x16xf32>,
      %parallel_loop3A_758 = vector.shape_cast %parallel_loop3A_757 : vector<1x16xf32> to vector<16xf32>
      %parallel_loop3A_759 = vector.shape_cast %parallel_loop3A_754 : vector<16xf32> to vector<1x16xf32>
      tpu.vector_store %arg10[%parallel_loop3A_755, %parallel_loop3A_756], %parallel_loop3A_759 {strides = array<i32>} : memref<64x768xf32, #tpu.memory_space<vmem>>, vector<1x16xf32>,
      %parallel_loop3A_760 = arith.index_cast %parallel_loop3A_15 : i32 to index
      %parallel_loop3A_761 = arith.constant 736 : index
      %parallel_loop3A_762 = tpu.vector_load %arg10[%parallel_loop3A_760, %parallel_loop3A_761] {strides = array<i32>} : memref<64x768xf32, #tpu.memory_space<vmem>>, vector<1x16xf32>,
      %parallel_loop3A_763 = vector.shape_cast %parallel_loop3A_762 : vector<1x16xf32> to vector<16xf32>
      %parallel_loop3A_764 = arith.mulf %parallel_loop3A_19, %parallel_loop3A_763 : vector<16xf32>
      %parallel_loop3A_765 = arith.index_cast %parallel_loop3A_15 : i32 to index
      %parallel_loop3A_766 = arith.constant 736 : index
      %parallel_loop3A_767 = tpu.vector_load %arg11[%parallel_loop3A_765, %parallel_loop3A_766] {strides = array<i32>} : memref<64x768xf32, #tpu.memory_space<vmem>>, vector<1x16xf32>,
      %parallel_loop3A_768 = vector.shape_cast %parallel_loop3A_767 : vector<1x16xf32> to vector<16xf32>
      %parallel_loop3A_769 = arith.mulf %parallel_loop3A_23, %parallel_loop3A_768 : vector<16xf32>
      %parallel_loop3A_770 = arith.addf %parallel_loop3A_764, %parallel_loop3A_769 : vector<16xf32>
      %parallel_loop3A_771 = arith.index_cast %parallel_loop3A_15 : i32 to index
      %parallel_loop3A_772 = arith.constant 736 : index
      %parallel_loop3A_773 = tpu.vector_load %arg10[%parallel_loop3A_771, %parallel_loop3A_772] {strides = array<i32>} : memref<64x768xf32, #tpu.memory_space<vmem>>, vector<1x16xf32>,
      %parallel_loop3A_774 = vector.shape_cast %parallel_loop3A_773 : vector<1x16xf32> to vector<16xf32>
      %parallel_loop3A_775 = vector.shape_cast %parallel_loop3A_770 : vector<16xf32> to vector<1x16xf32>
      tpu.vector_store %arg10[%parallel_loop3A_771, %parallel_loop3A_772], %parallel_loop3A_775 {strides = array<i32>} : memref<64x768xf32, #tpu.memory_space<vmem>>, vector<1x16xf32>,
      %parallel_loop3A_776 = arith.index_cast %parallel_loop3A_15 : i32 to index
      %parallel_loop3A_777 = arith.constant 752 : index
      %parallel_loop3A_778 = tpu.vector_load %arg10[%parallel_loop3A_776, %parallel_loop3A_777] {strides = array<i32>} : memref<64x768xf32, #tpu.memory_space<vmem>>, vector<1x16xf32>,
      %parallel_loop3A_779 = vector.shape_cast %parallel_loop3A_778 : vector<1x16xf32> to vector<16xf32>
      %parallel_loop3A_780 = arith.mulf %parallel_loop3A_19, %parallel_loop3A_779 : vector<16xf32>
      %parallel_loop3A_781 = arith.index_cast %parallel_loop3A_15 : i32 to index
      %parallel_loop3A_782 = arith.constant 752 : index
      %parallel_loop3A_783 = tpu.vector_load %arg11[%parallel_loop3A_781, %parallel_loop3A_782] {strides = array<i32>} : memref<64x768xf32, #tpu.memory_space<vmem>>, vector<1x16xf32>,
      %parallel_loop3A_784 = vector.shape_cast %parallel_loop3A_783 : vector<1x16xf32> to vector<16xf32>
      %parallel_loop3A_785 = arith.mulf %parallel_loop3A_23, %parallel_loop3A_784 : vector<16xf32>
      %parallel_loop3A_786 = arith.addf %parallel_loop3A_780, %parallel_loop3A_785 : vector<16xf32>
      %parallel_loop3A_787 = arith.index_cast %parallel_loop3A_15 : i32 to index
      %parallel_loop3A_788 = arith.constant 752 : index
      %parallel_loop3A_789 = tpu.vector_load %arg10[%parallel_loop3A_787, %parallel_loop3A_788] {strides = array<i32>} : memref<64x768xf32, #tpu.memory_space<vmem>>, vector<1x16xf32>,
      %parallel_loop3A_790 = vector.shape_cast %parallel_loop3A_789 : vector<1x16xf32> to vector<16xf32>
      %parallel_loop3A_791 = vector.shape_cast %parallel_loop3A_786 : vector<16xf32> to vector<1x16xf32>
      tpu.vector_store %arg10[%parallel_loop3A_787, %parallel_loop3A_788], %parallel_loop3A_791 {strides = array<i32>} : memref<64x768xf32, #tpu.memory_space<vmem>>, vector<1x16xf32>,
    } {sc.loop_unroll_factor = 2 : i64, sc.parallel_access}
    "tpu.region"() ({
      %run_scoped3A = tpu.sem_alloc : memref<!tpu.dma_semaphore, #tpu.memory_space<semaphore_mem>>
      %dma_start3A_15 = arith.constant 0 : i32
      %dma_start3A_16 = tpu.memref_slice %arg7[%mul3A_2, %dma_start3A_15] : memref<2048x768xf32, #tpu.memory_space<hbm>> -> memref<64x768xf32, #tpu.memory_space<hbm>>
      %dma_start3A_17 = arith.constant 0 : i32
      %dma_start3A_18 = tpu.memref_slice %arg7[%mul3A_2, %dma_start3A_17] : memref<2048x768xf32, #tpu.memory_space<hbm>> -> memref<64x768xf32, #tpu.memory_space<hbm>>
      tpu.enqueue_dma source(%arg10 : memref<64x768xf32, #tpu.memory_space<vmem>>) target(%dma_start3A_18 : memref<64x768xf32, #tpu.memory_space<hbm>>) target_semaphore(%run_scoped3A : memref<!tpu.dma_semaphore, #tpu.memory_space<semaphore_mem>>)
      %dma_wait3A_19 = arith.constant 0 : i32
      %dma_wait3A_20 = tpu.memref_slice %arg7[%mul3A_2, %dma_wait3A_19] : memref<2048x768xf32, #tpu.memory_space<hbm>> -> memref<64x768xf32, #tpu.memory_space<hbm>>
      %dma_wait3A_21 = arith.constant 0 : i32
      %dma_wait3A_22 = tpu.memref_slice %arg7[%mul3A_2, %dma_wait3A_21] : memref<2048x768xf32, #tpu.memory_space<hbm>> -> memref<64x768xf32, #tpu.memory_space<hbm>>
      tpu.wait_dma2 semaphore(%run_scoped3A : memref<!tpu.dma_semaphore, #tpu.memory_space<semaphore_mem>>) src(%arg10 : memref<64x768xf32, #tpu.memory_space<vmem>>) dst(%dma_wait3A_22 : memref<64x768xf32, #tpu.memory_space<hbm>>)
      tpu.yield
    }) : () -> ()
    return
  }
}

module attributes {stable_mosaic.version = 14 : i64} {
  func.func @_ffn0_body(%arg0: i32, %arg1: memref<2xi32, #tpu.memory_space<smem>>, %arg2: memref<256x768xf32, #tpu.memory_space<vmem>>, %arg3: memref<2048x768xf32, #tpu.memory_space<vmem>>, %arg4: memref<1x2048xf32, #tpu.memory_space<vmem>>, %arg5: memref<768x2048xf32, #tpu.memory_space<vmem>>, %arg6: memref<1x768xf32, #tpu.memory_space<vmem>>, %arg7: memref<256x768xf32, #tpu.memory_space<vmem>>) attributes {dimension_semantics = [#tpu.dimension_semantics<arbitrary>], iteration_bounds = array<i64: 8>, scalar_prefetch = 1 : i64, scratch_operands = 0 : i64, tpu.core_type = #tpu.core_type<tc>, window_params = [{transform_indices = @transform_0, window_bounds = array<i64: 256, 768>}, {pipeline_mode = #tpu.pipeline_mode<synchronous>, transform_indices = @transform_1, window_bounds = array<i64: 2048, 768>}, {pipeline_mode = #tpu.pipeline_mode<synchronous>, transform_indices = @transform_2, window_bounds = array<i64: 1, 2048>}, {pipeline_mode = #tpu.pipeline_mode<synchronous>, transform_indices = @transform_3, window_bounds = array<i64: 768, 2048>}, {pipeline_mode = #tpu.pipeline_mode<synchronous>, transform_indices = @transform_4, window_bounds = array<i64: 1, 768>}, {transform_indices = @transform_5, window_bounds = array<i64: 256, 768>}]} {
    %get3A = arith.constant 1 : index
    %get3A_0 = memref.load %arg1[%get3A] : memref<2xi32, #tpu.memory_space<smem>>
    %lt3A = arith.cmpi slt, %arg0, %get3A_0 : i32
    %convert_element_type3A = arith.extui %lt3A : i1 to i32
    %cond3A = arith.constant 0 : i32
    %cond3A_1 = arith.cmpi ne, %convert_element_type3A, %cond3A : i32
    scf.if %cond3A_1 {
      %get3A_2 = arith.constant 0 : index
      %get3A_3 = arith.constant 0 : index
      %get3A_4 = vector.load %arg2[%get3A_2, %get3A_3] : memref<256x768xf32, #tpu.memory_space<vmem>>, vector<256x768xf32>
      %get3A_5 = arith.constant 0 : index
      %get3A_6 = arith.constant 0 : index
      %get3A_7 = vector.load %arg3[%get3A_5, %get3A_6] : memref<2048x768xf32, #tpu.memory_space<vmem>>, vector<2048x768xf32>
      %dot_general3A = arith.constant dense<0.000000e+00> : vector<256x2048xf32>
      %dot_general3A_8 = tpu.matmul %get3A_4, %get3A_7, %dot_general3A {dimension_numbers = #tpu.dot_dimension_numbers<[1], [1], [0], [0], [0, 0, 1, 0], [], []>, transpose_lhs_hint = false} : vector<256x768xf32>, vector<2048x768xf32>, vector<256x2048xf32> -> vector<256x2048xf32>
      %get3A_9 = arith.constant 0 : index
      %get3A_10 = arith.constant 0 : index
      %get3A_11 = vector.load %arg4[%get3A_9, %get3A_10] : memref<1x2048xf32, #tpu.memory_space<vmem>>, vector<1x2048xf32>
      %add3A = vector.broadcast %get3A_11 : vector<1x2048xf32> to vector<256x2048xf32>
      %add3A_12 = arith.addf %dot_general3A_8, %add3A : vector<256x2048xf32>
      %mul3A = arith.constant 5.000000e-01 : f32
      %mul3A_13 = vector.broadcast %mul3A : f32 to vector<256x2048xf32>
      %mul3A_14 = arith.mulf %mul3A_13, %add3A_12 : vector<256x2048xf32>
      %mul3A_15 = arith.constant 4.471500e-02 : f32
      %mul3A_16 = vector.broadcast %mul3A_15 : f32 to vector<256x2048xf32>
      %mul3A_17 = arith.mulf %mul3A_16, %add3A_12 : vector<256x2048xf32>
      %mul3A_18 = arith.mulf %mul3A_17, %add3A_12 : vector<256x2048xf32>
      %mul3A_19 = arith.mulf %mul3A_18, %add3A_12 : vector<256x2048xf32>
      %add3A_20 = arith.addf %add3A_12, %mul3A_19 : vector<256x2048xf32>
      %mul3A_21 = arith.constant 0.797884583 : f32
      %mul3A_22 = vector.broadcast %mul3A_21 : f32 to vector<256x2048xf32>
      %mul3A_23 = arith.mulf %mul3A_22, %add3A_20 : vector<256x2048xf32>
      %tanh3A = math.tanh %mul3A_23 : vector<256x2048xf32>
      %add3A_24 = arith.constant 1.000000e+00 : f32
      %add3A_25 = vector.broadcast %add3A_24 : f32 to vector<256x2048xf32>
      %add3A_26 = arith.addf %add3A_25, %tanh3A : vector<256x2048xf32>
      %mul3A_27 = arith.mulf %mul3A_14, %add3A_26 : vector<256x2048xf32>
      %get3A_28 = arith.constant 0 : index
      %get3A_29 = arith.constant 0 : index
      %get3A_30 = vector.load %arg5[%get3A_28, %get3A_29] : memref<768x2048xf32, #tpu.memory_space<vmem>>, vector<768x2048xf32>
      %dot_general3A_31 = arith.constant dense<0.000000e+00> : vector<256x768xf32>
      %dot_general3A_32 = tpu.matmul %mul3A_27, %get3A_30, %dot_general3A_31 {dimension_numbers = #tpu.dot_dimension_numbers<[1], [1], [0], [0], [0, 0, 1, 0], [], []>, transpose_lhs_hint = false} : vector<256x2048xf32>, vector<768x2048xf32>, vector<256x768xf32> -> vector<256x768xf32>
      %get3A_33 = arith.constant 0 : index
      %get3A_34 = arith.constant 0 : index
      %get3A_35 = vector.load %arg6[%get3A_33, %get3A_34] : memref<1x768xf32, #tpu.memory_space<vmem>>, vector<1x768xf32>
      %add3A_36 = vector.broadcast %get3A_35 : vector<1x768xf32> to vector<256x768xf32>
      %add3A_37 = arith.addf %dot_general3A_32, %add3A_36 : vector<256x768xf32>
      %swap3A = arith.constant 0 : index
      %swap3A_38 = arith.constant 0 : index
      %swap3A_39 = vector.load %arg7[%swap3A, %swap3A_38] : memref<256x768xf32, #tpu.memory_space<vmem>>, vector<256x768xf32>
      tpu.vector_store %arg7[%swap3A, %swap3A_38], %add3A_37 {strides = array<i32>} : memref<256x768xf32, #tpu.memory_space<vmem>>, vector<256x768xf32>,
    } else {
    }
    return
  }
  func.func @transform_0(%arg0: i32, %arg1: memref<2xi32, #tpu.memory_space<smem>>) -> (i32, i32) {
    %get3A = arith.constant 1 : index
    %get3A_0 = memref.load %arg1[%get3A] : memref<2xi32, #tpu.memory_space<smem>>
    %lt3A = arith.cmpi slt, %arg0, %get3A_0 : i32
    %get3A_1 = arith.constant 0 : index
    %get3A_2 = memref.load %arg1[%get3A_1] : memref<2xi32, #tpu.memory_space<smem>>
    %add3A = arith.addi %get3A_2, %arg0 : i32
    %jit3A = arith.constant 24 : i32
    %select_n3A = arith.select %lt3A, %add3A, %jit3A : i32
    %c0_i32 = arith.constant 0 : i32
    %c0_i32_3 = arith.constant 0 : i32
    return %select_n3A, %c0_i32 : i32, i32
  }
  func.func @transform_1(%arg0: i32, %arg1: memref<2xi32, #tpu.memory_space<smem>>) -> (i32, i32) {
    %c0_i32 = arith.constant 0 : i32
    %c0_i32_0 = arith.constant 0 : i32
    %c0_i32_1 = arith.constant 0 : i32
    return %c0_i32, %c0_i32_0 : i32, i32
  }
  func.func @transform_2(%arg0: i32, %arg1: memref<2xi32, #tpu.memory_space<smem>>) -> (i32, i32) {
    %c0_i32 = arith.constant 0 : i32
    %c0_i32_0 = arith.constant 0 : i32
    %c0_i32_1 = arith.constant 0 : i32
    return %c0_i32, %c0_i32_0 : i32, i32
  }
  func.func @transform_3(%arg0: i32, %arg1: memref<2xi32, #tpu.memory_space<smem>>) -> (i32, i32) {
    %c0_i32 = arith.constant 0 : i32
    %c0_i32_0 = arith.constant 0 : i32
    %c0_i32_1 = arith.constant 0 : i32
    return %c0_i32, %c0_i32_0 : i32, i32
  }
  func.func @transform_4(%arg0: i32, %arg1: memref<2xi32, #tpu.memory_space<smem>>) -> (i32, i32) {
    %c0_i32 = arith.constant 0 : i32
    %c0_i32_0 = arith.constant 0 : i32
    %c0_i32_1 = arith.constant 0 : i32
    return %c0_i32, %c0_i32_0 : i32, i32
  }
  func.func @transform_5(%arg0: i32, %arg1: memref<2xi32, #tpu.memory_space<smem>>) -> (i32, i32) {
    %get3A = arith.constant 1 : index
    %get3A_0 = memref.load %arg1[%get3A] : memref<2xi32, #tpu.memory_space<smem>>
    %lt3A = arith.cmpi slt, %arg0, %get3A_0 : i32
    %get3A_1 = arith.constant 0 : index
    %get3A_2 = memref.load %arg1[%get3A_1] : memref<2xi32, #tpu.memory_space<smem>>
    %add3A = arith.addi %get3A_2, %arg0 : i32
    %jit3A = arith.constant 24 : i32
    %select_n3A = arith.select %lt3A, %add3A, %jit3A : i32
    %c0_i32 = arith.constant 0 : i32
    %c0_i32_3 = arith.constant 0 : i32
    return %select_n3A, %c0_i32 : i32, i32
  }
}

module attributes {stable_mosaic.version = 14 : i64} {
  func.func @_router_body(%arg0: memref<2048x768xf32, #tpu.memory_space<vmem>>, %arg1: memref<384x768xf32, #tpu.memory_space<vmem>>, %arg2: memref<1x384xf32, #tpu.memory_space<vmem>>, %arg3: memref<1x384xf32, #tpu.memory_space<vmem>>, %arg4: memref<1x384xf32, #tpu.memory_space<vmem>>, %arg5: memref<8x384xf32, #tpu.memory_space<vmem>>, %arg6: memref<1x8xf32, #tpu.memory_space<vmem>>, %arg7: memref<1x1xf32, #tpu.memory_space<vmem>>, %arg8: memref<1x8xf32, #tpu.memory_space<vmem>>, %arg9: memref<1x8xf32, #tpu.memory_space<vmem>>, %arg10: memref<2048x1xi32, #tpu.memory_space<vmem>>, %arg11: memref<2048x1xi32, #tpu.memory_space<vmem>>, %arg12: memref<2048x16xf32, #tpu.memory_space<vmem>>, %arg13: memref<2048x16xf32, #tpu.memory_space<vmem>>, %arg14: memref<8x2xi32, #tpu.memory_space<vmem>>) attributes {dimension_semantics = [], scalar_prefetch = 0 : i64, scratch_operands = 0 : i64, tpu.core_type = #tpu.core_type<tc>} {
    %get3A = arith.constant 0 : index
    %get3A_0 = arith.constant 0 : index
    %get3A_1 = vector.load %arg0[%get3A, %get3A_0] : memref<2048x768xf32, #tpu.memory_space<vmem>>, vector<2048x768xf32>
    %get3A_2 = arith.constant 0 : index
    %get3A_3 = arith.constant 0 : index
    %get3A_4 = vector.load %arg1[%get3A_2, %get3A_3] : memref<384x768xf32, #tpu.memory_space<vmem>>, vector<384x768xf32>
    %dot_general3A = arith.constant dense<0.000000e+00> : vector<2048x384xf32>
    %dot_general3A_5 = tpu.matmul %get3A_1, %get3A_4, %dot_general3A {dimension_numbers = #tpu.dot_dimension_numbers<[1], [1], [0], [0], [0, 0, 1, 0], [], []>, transpose_lhs_hint = false} : vector<2048x768xf32>, vector<384x768xf32>, vector<2048x384xf32> -> vector<2048x384xf32>
    %get3A_6 = arith.constant 0 : index
    %get3A_7 = arith.constant 0 : index
    %get3A_8 = vector.load %arg2[%get3A_6, %get3A_7] : memref<1x384xf32, #tpu.memory_space<vmem>>, vector<1x384xf32>
    %add3A = vector.broadcast %get3A_8 : vector<1x384xf32> to vector<2048x384xf32>
    %add3A_9 = arith.addf %dot_general3A_5, %add3A : vector<2048x384xf32>
    %reduce_sum3A = arith.constant dense<0.000000e+00> : vector<2048xf32>
    %reduce_sum3A_10 = vector.multi_reduction <add>, %add3A_9, %reduce_sum3A [1] : vector<2048x384xf32> to vector<2048xf32>
    %broadcast_in_dim3A = vector.shape_cast %reduce_sum3A_10 : vector<2048xf32> to vector<2048x1xf32>
    %div3A = arith.constant 3.840000e+02 : f32
    %div3A_11 = vector.broadcast %div3A : f32 to vector<2048x1xf32>
    %div3A_12 = arith.divf %broadcast_in_dim3A, %div3A_11 : vector<2048x1xf32>
    %mul3A = arith.mulf %add3A_9, %add3A_9 : vector<2048x384xf32>
    %reduce_sum3A_13 = arith.constant dense<0.000000e+00> : vector<2048xf32>
    %reduce_sum3A_14 = vector.multi_reduction <add>, %mul3A, %reduce_sum3A_13 [1] : vector<2048x384xf32> to vector<2048xf32>
    %broadcast_in_dim3A_15 = vector.shape_cast %reduce_sum3A_14 : vector<2048xf32> to vector<2048x1xf32>
    %div3A_16 = arith.constant 3.840000e+02 : f32
    %div3A_17 = vector.broadcast %div3A_16 : f32 to vector<2048x1xf32>
    %div3A_18 = arith.divf %broadcast_in_dim3A_15, %div3A_17 : vector<2048x1xf32>
    %mul3A_19 = arith.mulf %div3A_12, %div3A_12 : vector<2048x1xf32>
    %sub3A = arith.subf %div3A_18, %mul3A_19 : vector<2048x1xf32>
    %sub3A_20 = vector.broadcast %div3A_12 : vector<2048x1xf32> to vector<2048x384xf32>
    %sub3A_21 = arith.subf %add3A_9, %sub3A_20 : vector<2048x384xf32>
    %add3A_22 = arith.constant 9.99999974E-6 : f32
    %add3A_23 = vector.broadcast %add3A_22 : f32 to vector<2048x1xf32>
    %add3A_24 = arith.addf %sub3A, %add3A_23 : vector<2048x1xf32>
    %sqrt3A = math.sqrt %add3A_24 : vector<2048x1xf32>
    %div3A_25 = vector.broadcast %sqrt3A : vector<2048x1xf32> to vector<2048x384xf32>
    %div3A_26 = arith.divf %sub3A_21, %div3A_25 : vector<2048x384xf32>
    %get3A_27 = arith.constant 0 : index
    %get3A_28 = arith.constant 0 : index
    %get3A_29 = vector.load %arg3[%get3A_27, %get3A_28] : memref<1x384xf32, #tpu.memory_space<vmem>>, vector<1x384xf32>
    %mul3A_30 = vector.broadcast %get3A_29 : vector<1x384xf32> to vector<2048x384xf32>
    %mul3A_31 = arith.mulf %div3A_26, %mul3A_30 : vector<2048x384xf32>
    %get3A_32 = arith.constant 0 : index
    %get3A_33 = arith.constant 0 : index
    %get3A_34 = vector.load %arg4[%get3A_32, %get3A_33] : memref<1x384xf32, #tpu.memory_space<vmem>>, vector<1x384xf32>
    %add3A_35 = vector.broadcast %get3A_34 : vector<1x384xf32> to vector<2048x384xf32>
    %add3A_36 = arith.addf %mul3A_31, %add3A_35 : vector<2048x384xf32>
    %mul3A_37 = arith.constant 5.000000e-01 : f32
    %mul3A_38 = vector.broadcast %mul3A_37 : f32 to vector<2048x384xf32>
    %mul3A_39 = arith.mulf %mul3A_38, %add3A_36 : vector<2048x384xf32>
    %mul3A_40 = arith.constant 0.707106769 : f32
    %mul3A_41 = vector.broadcast %mul3A_40 : f32 to vector<2048x384xf32>
    %mul3A_42 = arith.mulf %add3A_36, %mul3A_41 : vector<2048x384xf32>
    %abs3A = math.absf %mul3A_42 : vector<2048x384xf32>
    %mul3A_43 = arith.constant 0.327591091 : f32
    %mul3A_44 = vector.broadcast %mul3A_43 : f32 to vector<2048x384xf32>
    %mul3A_45 = arith.mulf %mul3A_44, %abs3A : vector<2048x384xf32>
    %add3A_46 = arith.constant 1.000000e+00 : f32
    %add3A_47 = vector.broadcast %add3A_46 : f32 to vector<2048x384xf32>
    %add3A_48 = arith.addf %add3A_47, %mul3A_45 : vector<2048x384xf32>
    %div3A_49 = arith.constant 1.000000e+00 : f32
    %div3A_50 = vector.broadcast %div3A_49 : f32 to vector<2048x384xf32>
    %div3A_51 = arith.divf %div3A_50, %add3A_48 : vector<2048x384xf32>
    %mul3A_52 = arith.constant 1.06140542 : f32
    %mul3A_53 = vector.broadcast %mul3A_52 : f32 to vector<2048x384xf32>
    %mul3A_54 = arith.mulf %div3A_51, %mul3A_53 : vector<2048x384xf32>
    %add3A_55 = arith.constant -1.45315206 : f32
    %add3A_56 = vector.broadcast %add3A_55 : f32 to vector<2048x384xf32>
    %add3A_57 = arith.addf %add3A_56, %mul3A_54 : vector<2048x384xf32>
    %mul3A_58 = arith.mulf %div3A_51, %add3A_57 : vector<2048x384xf32>
    %add3A_59 = arith.constant 1.42141378 : f32
    %add3A_60 = vector.broadcast %add3A_59 : f32 to vector<2048x384xf32>
    %add3A_61 = arith.addf %add3A_60, %mul3A_58 : vector<2048x384xf32>
    %mul3A_62 = arith.mulf %div3A_51, %add3A_61 : vector<2048x384xf32>
    %add3A_63 = arith.constant -0.284496725 : f32
    %add3A_64 = vector.broadcast %add3A_63 : f32 to vector<2048x384xf32>
    %add3A_65 = arith.addf %add3A_64, %mul3A_62 : vector<2048x384xf32>
    %mul3A_66 = arith.mulf %div3A_51, %add3A_65 : vector<2048x384xf32>
    %add3A_67 = arith.constant 0.254829586 : f32
    %add3A_68 = vector.broadcast %add3A_67 : f32 to vector<2048x384xf32>
    %add3A_69 = arith.addf %add3A_68, %mul3A_66 : vector<2048x384xf32>
    %mul3A_70 = arith.mulf %div3A_51, %add3A_69 : vector<2048x384xf32>
    %neg3A = arith.constant 0.000000e+00 : f32
    %neg3A_71 = vector.broadcast %neg3A : f32 to vector<2048x384xf32>
    %neg3A_72 = arith.subf %neg3A_71, %abs3A : vector<2048x384xf32>
    %mul3A_73 = arith.mulf %neg3A_72, %abs3A : vector<2048x384xf32>
    %exp3A = math.exp %mul3A_73 : vector<2048x384xf32>
    %mul3A_74 = arith.mulf %mul3A_70, %exp3A : vector<2048x384xf32>
    %sub3A_75 = arith.constant 1.000000e+00 : f32
    %sub3A_76 = vector.broadcast %sub3A_75 : f32 to vector<2048x384xf32>
    %sub3A_77 = arith.subf %sub3A_76, %mul3A_74 : vector<2048x384xf32>
    %lt3A = arith.constant 0.000000e+00 : f32
    %lt3A_78 = vector.broadcast %lt3A : f32 to vector<2048x384xf32>
    %lt3A_79 = arith.cmpf olt, %mul3A_42, %lt3A_78 : vector<2048x384xf32>
    %neg3A_80 = arith.constant 0.000000e+00 : f32
    %neg3A_81 = vector.broadcast %neg3A_80 : f32 to vector<2048x384xf32>
    %neg3A_82 = arith.subf %neg3A_81, %sub3A_77 : vector<2048x384xf32>
    %select_n3A = arith.select %lt3A_79, %neg3A_82, %sub3A_77 : vector<2048x384xi1>, vector<2048x384xf32>
    %add3A_83 = arith.constant 1.000000e+00 : f32
    %add3A_84 = vector.broadcast %add3A_83 : f32 to vector<2048x384xf32>
    %add3A_85 = arith.addf %add3A_84, %select_n3A : vector<2048x384xf32>
    %mul3A_86 = arith.mulf %mul3A_39, %add3A_85 : vector<2048x384xf32>
    %get3A_87 = arith.constant 0 : index
    %get3A_88 = arith.constant 0 : index
    %get3A_89 = vector.load %arg5[%get3A_87, %get3A_88] : memref<8x384xf32, #tpu.memory_space<vmem>>, vector<8x384xf32>
    %dot_general3A_90 = arith.constant dense<0.000000e+00> : vector<2048x8xf32>
    %dot_general3A_91 = tpu.matmul %mul3A_86, %get3A_89, %dot_general3A_90 {dimension_numbers = #tpu.dot_dimension_numbers<[1], [1], [0], [0], [0, 0, 1, 0], [], []>, transpose_lhs_hint = false} : vector<2048x384xf32>, vector<8x384xf32>, vector<2048x8xf32> -> vector<2048x8xf32>
    %get3A_92 = arith.constant 0 : index
    %get3A_93 = arith.constant 0 : index
    %get3A_94 = vector.load %arg6[%get3A_92, %get3A_93] : memref<1x8xf32, #tpu.memory_space<vmem>>, vector<1x8xf32>
    %add3A_95 = vector.broadcast %get3A_94 : vector<1x8xf32> to vector<2048x8xf32>
    %add3A_96 = arith.addf %dot_general3A_91, %add3A_95 : vector<2048x8xf32>
    %get3A_97 = arith.constant 0 : index
    %get3A_98 = arith.constant 0 : index
    %get3A_99 = vector.load %arg7[%get3A_97, %get3A_98] : memref<1x1xf32, #tpu.memory_space<vmem>>, vector<1x1xf32>
    %get3A_100 = vector.extract %get3A_99[0, 0] : f32 from vector<1x1xf32>
    %div3A_101 = vector.broadcast %get3A_100 : f32 to vector<2048x8xf32>
    %div3A_102 = arith.divf %add3A_96, %div3A_101 : vector<2048x8xf32>
    %get3A_103 = arith.constant 0 : index
    %get3A_104 = arith.constant 0 : index
    %get3A_105 = vector.load %arg8[%get3A_103, %get3A_104] : memref<1x8xf32, #tpu.memory_space<vmem>>, vector<1x8xf32>
    %add3A_106 = vector.broadcast %get3A_105 : vector<1x8xf32> to vector<2048x8xf32>
    %add3A_107 = arith.addf %div3A_102, %add3A_106 : vector<2048x8xf32>
    %get3A_108 = arith.constant 0 : index
    %get3A_109 = arith.constant 0 : index
    %get3A_110 = vector.load %arg9[%get3A_108, %get3A_109] : memref<1x8xf32, #tpu.memory_space<vmem>>, vector<1x8xf32>
    %mul3A_111 = vector.broadcast %get3A_110 : vector<1x8xf32> to vector<2048x8xf32>
    %mul3A_112 = arith.mulf %add3A_107, %mul3A_111 : vector<2048x8xf32>
    %reduce_max3A = arith.constant dense<0xFF800000> : vector<2048xf32>
    %reduce_max3A_113 = vector.multi_reduction <maximumf>, %mul3A_112, %reduce_max3A [1] : vector<2048x8xf32> to vector<2048xf32>
    %broadcast_in_dim3A_114 = vector.shape_cast %reduce_max3A_113 : vector<2048xf32> to vector<2048x1xf32>
    %sub3A_115 = vector.broadcast %broadcast_in_dim3A_114 : vector<2048x1xf32> to vector<2048x8xf32>
    %sub3A_116 = arith.subf %mul3A_112, %sub3A_115 : vector<2048x8xf32>
    %exp3A_117 = math.exp %sub3A_116 : vector<2048x8xf32>
    %reduce_sum3A_118 = arith.constant dense<0.000000e+00> : vector<2048xf32>
    %reduce_sum3A_119 = vector.multi_reduction <add>, %exp3A_117, %reduce_sum3A_118 [1] : vector<2048x8xf32> to vector<2048xf32>
    %broadcast_in_dim3A_120 = vector.shape_cast %reduce_sum3A_119 : vector<2048xf32> to vector<2048x1xf32>
    %div3A_121 = vector.broadcast %broadcast_in_dim3A_120 : vector<2048x1xf32> to vector<2048x8xf32>
    %div3A_122 = arith.divf %exp3A_117, %div3A_121 : vector<2048x8xf32>
    %iota3A = tpu.iota {dimensions = array<i32: 1>} : vector<2048x8xi32>
    %reduce_max3A_123 = arith.constant dense<0xFF800000> : vector<2048xf32>
    %reduce_max3A_124 = vector.multi_reduction <maximumf>, %div3A_122, %reduce_max3A_123 [1] : vector<2048x8xf32> to vector<2048xf32>
    %broadcast_in_dim3A_125 = vector.shape_cast %reduce_max3A_124 : vector<2048xf32> to vector<2048x1xf32>
    %eq3A = vector.broadcast %broadcast_in_dim3A_125 : vector<2048x1xf32> to vector<2048x8xf32>
    %eq3A_126 = arith.cmpf oeq, %div3A_122, %eq3A : vector<2048x8xf32>
    %jit3A = arith.constant 127 : i32
    %broadcast_in_dim3A_127 = vector.broadcast %jit3A : i32 to vector<2048x8xi32>
    %select_n3A_128 = arith.select %eq3A_126, %iota3A, %broadcast_in_dim3A_127 : vector<2048x8xi1>, vector<2048x8xi32>
    %reduce_min3A = arith.constant dense<2147483647> : vector<2048xi32>
    %reduce_min3A_129 = vector.multi_reduction <minsi>, %select_n3A_128, %reduce_min3A [1] : vector<2048x8xi32> to vector<2048xi32>
    %broadcast_in_dim3A_130 = vector.shape_cast %reduce_min3A_129 : vector<2048xi32> to vector<2048x1xi32>
    %eq3A_131 = vector.broadcast %broadcast_in_dim3A_130 : vector<2048x1xi32> to vector<2048x8xi32>
    %eq3A_132 = arith.cmpi eq, %iota3A, %eq3A_131 : vector<2048x8xi32>
    %jit3A_133 = arith.constant -1.000000e+00 : f32
    %broadcast_in_dim3A_134 = vector.broadcast %jit3A_133 : f32 to vector<2048x8xf32>
    %select_n3A_135 = arith.select %eq3A_132, %broadcast_in_dim3A_134, %div3A_122 : vector<2048x8xi1>, vector<2048x8xf32>
    %reduce_max3A_136 = arith.constant dense<0xFF800000> : vector<2048xf32>
    %reduce_max3A_137 = vector.multi_reduction <maximumf>, %select_n3A_135, %reduce_max3A_136 [1] : vector<2048x8xf32> to vector<2048xf32>
    %broadcast_in_dim3A_138 = vector.shape_cast %reduce_max3A_137 : vector<2048xf32> to vector<2048x1xf32>
    %eq3A_139 = vector.broadcast %broadcast_in_dim3A_138 : vector<2048x1xf32> to vector<2048x8xf32>
    %eq3A_140 = arith.cmpf oeq, %select_n3A_135, %eq3A_139 : vector<2048x8xf32>
    %jit3A_141 = arith.constant 127 : i32
    %broadcast_in_dim3A_142 = vector.broadcast %jit3A_141 : i32 to vector<2048x8xi32>
    %select_n3A_143 = arith.select %eq3A_140, %iota3A, %broadcast_in_dim3A_142 : vector<2048x8xi1>, vector<2048x8xi32>
    %reduce_min3A_144 = arith.constant dense<2147483647> : vector<2048xi32>
    %reduce_min3A_145 = vector.multi_reduction <minsi>, %select_n3A_143, %reduce_min3A_144 [1] : vector<2048x8xi32> to vector<2048xi32>
    %broadcast_in_dim3A_146 = vector.shape_cast %reduce_min3A_145 : vector<2048xi32> to vector<2048x1xi32>
    %eq3A_147 = vector.broadcast %broadcast_in_dim3A_146 : vector<2048x1xi32> to vector<2048x8xi32>
    %eq3A_148 = arith.cmpi eq, %iota3A, %eq3A_147 : vector<2048x8xi32>
    %or3A = arith.ori %eq3A_132, %eq3A_148 : vector<2048x8xi1>
    %jit3A_149 = arith.constant 1.000000e+00 : f32
    %jit3A_150 = arith.constant 0.000000e+00 : f32
    %broadcast_in_dim3A_151 = vector.broadcast %jit3A_149 : f32 to vector<2048x8xf32>
    %broadcast_in_dim3A_152 = vector.broadcast %jit3A_150 : f32 to vector<2048x8xf32>
    %select_n3A_153 = arith.select %or3A, %broadcast_in_dim3A_151, %broadcast_in_dim3A_152 : vector<2048x8xi1>, vector<2048x8xf32>
    %iota3A_154 = tpu.iota {dimensions = array<i32: 0>} : vector<2048x2048xi32>
    %iota3A_155 = tpu.iota {dimensions = array<i32: 1>} : vector<2048x2048xi32>
    %lt3A_156 = arith.cmpi slt, %iota3A_155, %iota3A_154 : vector<2048x2048xi32>
    %jit3A_157 = arith.constant 1.000000e+00 : f32
    %jit3A_158 = arith.constant 0.000000e+00 : f32
    %broadcast_in_dim3A_159 = vector.broadcast %jit3A_157 : f32 to vector<2048x2048xf32>
    %broadcast_in_dim3A_160 = vector.broadcast %jit3A_158 : f32 to vector<2048x2048xf32>
    %select_n3A_161 = arith.select %lt3A_156, %broadcast_in_dim3A_159, %broadcast_in_dim3A_160 : vector<2048x2048xi1>, vector<2048x2048xf32>
    %convert_element_type3A = arith.truncf %select_n3A_161 : vector<2048x2048xf32> to vector<2048x2048xbf16>
    %convert_element_type3A_162 = arith.truncf %select_n3A_153 : vector<2048x8xf32> to vector<2048x8xbf16>
    %dot_general3A_163 = arith.constant dense<0.000000e+00> : vector<2048x8xf32>
    %dot_general3A_164 = tpu.matmul %convert_element_type3A, %convert_element_type3A_162, %dot_general3A_163 {dimension_numbers = #tpu.dot_dimension_numbers<[1], [0], [0], [1], [0, 0, 1, 1], [], []>, transpose_lhs_hint = false} : vector<2048x2048xbf16>, vector<2048x8xbf16>, vector<2048x8xf32> -> vector<2048x8xf32>
    %reduce_sum3A_165 = arith.constant dense<0.000000e+00> : vector<8xf32>
    %reduce_sum3A_166 = vector.multi_reduction <add>, %select_n3A_153, %reduce_sum3A_165 [0] : vector<2048x8xf32> to vector<8xf32>
    %broadcast_in_dim3A_167 = vector.shape_cast %reduce_sum3A_166 : vector<8xf32> to vector<1x8xf32>
    %div3A_168 = arith.constant 2.560000e+02 : f32
    %div3A_169 = vector.broadcast %div3A_168 : f32 to vector<1x8xf32>
    %div3A_170 = arith.divf %broadcast_in_dim3A_167, %div3A_169 : vector<1x8xf32>
    %ceil3A = math.ceil %div3A_170 : vector<1x8xf32>
    %mul3A_171 = arith.constant 2.560000e+02 : f32
    %mul3A_172 = vector.broadcast %mul3A_171 : f32 to vector<1x8xf32>
    %mul3A_173 = arith.mulf %ceil3A, %mul3A_172 : vector<1x8xf32>
    %iota3A_174 = tpu.iota {dimensions = array<i32: 0>} : vector<8x8xi32>
    %iota3A_175 = tpu.iota {dimensions = array<i32: 1>} : vector<8x8xi32>
    %le3A = arith.cmpi sle, %iota3A_174, %iota3A_175 : vector<8x8xi32>
    %jit3A_176 = arith.constant 1.000000e+00 : f32
    %jit3A_177 = arith.constant 0.000000e+00 : f32
    %broadcast_in_dim3A_178 = vector.broadcast %jit3A_176 : f32 to vector<8x8xf32>
    %broadcast_in_dim3A_179 = vector.broadcast %jit3A_177 : f32 to vector<8x8xf32>
    %select_n3A_180 = arith.select %le3A, %broadcast_in_dim3A_178, %broadcast_in_dim3A_179 : vector<8x8xi1>, vector<8x8xf32>
    %dot_general3A_181 = arith.constant dense<0.000000e+00> : vector<1x8xf32>
    %dot_general3A_182 = tpu.matmul %mul3A_173, %select_n3A_180, %dot_general3A_181 {dimension_numbers = #tpu.dot_dimension_numbers<[1], [0], [0], [1], [0, 0, 1, 1], [], []>, transpose_lhs_hint = false} : vector<1x8xf32>, vector<8x8xf32>, vector<1x8xf32> -> vector<1x8xf32>
    %sub3A_183 = arith.subf %dot_general3A_182, %mul3A_173 : vector<1x8xf32>
    %add3A_184 = vector.broadcast %sub3A_183 : vector<1x8xf32> to vector<2048x8xf32>
    %add3A_185 = arith.addf %add3A_184, %dot_general3A_164 : vector<2048x8xf32>
    %jit3A_186 = arith.constant 0.000000e+00 : f32
    %broadcast_in_dim3A_187 = vector.broadcast %jit3A_186 : f32 to vector<2048x8xf32>
    %select_n3A_188 = arith.select %eq3A_132, %add3A_185, %broadcast_in_dim3A_187 : vector<2048x8xi1>, vector<2048x8xf32>
    %reduce_sum3A_189 = arith.constant dense<0.000000e+00> : vector<2048xf32>
    %reduce_sum3A_190 = vector.multi_reduction <add>, %select_n3A_188, %reduce_sum3A_189 [1] : vector<2048x8xf32> to vector<2048xf32>
    %broadcast_in_dim3A_191 = vector.shape_cast %reduce_sum3A_190 : vector<2048xf32> to vector<2048x1xf32>
    %jit3A_192 = arith.constant 0.000000e+00 : f32
    %broadcast_in_dim3A_193 = vector.broadcast %jit3A_192 : f32 to vector<2048x8xf32>
    %select_n3A_194 = arith.select %eq3A_148, %add3A_185, %broadcast_in_dim3A_193 : vector<2048x8xi1>, vector<2048x8xf32>
    %reduce_sum3A_195 = arith.constant dense<0.000000e+00> : vector<2048xf32>
    %reduce_sum3A_196 = vector.multi_reduction <add>, %select_n3A_194, %reduce_sum3A_195 [1] : vector<2048x8xf32> to vector<2048xf32>
    %broadcast_in_dim3A_197 = vector.shape_cast %reduce_sum3A_196 : vector<2048xf32> to vector<2048x1xf32>
    %convert_element_type3A_198 = arith.fptosi %broadcast_in_dim3A_191 : vector<2048x1xf32> to vector<2048x1xi32>
    %swap3A = arith.constant 0 : index
    %swap3A_199 = arith.constant 0 : index
    %swap3A_200 = vector.load %arg10[%swap3A, %swap3A_199] : memref<2048x1xi32, #tpu.memory_space<vmem>>, vector<2048x1xi32>
    tpu.vector_store %arg10[%swap3A, %swap3A_199], %convert_element_type3A_198 {strides = array<i32>} : memref<2048x1xi32, #tpu.memory_space<vmem>>, vector<2048x1xi32>,
    %convert_element_type3A_201 = arith.fptosi %broadcast_in_dim3A_197 : vector<2048x1xf32> to vector<2048x1xi32>
    %swap3A_202 = arith.constant 0 : index
    %swap3A_203 = arith.constant 0 : index
    %swap3A_204 = vector.load %arg11[%swap3A_202, %swap3A_203] : memref<2048x1xi32, #tpu.memory_space<vmem>>, vector<2048x1xi32>
    tpu.vector_store %arg11[%swap3A_202, %swap3A_203], %convert_element_type3A_201 {strides = array<i32>} : memref<2048x1xi32, #tpu.memory_space<vmem>>, vector<2048x1xi32>,
    %broadcast_in_dim3A_205 = vector.shape_cast %broadcast_in_dim3A_125 : vector<2048x1xf32> to vector<2048x1xf32>
    %broadcast_in_dim3A_206 = vector.broadcast %broadcast_in_dim3A_205 : vector<2048x1xf32> to vector<2048x16xf32>
    %swap3A_207 = arith.constant 0 : index
    %swap3A_208 = arith.constant 0 : index
    %swap3A_209 = vector.load %arg12[%swap3A_207, %swap3A_208] : memref<2048x16xf32, #tpu.memory_space<vmem>>, vector<2048x16xf32>
    tpu.vector_store %arg12[%swap3A_207, %swap3A_208], %broadcast_in_dim3A_206 {strides = array<i32>} : memref<2048x16xf32, #tpu.memory_space<vmem>>, vector<2048x16xf32>,
    %broadcast_in_dim3A_210 = vector.shape_cast %broadcast_in_dim3A_138 : vector<2048x1xf32> to vector<2048x1xf32>
    %broadcast_in_dim3A_211 = vector.broadcast %broadcast_in_dim3A_210 : vector<2048x1xf32> to vector<2048x16xf32>
    %swap3A_212 = arith.constant 0 : index
    %swap3A_213 = arith.constant 0 : index
    %swap3A_214 = vector.load %arg13[%swap3A_212, %swap3A_213] : memref<2048x16xf32, #tpu.memory_space<vmem>>, vector<2048x16xf32>
    tpu.vector_store %arg13[%swap3A_212, %swap3A_213], %broadcast_in_dim3A_211 {strides = array<i32>} : memref<2048x16xf32, #tpu.memory_space<vmem>>, vector<2048x16xf32>,
    %eq3A_215 = arith.cmpi eq, %iota3A_174, %iota3A_175 : vector<8x8xi32>
    %jit3A_216 = arith.constant 1.000000e+00 : f32
    %jit3A_217 = arith.constant 0.000000e+00 : f32
    %broadcast_in_dim3A_218 = vector.broadcast %jit3A_216 : f32 to vector<8x8xf32>
    %broadcast_in_dim3A_219 = vector.broadcast %jit3A_217 : f32 to vector<8x8xf32>
    %select_n3A_220 = arith.select %eq3A_215, %broadcast_in_dim3A_218, %broadcast_in_dim3A_219 : vector<8x8xi1>, vector<8x8xf32>
    %dot_general3A_221 = arith.constant dense<0.000000e+00> : vector<8x1xf32>
    %dot_general3A_222 = tpu.matmul %select_n3A_220, %sub3A_183, %dot_general3A_221 {dimension_numbers = #tpu.dot_dimension_numbers<[1], [1], [0], [0], [0, 0, 1, 0], [], []>, transpose_lhs_hint = false} : vector<8x8xf32>, vector<1x8xf32>, vector<8x1xf32> -> vector<8x1xf32>
    %dot_general3A_223 = arith.constant dense<0.000000e+00> : vector<8x1xf32>
    %dot_general3A_224 = tpu.matmul %select_n3A_220, %mul3A_173, %dot_general3A_223 {dimension_numbers = #tpu.dot_dimension_numbers<[1], [1], [0], [0], [0, 0, 1, 0], [], []>, transpose_lhs_hint = false} : vector<8x8xf32>, vector<1x8xf32>, vector<8x1xf32> -> vector<8x1xf32>
    %div3A_225 = arith.constant 2.560000e+02 : f32
    %div3A_226 = vector.broadcast %div3A_225 : f32 to vector<8x1xf32>
    %div3A_227 = arith.divf %dot_general3A_222, %div3A_226 : vector<8x1xf32>
    %div3A_228 = arith.constant 2.560000e+02 : f32
    %div3A_229 = vector.broadcast %div3A_228 : f32 to vector<8x1xf32>
    %div3A_230 = arith.divf %dot_general3A_224, %div3A_229 : vector<8x1xf32>
    %concatenate3A = tpu.concatenate %div3A_227, %div3A_230 in 1 : vector<8x1xf32>, vector<8x1xf32> -> vector<8x2xf32>
    %convert_element_type3A_231 = arith.fptosi %concatenate3A : vector<8x2xf32> to vector<8x2xi32>
    %swap3A_232 = arith.constant 0 : index
    %swap3A_233 = arith.constant 0 : index
    %swap3A_234 = vector.load %arg14[%swap3A_232, %swap3A_233] : memref<8x2xi32, #tpu.memory_space<vmem>>, vector<8x2xi32>
    tpu.vector_store %arg14[%swap3A_232, %swap3A_233], %convert_element_type3A_231 {strides = array<i32>} : memref<8x2xi32, #tpu.memory_space<vmem>>, vector<8x2xi32>,
    return
  }
}

module attributes {stable_mosaic.version = 14 : i64} {
  func.func @_ffn1_body(%arg0: i32, %arg1: memref<2xi32, #tpu.memory_space<smem>>, %arg2: memref<256x768xf32, #tpu.memory_space<vmem>>, %arg3: memref<6400x768xf32, #tpu.memory_space<any>>, %arg4: memref<2048x768xf32, #tpu.memory_space<vmem>>, %arg5: memref<1x2048xf32, #tpu.memory_space<vmem>>, %arg6: memref<2048x2048xf32, #tpu.memory_space<vmem>>, %arg7: memref<1x2048xf32, #tpu.memory_space<vmem>>, %arg8: memref<768x2048xf32, #tpu.memory_space<vmem>>, %arg9: memref<1x768xf32, #tpu.memory_space<vmem>>, %arg10: memref<256x768xf32, #tpu.memory_space<vmem>>) attributes {dimension_semantics = [#tpu.dimension_semantics<arbitrary>], iteration_bounds = array<i64: 8>, scalar_prefetch = 1 : i64, scratch_operands = 0 : i64, tpu.core_type = #tpu.core_type<tc>, window_params = [{transform_indices = @transform_0, window_bounds = array<i64: 256, 768>}, {}, {pipeline_mode = #tpu.pipeline_mode<synchronous>, transform_indices = @transform_2, window_bounds = array<i64: 2048, 768>}, {pipeline_mode = #tpu.pipeline_mode<synchronous>, transform_indices = @transform_3, window_bounds = array<i64: 1, 2048>}, {pipeline_mode = #tpu.pipeline_mode<synchronous>, transform_indices = @transform_4, window_bounds = array<i64: 2048, 2048>}, {pipeline_mode = #tpu.pipeline_mode<synchronous>, transform_indices = @transform_5, window_bounds = array<i64: 1, 2048>}, {pipeline_mode = #tpu.pipeline_mode<synchronous>, transform_indices = @transform_6, window_bounds = array<i64: 768, 2048>}, {pipeline_mode = #tpu.pipeline_mode<synchronous>, transform_indices = @transform_7, window_bounds = array<i64: 1, 768>}, {transform_indices = @transform_8, window_bounds = array<i64: 256, 768>}]} {
    %get3A = arith.constant 1 : index
    %get3A_0 = memref.load %arg1[%get3A] : memref<2xi32, #tpu.memory_space<smem>>
    %lt3A = arith.cmpi slt, %arg0, %get3A_0 : i32
    %convert_element_type3A = arith.extui %lt3A : i1 to i32
    %cond3A = arith.constant 0 : i32
    %cond3A_1 = arith.cmpi ne, %convert_element_type3A, %cond3A : i32
    scf.if %cond3A_1 {
      %get3A_2 = arith.constant 0 : index
      %get3A_3 = arith.constant 0 : index
      %get3A_4 = vector.load %arg2[%get3A_2, %get3A_3] : memref<256x768xf32, #tpu.memory_space<vmem>>, vector<256x768xf32>
      %get3A_5 = arith.constant 0 : index
      %get3A_6 = arith.constant 0 : index
      %get3A_7 = vector.load %arg4[%get3A_5, %get3A_6] : memref<2048x768xf32, #tpu.memory_space<vmem>>, vector<2048x768xf32>
      %dot_general3A = arith.constant dense<0.000000e+00> : vector<256x2048xf32>
      %dot_general3A_8 = tpu.matmul %get3A_4, %get3A_7, %dot_general3A {dimension_numbers = #tpu.dot_dimension_numbers<[1], [1], [0], [0], [0, 0, 1, 0], [], []>, transpose_lhs_hint = false} : vector<256x768xf32>, vector<2048x768xf32>, vector<256x2048xf32> -> vector<256x2048xf32>
      %get3A_9 = arith.constant 0 : index
      %get3A_10 = arith.constant 0 : index
      %get3A_11 = vector.load %arg5[%get3A_9, %get3A_10] : memref<1x2048xf32, #tpu.memory_space<vmem>>, vector<1x2048xf32>
      %add3A = vector.broadcast %get3A_11 : vector<1x2048xf32> to vector<256x2048xf32>
      %add3A_12 = arith.addf %dot_general3A_8, %add3A : vector<256x2048xf32>
      %neg3A = arith.constant 0.000000e+00 : f32
      %neg3A_13 = vector.broadcast %neg3A : f32 to vector<256x2048xf32>
      %neg3A_14 = arith.subf %neg3A_13, %add3A_12 : vector<256x2048xf32>
      %exp3A = math.exp %neg3A_14 : vector<256x2048xf32>
      %add3A_15 = arith.constant 1.000000e+00 : f32
      %add3A_16 = vector.broadcast %add3A_15 : f32 to vector<256x2048xf32>
      %add3A_17 = arith.addf %add3A_16, %exp3A : vector<256x2048xf32>
      %div3A = arith.constant 1.000000e+00 : f32
      %div3A_18 = vector.broadcast %div3A : f32 to vector<256x2048xf32>
      %div3A_19 = arith.divf %div3A_18, %add3A_17 : vector<256x2048xf32>
      %mul3A = arith.mulf %add3A_12, %div3A_19 : vector<256x2048xf32>
      %get3A_20 = arith.constant 0 : index
      %get3A_21 = arith.constant 0 : index
      %get3A_22 = vector.load %arg6[%get3A_20, %get3A_21] : memref<2048x2048xf32, #tpu.memory_space<vmem>>, vector<2048x2048xf32>
      %dot_general3A_23 = arith.constant dense<0.000000e+00> : vector<256x2048xf32>
      %dot_general3A_24 = tpu.matmul %mul3A, %get3A_22, %dot_general3A_23 {dimension_numbers = #tpu.dot_dimension_numbers<[1], [1], [0], [0], [0, 0, 1, 0], [], []>, transpose_lhs_hint = false} : vector<256x2048xf32>, vector<2048x2048xf32>, vector<256x2048xf32> -> vector<256x2048xf32>
      %get3A_25 = arith.constant 0 : index
      %get3A_26 = arith.constant 0 : index
      %get3A_27 = vector.load %arg7[%get3A_25, %get3A_26] : memref<1x2048xf32, #tpu.memory_space<vmem>>, vector<1x2048xf32>
      %add3A_28 = vector.broadcast %get3A_27 : vector<1x2048xf32> to vector<256x2048xf32>
      %add3A_29 = arith.addf %dot_general3A_24, %add3A_28 : vector<256x2048xf32>
      %get3A_30 = arith.constant 0 : index
      %get3A_31 = arith.constant 0 : index
      %get3A_32 = vector.load %arg8[%get3A_30, %get3A_31] : memref<768x2048xf32, #tpu.memory_space<vmem>>, vector<768x2048xf32>
      %dot_general3A_33 = arith.constant dense<0.000000e+00> : vector<256x768xf32>
      %dot_general3A_34 = tpu.matmul %add3A_29, %get3A_32, %dot_general3A_33 {dimension_numbers = #tpu.dot_dimension_numbers<[1], [1], [0], [0], [0, 0, 1, 0], [], []>, transpose_lhs_hint = false} : vector<256x2048xf32>, vector<768x2048xf32>, vector<256x768xf32> -> vector<256x768xf32>
      %get3A_35 = arith.constant 0 : index
      %get3A_36 = arith.constant 0 : index
      %get3A_37 = vector.load %arg9[%get3A_35, %get3A_36] : memref<1x768xf32, #tpu.memory_space<vmem>>, vector<1x768xf32>
      %add3A_38 = vector.broadcast %get3A_37 : vector<1x768xf32> to vector<256x768xf32>
      %add3A_39 = arith.addf %dot_general3A_34, %add3A_38 : vector<256x768xf32>
      %swap3A = arith.constant 0 : index
      %swap3A_40 = arith.constant 0 : index
      %swap3A_41 = vector.load %arg10[%swap3A, %swap3A_40] : memref<256x768xf32, #tpu.memory_space<vmem>>, vector<256x768xf32>
      tpu.vector_store %arg10[%swap3A, %swap3A_40], %add3A_39 {strides = array<i32>} : memref<256x768xf32, #tpu.memory_space<vmem>>, vector<256x768xf32>,
    } else {
    }
    return
  }
  func.func @transform_0(%arg0: i32, %arg1: memref<2xi32, #tpu.memory_space<smem>>) -> (i32, i32) {
    %get3A = arith.constant 1 : index
    %get3A_0 = memref.load %arg1[%get3A] : memref<2xi32, #tpu.memory_space<smem>>
    %lt3A = arith.cmpi slt, %arg0, %get3A_0 : i32
    %get3A_1 = arith.constant 0 : index
    %get3A_2 = memref.load %arg1[%get3A_1] : memref<2xi32, #tpu.memory_space<smem>>
    %add3A = arith.addi %get3A_2, %arg0 : i32
    %jit3A = arith.constant 24 : i32
    %select_n3A = arith.select %lt3A, %add3A, %jit3A : i32
    %c0_i32 = arith.constant 0 : i32
    %c0_i32_3 = arith.constant 0 : i32
    return %select_n3A, %c0_i32 : i32, i32
  }
  func.func @transform_2(%arg0: i32, %arg1: memref<2xi32, #tpu.memory_space<smem>>) -> (i32, i32) {
    %c0_i32 = arith.constant 0 : i32
    %c0_i32_0 = arith.constant 0 : i32
    %c0_i32_1 = arith.constant 0 : i32
    return %c0_i32, %c0_i32_0 : i32, i32
  }
  func.func @transform_3(%arg0: i32, %arg1: memref<2xi32, #tpu.memory_space<smem>>) -> (i32, i32) {
    %c0_i32 = arith.constant 0 : i32
    %c0_i32_0 = arith.constant 0 : i32
    %c0_i32_1 = arith.constant 0 : i32
    return %c0_i32, %c0_i32_0 : i32, i32
  }
  func.func @transform_4(%arg0: i32, %arg1: memref<2xi32, #tpu.memory_space<smem>>) -> (i32, i32) {
    %c0_i32 = arith.constant 0 : i32
    %c0_i32_0 = arith.constant 0 : i32
    %c0_i32_1 = arith.constant 0 : i32
    return %c0_i32, %c0_i32_0 : i32, i32
  }
  func.func @transform_5(%arg0: i32, %arg1: memref<2xi32, #tpu.memory_space<smem>>) -> (i32, i32) {
    %c0_i32 = arith.constant 0 : i32
    %c0_i32_0 = arith.constant 0 : i32
    %c0_i32_1 = arith.constant 0 : i32
    return %c0_i32, %c0_i32_0 : i32, i32
  }
  func.func @transform_6(%arg0: i32, %arg1: memref<2xi32, #tpu.memory_space<smem>>) -> (i32, i32) {
    %c0_i32 = arith.constant 0 : i32
    %c0_i32_0 = arith.constant 0 : i32
    %c0_i32_1 = arith.constant 0 : i32
    return %c0_i32, %c0_i32_0 : i32, i32
  }
  func.func @transform_7(%arg0: i32, %arg1: memref<2xi32, #tpu.memory_space<smem>>) -> (i32, i32) {
    %c0_i32 = arith.constant 0 : i32
    %c0_i32_0 = arith.constant 0 : i32
    %c0_i32_1 = arith.constant 0 : i32
    return %c0_i32, %c0_i32_0 : i32, i32
  }
  func.func @transform_8(%arg0: i32, %arg1: memref<2xi32, #tpu.memory_space<smem>>) -> (i32, i32) {
    %get3A = arith.constant 1 : index
    %get3A_0 = memref.load %arg1[%get3A] : memref<2xi32, #tpu.memory_space<smem>>
    %lt3A = arith.cmpi slt, %arg0, %get3A_0 : i32
    %get3A_1 = arith.constant 0 : index
    %get3A_2 = memref.load %arg1[%get3A_1] : memref<2xi32, #tpu.memory_space<smem>>
    %add3A = arith.addi %get3A_2, %arg0 : i32
    %jit3A = arith.constant 24 : i32
    %select_n3A = arith.select %lt3A, %add3A, %jit3A : i32
    %c0_i32 = arith.constant 0 : i32
    %c0_i32_3 = arith.constant 0 : i32
    return %select_n3A, %c0_i32 : i32, i32
  }
}

module attributes {stable_mosaic.version = 14 : i64} {
  func.func @_ffn2_body(%arg0: i32, %arg1: memref<2xi32, #tpu.memory_space<smem>>, %arg2: memref<256x768xf32, #tpu.memory_space<vmem>>, %arg3: memref<6400x768xf32, #tpu.memory_space<any>>, %arg4: memref<2048x768xf32, #tpu.memory_space<vmem>>, %arg5: memref<1x2048xf32, #tpu.memory_space<vmem>>, %arg6: memref<768x2048xf32, #tpu.memory_space<vmem>>, %arg7: memref<1x768xf32, #tpu.memory_space<vmem>>, %arg8: memref<768x768xf32, #tpu.memory_space<vmem>>, %arg9: memref<1x768xf32, #tpu.memory_space<vmem>>, %arg10: memref<256x768xf32, #tpu.memory_space<vmem>>) attributes {dimension_semantics = [#tpu.dimension_semantics<arbitrary>], iteration_bounds = array<i64: 8>, scalar_prefetch = 1 : i64, scratch_operands = 0 : i64, tpu.core_type = #tpu.core_type<tc>, window_params = [{transform_indices = @transform_0, window_bounds = array<i64: 256, 768>}, {}, {pipeline_mode = #tpu.pipeline_mode<synchronous>, transform_indices = @transform_2, window_bounds = array<i64: 2048, 768>}, {pipeline_mode = #tpu.pipeline_mode<synchronous>, transform_indices = @transform_3, window_bounds = array<i64: 1, 2048>}, {pipeline_mode = #tpu.pipeline_mode<synchronous>, transform_indices = @transform_4, window_bounds = array<i64: 768, 2048>}, {pipeline_mode = #tpu.pipeline_mode<synchronous>, transform_indices = @transform_5, window_bounds = array<i64: 1, 768>}, {pipeline_mode = #tpu.pipeline_mode<synchronous>, transform_indices = @transform_6, window_bounds = array<i64: 768, 768>}, {pipeline_mode = #tpu.pipeline_mode<synchronous>, transform_indices = @transform_7, window_bounds = array<i64: 1, 768>}, {transform_indices = @transform_8, window_bounds = array<i64: 256, 768>}]} {
    %get3A = arith.constant 1 : index
    %get3A_0 = memref.load %arg1[%get3A] : memref<2xi32, #tpu.memory_space<smem>>
    %lt3A = arith.cmpi slt, %arg0, %get3A_0 : i32
    %convert_element_type3A = arith.extui %lt3A : i1 to i32
    %cond3A = arith.constant 0 : i32
    %cond3A_1 = arith.cmpi ne, %convert_element_type3A, %cond3A : i32
    scf.if %cond3A_1 {
      %get3A_2 = arith.constant 0 : index
      %get3A_3 = arith.constant 0 : index
      %get3A_4 = vector.load %arg2[%get3A_2, %get3A_3] : memref<256x768xf32, #tpu.memory_space<vmem>>, vector<256x768xf32>
      %get3A_5 = arith.constant 0 : index
      %get3A_6 = arith.constant 0 : index
      %get3A_7 = vector.load %arg4[%get3A_5, %get3A_6] : memref<2048x768xf32, #tpu.memory_space<vmem>>, vector<2048x768xf32>
      %dot_general3A = arith.constant dense<0.000000e+00> : vector<256x2048xf32>
      %dot_general3A_8 = tpu.matmul %get3A_4, %get3A_7, %dot_general3A {dimension_numbers = #tpu.dot_dimension_numbers<[1], [1], [0], [0], [0, 0, 1, 0], [], []>, transpose_lhs_hint = false} : vector<256x768xf32>, vector<2048x768xf32>, vector<256x2048xf32> -> vector<256x2048xf32>
      %get3A_9 = arith.constant 0 : index
      %get3A_10 = arith.constant 0 : index
      %get3A_11 = vector.load %arg5[%get3A_9, %get3A_10] : memref<1x2048xf32, #tpu.memory_space<vmem>>, vector<1x2048xf32>
      %add3A = vector.broadcast %get3A_11 : vector<1x2048xf32> to vector<256x2048xf32>
      %add3A_12 = arith.addf %dot_general3A_8, %add3A : vector<256x2048xf32>
      %max3A = arith.constant 0.000000e+00 : f32
      %max3A_13 = vector.broadcast %max3A : f32 to vector<256x2048xf32>
      %max3A_14 = arith.maximumf %add3A_12, %max3A_13 : vector<256x2048xf32>
      %get3A_15 = arith.constant 0 : index
      %get3A_16 = arith.constant 0 : index
      %get3A_17 = vector.load %arg6[%get3A_15, %get3A_16] : memref<768x2048xf32, #tpu.memory_space<vmem>>, vector<768x2048xf32>
      %dot_general3A_18 = arith.constant dense<0.000000e+00> : vector<256x768xf32>
      %dot_general3A_19 = tpu.matmul %max3A_14, %get3A_17, %dot_general3A_18 {dimension_numbers = #tpu.dot_dimension_numbers<[1], [1], [0], [0], [0, 0, 1, 0], [], []>, transpose_lhs_hint = false} : vector<256x2048xf32>, vector<768x2048xf32>, vector<256x768xf32> -> vector<256x768xf32>
      %get3A_20 = arith.constant 0 : index
      %get3A_21 = arith.constant 0 : index
      %get3A_22 = vector.load %arg7[%get3A_20, %get3A_21] : memref<1x768xf32, #tpu.memory_space<vmem>>, vector<1x768xf32>
      %add3A_23 = vector.broadcast %get3A_22 : vector<1x768xf32> to vector<256x768xf32>
      %add3A_24 = arith.addf %dot_general3A_19, %add3A_23 : vector<256x768xf32>
      %neg3A = arith.constant 0.000000e+00 : f32
      %neg3A_25 = vector.broadcast %neg3A : f32 to vector<256x768xf32>
      %neg3A_26 = arith.subf %neg3A_25, %add3A_24 : vector<256x768xf32>
      %exp3A = math.exp %neg3A_26 : vector<256x768xf32>
      %add3A_27 = arith.constant 1.000000e+00 : f32
      %add3A_28 = vector.broadcast %add3A_27 : f32 to vector<256x768xf32>
      %add3A_29 = arith.addf %add3A_28, %exp3A : vector<256x768xf32>
      %div3A = arith.constant 1.000000e+00 : f32
      %div3A_30 = vector.broadcast %div3A : f32 to vector<256x768xf32>
      %div3A_31 = arith.divf %div3A_30, %add3A_29 : vector<256x768xf32>
      %get3A_32 = arith.constant 0 : index
      %get3A_33 = arith.constant 0 : index
      %get3A_34 = vector.load %arg8[%get3A_32, %get3A_33] : memref<768x768xf32, #tpu.memory_space<vmem>>, vector<768x768xf32>
      %dot_general3A_35 = arith.constant dense<0.000000e+00> : vector<256x768xf32>
      %dot_general3A_36 = tpu.matmul %div3A_31, %get3A_34, %dot_general3A_35 {dimension_numbers = #tpu.dot_dimension_numbers<[1], [1], [0], [0], [0, 0, 1, 0], [], []>, transpose_lhs_hint = false} : vector<256x768xf32>, vector<768x768xf32>, vector<256x768xf32> -> vector<256x768xf32>
      %get3A_37 = arith.constant 0 : index
      %get3A_38 = arith.constant 0 : index
      %get3A_39 = vector.load %arg9[%get3A_37, %get3A_38] : memref<1x768xf32, #tpu.memory_space<vmem>>, vector<1x768xf32>
      %add3A_40 = vector.broadcast %get3A_39 : vector<1x768xf32> to vector<256x768xf32>
      %add3A_41 = arith.addf %dot_general3A_36, %add3A_40 : vector<256x768xf32>
      %swap3A = arith.constant 0 : index
      %swap3A_42 = arith.constant 0 : index
      %swap3A_43 = vector.load %arg10[%swap3A, %swap3A_42] : memref<256x768xf32, #tpu.memory_space<vmem>>, vector<256x768xf32>
      tpu.vector_store %arg10[%swap3A, %swap3A_42], %add3A_41 {strides = array<i32>} : memref<256x768xf32, #tpu.memory_space<vmem>>, vector<256x768xf32>,
    } else {
    }
    return
  }
  func.func @transform_0(%arg0: i32, %arg1: memref<2xi32, #tpu.memory_space<smem>>) -> (i32, i32) {
    %get3A = arith.constant 1 : index
    %get3A_0 = memref.load %arg1[%get3A] : memref<2xi32, #tpu.memory_space<smem>>
    %lt3A = arith.cmpi slt, %arg0, %get3A_0 : i32
    %get3A_1 = arith.constant 0 : index
    %get3A_2 = memref.load %arg1[%get3A_1] : memref<2xi32, #tpu.memory_space<smem>>
    %add3A = arith.addi %get3A_2, %arg0 : i32
    %jit3A = arith.constant 24 : i32
    %select_n3A = arith.select %lt3A, %add3A, %jit3A : i32
    %c0_i32 = arith.constant 0 : i32
    %c0_i32_3 = arith.constant 0 : i32
    return %select_n3A, %c0_i32 : i32, i32
  }
  func.func @transform_2(%arg0: i32, %arg1: memref<2xi32, #tpu.memory_space<smem>>) -> (i32, i32) {
    %c0_i32 = arith.constant 0 : i32
    %c0_i32_0 = arith.constant 0 : i32
    %c0_i32_1 = arith.constant 0 : i32
    return %c0_i32, %c0_i32_0 : i32, i32
  }
  func.func @transform_3(%arg0: i32, %arg1: memref<2xi32, #tpu.memory_space<smem>>) -> (i32, i32) {
    %c0_i32 = arith.constant 0 : i32
    %c0_i32_0 = arith.constant 0 : i32
    %c0_i32_1 = arith.constant 0 : i32
    return %c0_i32, %c0_i32_0 : i32, i32
  }
  func.func @transform_4(%arg0: i32, %arg1: memref<2xi32, #tpu.memory_space<smem>>) -> (i32, i32) {
    %c0_i32 = arith.constant 0 : i32
    %c0_i32_0 = arith.constant 0 : i32
    %c0_i32_1 = arith.constant 0 : i32
    return %c0_i32, %c0_i32_0 : i32, i32
  }
  func.func @transform_5(%arg0: i32, %arg1: memref<2xi32, #tpu.memory_space<smem>>) -> (i32, i32) {
    %c0_i32 = arith.constant 0 : i32
    %c0_i32_0 = arith.constant 0 : i32
    %c0_i32_1 = arith.constant 0 : i32
    return %c0_i32, %c0_i32_0 : i32, i32
  }
  func.func @transform_6(%arg0: i32, %arg1: memref<2xi32, #tpu.memory_space<smem>>) -> (i32, i32) {
    %c0_i32 = arith.constant 0 : i32
    %c0_i32_0 = arith.constant 0 : i32
    %c0_i32_1 = arith.constant 0 : i32
    return %c0_i32, %c0_i32_0 : i32, i32
  }
  func.func @transform_7(%arg0: i32, %arg1: memref<2xi32, #tpu.memory_space<smem>>) -> (i32, i32) {
    %c0_i32 = arith.constant 0 : i32
    %c0_i32_0 = arith.constant 0 : i32
    %c0_i32_1 = arith.constant 0 : i32
    return %c0_i32, %c0_i32_0 : i32, i32
  }
  func.func @transform_8(%arg0: i32, %arg1: memref<2xi32, #tpu.memory_space<smem>>) -> (i32, i32) {
    %get3A = arith.constant 1 : index
    %get3A_0 = memref.load %arg1[%get3A] : memref<2xi32, #tpu.memory_space<smem>>
    %lt3A = arith.cmpi slt, %arg0, %get3A_0 : i32
    %get3A_1 = arith.constant 0 : index
    %get3A_2 = memref.load %arg1[%get3A_1] : memref<2xi32, #tpu.memory_space<smem>>
    %add3A = arith.addi %get3A_2, %arg0 : i32
    %jit3A = arith.constant 24 : i32
    %select_n3A = arith.select %lt3A, %add3A, %jit3A : i32
    %c0_i32 = arith.constant 0 : i32
    %c0_i32_3 = arith.constant 0 : i32
    return %select_n3A, %c0_i32 : i32, i32
  }
}

module attributes {stable_mosaic.version = 14 : i64} {
  func.func @_ffn0_body(%arg0: i32, %arg1: memref<2xi32, #tpu.memory_space<smem>>, %arg2: memref<256x768xf32, #tpu.memory_space<vmem>>, %arg3: memref<6400x768xf32, #tpu.memory_space<any>>, %arg4: memref<2048x768xf32, #tpu.memory_space<vmem>>, %arg5: memref<1x2048xf32, #tpu.memory_space<vmem>>, %arg6: memref<768x2048xf32, #tpu.memory_space<vmem>>, %arg7: memref<1x768xf32, #tpu.memory_space<vmem>>, %arg8: memref<256x768xf32, #tpu.memory_space<vmem>>) attributes {dimension_semantics = [#tpu.dimension_semantics<arbitrary>], iteration_bounds = array<i64: 8>, scalar_prefetch = 1 : i64, scratch_operands = 0 : i64, tpu.core_type = #tpu.core_type<tc>, window_params = [{transform_indices = @transform_0, window_bounds = array<i64: 256, 768>}, {}, {pipeline_mode = #tpu.pipeline_mode<synchronous>, transform_indices = @transform_2, window_bounds = array<i64: 2048, 768>}, {pipeline_mode = #tpu.pipeline_mode<synchronous>, transform_indices = @transform_3, window_bounds = array<i64: 1, 2048>}, {pipeline_mode = #tpu.pipeline_mode<synchronous>, transform_indices = @transform_4, window_bounds = array<i64: 768, 2048>}, {pipeline_mode = #tpu.pipeline_mode<synchronous>, transform_indices = @transform_5, window_bounds = array<i64: 1, 768>}, {transform_indices = @transform_6, window_bounds = array<i64: 256, 768>}]} {
    %get3A = arith.constant 1 : index
    %get3A_0 = memref.load %arg1[%get3A] : memref<2xi32, #tpu.memory_space<smem>>
    %lt3A = arith.cmpi slt, %arg0, %get3A_0 : i32
    %convert_element_type3A = arith.extui %lt3A : i1 to i32
    %cond3A = arith.constant 0 : i32
    %cond3A_1 = arith.cmpi ne, %convert_element_type3A, %cond3A : i32
    scf.if %cond3A_1 {
      %get3A_2 = arith.constant 0 : index
      %get3A_3 = arith.constant 0 : index
      %get3A_4 = vector.load %arg2[%get3A_2, %get3A_3] : memref<256x768xf32, #tpu.memory_space<vmem>>, vector<256x768xf32>
      %get3A_5 = arith.constant 0 : index
      %get3A_6 = arith.constant 0 : index
      %get3A_7 = vector.load %arg4[%get3A_5, %get3A_6] : memref<2048x768xf32, #tpu.memory_space<vmem>>, vector<2048x768xf32>
      %dot_general3A = arith.constant dense<0.000000e+00> : vector<256x2048xf32>
      %dot_general3A_8 = tpu.matmul %get3A_4, %get3A_7, %dot_general3A {dimension_numbers = #tpu.dot_dimension_numbers<[1], [1], [0], [0], [0, 0, 1, 0], [], []>, transpose_lhs_hint = false} : vector<256x768xf32>, vector<2048x768xf32>, vector<256x2048xf32> -> vector<256x2048xf32>
      %get3A_9 = arith.constant 0 : index
      %get3A_10 = arith.constant 0 : index
      %get3A_11 = vector.load %arg5[%get3A_9, %get3A_10] : memref<1x2048xf32, #tpu.memory_space<vmem>>, vector<1x2048xf32>
      %add3A = vector.broadcast %get3A_11 : vector<1x2048xf32> to vector<256x2048xf32>
      %add3A_12 = arith.addf %dot_general3A_8, %add3A : vector<256x2048xf32>
      %mul3A = arith.constant 5.000000e-01 : f32
      %mul3A_13 = vector.broadcast %mul3A : f32 to vector<256x2048xf32>
      %mul3A_14 = arith.mulf %mul3A_13, %add3A_12 : vector<256x2048xf32>
      %mul3A_15 = arith.constant 4.471500e-02 : f32
      %mul3A_16 = vector.broadcast %mul3A_15 : f32 to vector<256x2048xf32>
      %mul3A_17 = arith.mulf %mul3A_16, %add3A_12 : vector<256x2048xf32>
      %mul3A_18 = arith.mulf %mul3A_17, %add3A_12 : vector<256x2048xf32>
      %mul3A_19 = arith.mulf %mul3A_18, %add3A_12 : vector<256x2048xf32>
      %add3A_20 = arith.addf %add3A_12, %mul3A_19 : vector<256x2048xf32>
      %mul3A_21 = arith.constant 0.797884583 : f32
      %mul3A_22 = vector.broadcast %mul3A_21 : f32 to vector<256x2048xf32>
      %mul3A_23 = arith.mulf %mul3A_22, %add3A_20 : vector<256x2048xf32>
      %tanh3A = math.tanh %mul3A_23 : vector<256x2048xf32>
      %add3A_24 = arith.constant 1.000000e+00 : f32
      %add3A_25 = vector.broadcast %add3A_24 : f32 to vector<256x2048xf32>
      %add3A_26 = arith.addf %add3A_25, %tanh3A : vector<256x2048xf32>
      %mul3A_27 = arith.mulf %mul3A_14, %add3A_26 : vector<256x2048xf32>
      %get3A_28 = arith.constant 0 : index
      %get3A_29 = arith.constant 0 : index
      %get3A_30 = vector.load %arg6[%get3A_28, %get3A_29] : memref<768x2048xf32, #tpu.memory_space<vmem>>, vector<768x2048xf32>
      %dot_general3A_31 = arith.constant dense<0.000000e+00> : vector<256x768xf32>
      %dot_general3A_32 = tpu.matmul %mul3A_27, %get3A_30, %dot_general3A_31 {dimension_numbers = #tpu.dot_dimension_numbers<[1], [1], [0], [0], [0, 0, 1, 0], [], []>, transpose_lhs_hint = false} : vector<256x2048xf32>, vector<768x2048xf32>, vector<256x768xf32> -> vector<256x768xf32>
      %get3A_33 = arith.constant 0 : index
      %get3A_34 = arith.constant 0 : index
      %get3A_35 = vector.load %arg7[%get3A_33, %get3A_34] : memref<1x768xf32, #tpu.memory_space<vmem>>, vector<1x768xf32>
      %add3A_36 = vector.broadcast %get3A_35 : vector<1x768xf32> to vector<256x768xf32>
      %add3A_37 = arith.addf %dot_general3A_32, %add3A_36 : vector<256x768xf32>
      %swap3A = arith.constant 0 : index
      %swap3A_38 = arith.constant 0 : index
      %swap3A_39 = vector.load %arg8[%swap3A, %swap3A_38] : memref<256x768xf32, #tpu.memory_space<vmem>>, vector<256x768xf32>
      tpu.vector_store %arg8[%swap3A, %swap3A_38], %add3A_37 {strides = array<i32>} : memref<256x768xf32, #tpu.memory_space<vmem>>, vector<256x768xf32>,
    } else {
    }
    return
  }
  func.func @transform_0(%arg0: i32, %arg1: memref<2xi32, #tpu.memory_space<smem>>) -> (i32, i32) {
    %get3A = arith.constant 1 : index
    %get3A_0 = memref.load %arg1[%get3A] : memref<2xi32, #tpu.memory_space<smem>>
    %lt3A = arith.cmpi slt, %arg0, %get3A_0 : i32
    %get3A_1 = arith.constant 0 : index
    %get3A_2 = memref.load %arg1[%get3A_1] : memref<2xi32, #tpu.memory_space<smem>>
    %add3A = arith.addi %get3A_2, %arg0 : i32
    %jit3A = arith.constant 24 : i32
    %select_n3A = arith.select %lt3A, %add3A, %jit3A : i32
    %c0_i32 = arith.constant 0 : i32
    %c0_i32_3 = arith.constant 0 : i32
    return %select_n3A, %c0_i32 : i32, i32
  }
  func.func @transform_2(%arg0: i32, %arg1: memref<2xi32, #tpu.memory_space<smem>>) -> (i32, i32) {
    %c0_i32 = arith.constant 0 : i32
    %c0_i32_0 = arith.constant 0 : i32
    %c0_i32_1 = arith.constant 0 : i32
    return %c0_i32, %c0_i32_0 : i32, i32
  }
  func.func @transform_3(%arg0: i32, %arg1: memref<2xi32, #tpu.memory_space<smem>>) -> (i32, i32) {
    %c0_i32 = arith.constant 0 : i32
    %c0_i32_0 = arith.constant 0 : i32
    %c0_i32_1 = arith.constant 0 : i32
    return %c0_i32, %c0_i32_0 : i32, i32
  }
  func.func @transform_4(%arg0: i32, %arg1: memref<2xi32, #tpu.memory_space<smem>>) -> (i32, i32) {
    %c0_i32 = arith.constant 0 : i32
    %c0_i32_0 = arith.constant 0 : i32
    %c0_i32_1 = arith.constant 0 : i32
    return %c0_i32, %c0_i32_0 : i32, i32
  }
  func.func @transform_5(%arg0: i32, %arg1: memref<2xi32, #tpu.memory_space<smem>>) -> (i32, i32) {
    %c0_i32 = arith.constant 0 : i32
    %c0_i32_0 = arith.constant 0 : i32
    %c0_i32_1 = arith.constant 0 : i32
    return %c0_i32, %c0_i32_0 : i32, i32
  }
  func.func @transform_6(%arg0: i32, %arg1: memref<2xi32, #tpu.memory_space<smem>>) -> (i32, i32) {
    %get3A = arith.constant 1 : index
    %get3A_0 = memref.load %arg1[%get3A] : memref<2xi32, #tpu.memory_space<smem>>
    %lt3A = arith.cmpi slt, %arg0, %get3A_0 : i32
    %get3A_1 = arith.constant 0 : index
    %get3A_2 = memref.load %arg1[%get3A_1] : memref<2xi32, #tpu.memory_space<smem>>
    %add3A = arith.addi %get3A_2, %arg0 : i32
    %jit3A = arith.constant 24 : i32
    %select_n3A = arith.select %lt3A, %add3A, %jit3A : i32
    %c0_i32 = arith.constant 0 : i32
    %c0_i32_3 = arith.constant 0 : i32
    return %select_n3A, %c0_i32 : i32, i32
  }
}

</mosaic_0001>

<sc_bundles>
// kernel: kernel.13.cloned.1.call-start
scs
__scs_entry_jumppad:
0x0: {  	(pc) =	sbr.rel $0x88, $3  }
0x1: {  	(tag) =	ssettag $0x0;
	lr =	simm.s32 $0x1  }
0x2: {  	[smem:$0x3F6D] =	sst lr;
	_ =	strace $0xD0000000  }
0x3: {  	_ = 	snop  }
0x4: {  	_ = 	snop  }
0x5: {  	_ = 	snop  }
0x6: {  	_ = 	snop  }
0x7: {  	_ = 	snop  }
__scs_overlays_trampoline_lowered:
0x8: {  	[smem:$0x3F7C] =	sst s0  }
0x9: {  	[smem:$0x3F7D] =	sst s1  }
0xa: {  	[smem:$0x3F7E] =	sst s2  }
0xb: {  	[smem:$0x3F7F] =	sst s3  }
0xc: {  	[smem:$0x3F80] =	sst s4  }
0xd: {  	[smem:$0x3F81] =	sst s5  }
0xe: {  	[smem:$0x3F82] =	sst s6  }
0xf: {  	[smem:$0x3F83] =	sst s7  }
0x10: {  	[smem:$0x3F84] =	sst s8  }
0x11: {  	[smem:$0x3F85] =	sst s9;
	s0 =	simm.s32 @!p0 $0x0  }
0x12: {  	s1 =	sld [smem:$0x3F6B];
	s0 =	simm.s32 @p0 $0x1  }
0x13: {  	[smem:$0x3F86] =	sst s0;
	s0 =	simm.s32 @!p1 $0x0  }
0x14: {  	s2 =	sld [smem:$0x3F6A];
	s0 =	simm.s32 @p1 $0x1  }
0x15: {  	[smem:$0x3F87] =	sst s0;
	s0 =	simm.s32 @!p2 $0x0  }
0x16: {  	s3 =	sld [smem:$0x3FDB];
	s0 =	simm.s32 @p2 $0x1  }
0x17: {  	s4 =	simm.s32 $0x1BF5;
	[smem:$0x3F89] =	sst s0  }
0x18: {  	s0 =	sld [smem:$0x3F6C];
	_ =	swait.ge [sflag:s4], $0x0  }
0x19: {  	s7 =	sld [smem:$0x3F6D]  }
0x1a: {  	s8 =	sadd.s32 $0xFFFFE003, lr  }
0x1b: {  	s9 =	sadd.s32 $0xFFFFFEF7, lr;
	s5 =	simm.s32 $0xFFFFFFFF;
	p2 =	slt.u32 s8, $0xFFFFF086  }
0x1c: {  	p1 =	slt.u32 s9, $0xF7A;
	s5 =	simm.s32 @!p2 $0x0  }
0x1d: {  	s5 =	simm.s32 @p1 $0x1;
	p0 =	seq.s32 s7, s2  }
0x1e: {  	s7 =	smul.u32 @!p0 $0xF7A, s2;
	p2 =	seq.s32 @!p0 s5, $0x0  }
0x1f: {  	s9 =	smul.u32 $0xF7A, s1;
	s8 =	simm.s32 @!p0 $0x1BF5;
	p2 =	por !p2, p0  }
0x20: {  	[sflag:s8] =	ssyncset.s32 @!p0 $0xFFFFF086;
	s6 =	sadd.s32 @!p0 s3, s7;
	s7 =	simm.s32 @!p0 $0x108  }
0x21: {  	s3 =	sadd.s32 s3, s9;
	s6 =	sadd.s32 @!p0 $0x88, s6;
	s7 =	simm.s32 @p2 $0x1082  }
0x22: {  	[simem:s7], [sflag:s8] =	dma.local @!p0 [hbm:s6], $0xF7A  }
0x23: {  	s9 =	sor.u32 $0xD0000000, s2;
	s6 =	simm.s32 $0x108;
	_ =	swait.ge @!p0 [sflag:s8], $0x0  }
0x24: {  	s3 =	sadd.s32 $0x88, s3;
	s6 =	simm.s32 @!p1 $0x1082;
	[sflag:s4] =	ssyncset.s32 $0xFFFFF086  }
0x25: {  	[simem:s6], [sflag:s4] =	dma.local [hbm:s3], $0xF7A  }
0x26: {  	[smem:$0x3F6D] =	sst s1;
	(tag) =	ssettag s2;
	_ =	strace s9  }
0x27: {  	s1 =	sld [smem:$0x3F7D]  }
0x28: {  	s2 =	sld [smem:$0x3F7E]  }
0x29: {  	s4 =	sld [smem:$0x3F80]  }
0x2a: {  	p0 =	seq.s32 s5, $0x0;
	s5 =	sld [smem:$0x3F81]  }
0x2b: {  	s6 =	sld [smem:$0x3F82]  }
0x2c: {  	s7 =	sld [smem:$0x3F83]  }
0x2d: {  	s3 =	simm.s32 $0x108;
	s8 =	sld [smem:$0x3F84]  }
0x2e: {  	s3 =	simm.s32 @!p0 $0x1082;
	s9 =	sld [smem:$0x3F85]  }
0x2f: {  	lr =	sadd.s32 s0, s3;
	s0 =	sld [smem:$0x3F7C]  }
0x30: {  	s3 =	sld [smem:$0x3F7F]  }
0x31: {  	[smem:$0x3F88] =	sst s10  }
0x32: {  	s10 =	sld [smem:$0x3F86];
	_ =	sdelay $0x3  }
0x33: {  	p0 =	seq.s32 s10, $0x1;
	s10 =	sld [smem:$0x3F88];
	_ =	sdelay $0x3  }
0x34: {  	[smem:$0x3F88] =	sst s10  }
0x35: {  	s10 =	sld [smem:$0x3F87];
	_ =	sdelay $0x3  }
0x36: {  	p1 =	seq.s32 s10, $0x1;
	s10 =	sld [smem:$0x3F88];
	_ =	sdelay $0x3  }
0x37: {  	[smem:$0x3F88] =	sst s10  }
0x38: {  	s10 =	sld [smem:$0x3F89]  }
0x39: {  	_ = 	snop;
	(pc) =	sbr.ind lr, $3  }
0x3a: {  	_ = 	snop  }
0x3b: {  	_ = 	snop  }
0x3c: {  	p2 =	seq.s32 s10, $0x1;
	s10 =	sld [smem:$0x3F88]  }
0x3d: {  	_ =	shalt  }
0x3e: {  	_ =	shalt  }
0x3f: {  	_ =	shalt  }
0x40: {  	_ =	shalt  }
0x41: {  	_ =	shalt  }
0x42: {  	_ =	shalt  }
0x43: {  	_ =	shalt  }
0x44: {  	_ =	shalt  }
0x45: {  	_ =	shalt  }
0x46: {  	_ =	shalt  }
0x47: {  	_ =	shalt  }
0x48: {  	_ =	shalt  }
0x49: {  	_ =	shalt  }
0x4a: {  	_ =	shalt  }
0x4b: {  	_ =	shalt  }
0x4c: {  	_ =	shalt  }
0x4d: {  	_ =	shalt  }
0x4e: {  	_ =	shalt  }
0x4f: {  	_ =	shalt  }
0x50: {  	_ =	shalt  }
0x51: {  	_ =	shalt  }
0x52: {  	_ =	shalt  }
0x53: {  	_ =	shalt  }
0x54: {  	_ =	shalt  }
0x55: {  	_ =	shalt  }
0x56: {  	_ =	shalt  }
0x57: {  	_ =	shalt  }
0x58: {  	_ =	shalt  }
0x59: {  	_ =	shalt  }
0x5a: {  	_ =	shalt  }
0x5b: {  	_ =	shalt  }
0x5c: {  	_ =	shalt  }
0x5d: {  	_ =	shalt  }
0x5e: {  	_ =	shalt  }
0x5f: {  	_ =	shalt  }
0x60: {  	_ =	shalt  }
0x61: {  	_ =	shalt  }
0x62: {  	_ =	shalt  }
0x63: {  	_ =	shalt  }
0x64: {  	_ =	shalt  }
0x65: {  	_ =	shalt  }
0x66: {  	_ =	shalt  }
0x67: {  	_ =	shalt  }
0x68: {  	_ =	shalt  }
0x69: {  	_ =	shalt  }
0x6a: {  	_ =	shalt  }
0x6b: {  	_ =	shalt  }
0x6c: {  	_ =	shalt  }
0x6d: {  	_ =	shalt  }
0x6e: {  	_ =	shalt  }
0x6f: {  	_ =	shalt  }
0x70: {  	_ =	shalt  }
0x71: {  	_ =	shalt  }
0x72: {  	_ =	shalt  }
0x73: {  	_ =	shalt  }
0x74: {  	_ =	shalt  }
0x75: {  	_ =	shalt  }
0x76: {  	_ =	shalt  }
0x77: {  	_ =	shalt  }
0x78: {  	_ =	shalt  }
0x79: {  	_ =	shalt  }
0x7a: {  	_ =	shalt  }
0x7b: {  	_ =	shalt  }
0x7c: {  	_ =	shalt  }
0x7d: {  	_ =	shalt  }
0x7e: {  	_ =	shalt  }
0x7f: {  	_ =	shalt  }
0x80: {  	_ =	shalt  }
0x81: {  	_ =	shalt  }
0x82: {  	_ =	shalt  }
0x83: {  	_ =	shalt  }
0x84: {  	_ =	shalt  }
0x85: {  	_ =	shalt  }
0x86: {  	_ =	shalt  }
0x87: {  	_ =	shalt  }
.Lfunc_end0:
.L_simem_size_0:
called_computation_lowered:
.L_overlay_start_0:
0x88: {  	s2 =	sld [smem:$0x3FD9]  }
0x89: {  	s3 =	sld [smem:$0x3FFE];
	_ =	sdelay $0x1  }
0x8a: {  	s1 =	srdreg.scid  }
0x8b: {  	s0 =	sand.u32 $0x1, s1  }
0x8c: {  	s17 =	sshll.u32 s0, $0xA;
	s2 =	sadd.s32 s3, s2  }
0x8d: {  	s2 =	sadd.s32 s2, s17  }
0x8e: {  	[smem:$0x3F94] =	sst s2  }
0x8f: {  	_ = 	snop  }
0x90: {  	s2 =	sld [smem:$0x3FC9];
	(tm) =	ssettm $0x1  }
0x91: {  	s18 =	sld [smem:$0x3FFB];
	_ =	sdelay $0x3  }
0x92: {  	_ =	strace s18  }
0x93: {  	s3 =	sld [smem:$0x3FFC];
	_ =	sdelay $0x3  }
0x94: {  	_ =	strace s3  }
0x95: {  	s3 =	sld [smem:$0x3FFD];
	_ =	sdelay $0x3  }
0x96: {  	_ =	strace s3  }
0x97: {  	_ =	strace $0x8FFFFFFF  }
0x98: {  	s19 =	sld [smem:$0x3FDB];
	_ =	sdelay $0x1  }
0x99: {  	s4 =	simm.s32 $_scs_section_size  }
0x9a: {  	s5 =	simm.s32 $_size__tile_overlayer_lowered;
	s6 =	simm.s32 $_tile_overlayer_lowered  }
0x9b: {  	s22 =	simm.s32 $0x1BFF;
	s21 =	sshll.u32 s6, $0x1;
	s3 =	sadd.s32 s4, s19  }
0x9c: {  	s7 =	simm.s32 $0x0;
	s20 =	sshll.u32 s5, $0x1;
	s5 =	sadd.s32 s21, s3  }
0x9d: {  	[timem:s7], [sflag:s22] =	dma.local [hbm:s5], s20  }
0x9e: {  	_ =	swait.ge [sflag:s22], s20  }
0x9f: {  	s4 =	ssub.s32 $0x0, s20;
	[sflag:s22] =	ssyncset.done $0x0  }
0xa0: {  	[sflag:s22] =	ssyncadd.s32 s4;
	_ =	sdelay $0x1  }
0xa1: {  	s23 =	simm.s32 $0x1B8B  }
0xa2: {  	_ =	swait.ge [sflag:s23], $0x1  }
0xa3: {  	[sflag:s23] =	ssyncset.done $0x0  }
0xa4: {  	s25 =	simm.s32 $0x1B8E;
	s24 =	sld [smem:$0x3FFE];
	[sflag:s23] =	ssyncadd.s32 $0xFFFFFFFF  }
0xa5: {  	s26 =	simm.s32 $execute0_lowered;
	[smem:$0x3FD2] =	sst s25  }
0xa6: {  	s5 =	sshll.u32 s26, $0x1;
	_ =	strace $0x80000046;
	[dreg:$0x1] =	wrdreg $0xFFFFFFFF  }
0xa7: {  	s28 =	simm.s32 $_size_execute0_lowered;
	s3 =	sadd.s32 s3, s5;
	[dreg:$0x0] =	wrdreg $0x0  }
0xa8: {  	s5 =	sshll.u32 s28, $0x1;
	[dreg:$0x2] =	wrdreg s3  }
0xa9: {  	[dreg:$0x3] =	wrdreg s5  }
0xaa: {  	[dreg:$0x4] =	wrdreg $0xC0  }
0xab: {  	_ =	task [dreg:s7], $0x5FFFF  }
0xac: {  	[dreg:$0x1] =	wrdreg $0xFFFFFFFF  }
0xad: {  	[dreg:$0x0] =	wrdreg $0x60  }
0xae: {  	[dreg:$0x2] =	wrdreg s2  }
0xaf: {  	[dreg:$0x3] =	wrdreg s24  }
0xb0: {  	[dreg:$0x4] =	wrdreg $0x9  }
0xb1: {  	_ =	task.clear_ibuf [dreg:s7], $0x5FFFF;
	_ =	strace $0x90000046  }
0xb2: {  	s29 =	simm.s32 $0x9;
	_ =	strace $0x80000048  }
0xb3: {  	_ =	swait.ge [sflag:s29], $0x1  }
0xb4: {  	[sflag:s29] =	ssyncadd.s32 $0xFFFFFFFF  }
0xb5: {  	_ =	strace $0x90000048  }
0xb6: {  	_ =	sfence  }
0xb7: {  	s30 =	sld [smem:$0x0];
	_ =	sdelay $0x2  }
0xb8: {  	s31 =	sshll.u32 s1, $0xD;
	s1 =	sshrl.u32 s1, $0x2  }
0xb9: {  	s3 =	sand.u32 $0x4000, s31;
	s1 =	sadd.s32 s1, s30  }
0xba: {  	s0 =	sor.u32 s3, s0;
	s1 =	sshll.u32 s1, $0x11  }
0xbb: {  	s0 =	sor.u32 s1, s0  }
0xbc: {  	s0 =	sadd.s32 $0x8F2B, s0  }
0xbd: {  	[sflag:s0] =	ssyncadd.remote.s32 $0x1  }
0xbe: {  	_ =	sfence.sel $0xFFFF  }
0xbf: {  	[dreg:$0x0] =	wrdreg $0xFFFFFFFF;
	(pc) =	sbr.abs _section_cstart, $3  }
0xc0: {  	[dreg:$0x1] =	wrdreg $0xFFFFFFFF  }
0xc1: {  	_ =	task.clear_ibuf [dreg:s7], $0x2FFFF;
	_ =	strace $0x9FFFFFFF  }
0xc2: {  	(tm) =	ssettm $0x7FFFFFFF  }
0xc3: {  	_ =	shalt  }
tec
execute0_lowered:
.L_overlay_start_1:
0x0: {  	(tag) =	ssettag $0x1  }
0x1: {  	s0 =	srdreg.scid;
	s1 =	rddreg [dreg:$0x0]  }
0x2: {  	s2 =	stileid.u32;
	s5 =	rddreg [dreg:$0x1]  }
0x3: {  	s26 =	simm.s32 $0x80;
	s7 =	simm.s32 $0x100;
	s8 =	simm.s32 $0x2  }
0x4: {  	s11 =	simm.s32 $0x1900;
	s12 =	simm.s32 $0x2100;
	s13 =	simm.s32 $0x2900  }
0x5: {  	s14 =	simm.s32 $0x3100;
	s15 =	simm.s32 $0x3900;
	s16 =	simm.s32 $0x4100  }
0x6: {  	s17 =	simm.s32 $0x4900;
	s18 =	simm.s32 $0x5100;
	s19 =	simm.s32 $0x5900  }
0x7: {  	s20 =	simm.s32 $0x6100;
	s21 =	simm.s32 $0x6900;
	s22 =	simm.s32 $0x7100  }
0x8: {  	s28 =	simm.s32 $0x9900;
	s29 =	simm.s32 $0xA100;
	s30 =	simm.s32 $0xA900  }
0x9: {  	s0 =	sand.u32 $0x1, s0;
	s3 =	sshll.u32 s2, $0x4;
	s2 =	simm.s32 $0x0  }
0xa: {  	s31 =	simm.s32 $0xB100;
	s4 =	sshll.u32 s0, $0x3;
	[smem:$0x7FF] =	sst s2  }
0xb: {  	s0 =	ssub.s32 $0x2, s0;
	s3 =	sor.u32 s4, s3;
	_ =	strace $0x80000047  }
0xc: {  	s24 =	sshrl.u32 s0, $0x1;
	[dreg:$0x6] =	wrdreg s26;
	s26 =	simm.s32 $0x9100  }
0xd: {  	s4 =	smul.u32 $0x300, s3;
	s6 =	sadd.s32 s3, s5;
	s3 =	sadd.s32 $0x18800, s5  }
0xe: {  	s0 =	ssub.s32 s0, s24;
	s24 =	simm.s32 $0x8100;
	s23 =	sadd.s32 $0x18400, s6  }
0xf: {  	s25 =	sadd.s32 $0x18600, s6;
	s6 =	smax.u32 s0, $0x1;
	[dreg:$0x4] =	wrdreg s23  }
0x10: {  	v2 =	vlaneseq.u32;
	s0 =	simm.s32 $0x1;
	s1 =	sadd.s32 s1, s4;
	[dreg:$0x5] =	wrdreg s25  }
0x11: {  	vm0 =	vmmov $0xffff;
	v1 =	vshrl.u32 v2, $0x3;
	s4 =	sadd.s32 $0x18900, s5;
	s5 =	sadd.s32 $0x18A00, s5;
	s23 =	simm.s32 $0x7900  }
0x12: {  	v0 =	vand.u32 $0x7, v2;
	v2 =	vor.u32 $0x8, v2;
	v1 =	vmul.u32 $0x8, v1;
	s25 =	simm.s32 $0x8900;
	[dreg:$0x3] =	wrdreg s1;
	s1 =	simm.s32 $0xB900  }
.LBB2_1:
0x13: {  	s9 =	rddreg [dreg:$0x3]  }
0x14: {  	[tilespmem:s7], [sflag:$0x2] =	stream.linear.gather [hbm4b:s9+s2], $0xC000, $0x38;
	[tilespmem:$0xC100] =	vst v63  }
0x15: {  	_ =	swait.ge [sflag:s8], $0xC000  }
0x16: {  	[sflag:s8] =	ssyncset.done $0x0  }
0x17: {  	s10 =	rddreg [dreg:$0x4];
	[sflag:s8] =	ssyncadd.s32 $0xFFFF4000  }
0x18: {  	[tilespmem:s2], [sflag:$0x2] =	stream.linear.gather [hbm4b:s10+s2], $0x40, $0x38;
	[tilespmem:$0xC100] =	vst v63  }
0x19: {  	_ =	swait.ge [sflag:s8], $0x40  }
0x1a: {  	s9 =	rddreg [dreg:$0x5];
	[sflag:s8] =	ssyncset.done $0x0  }
0x1b: {  	s10 =	rddreg [dreg:$0x6];
	[sflag:s8] =	ssyncadd.s32 $0xFFFFFFC0  }
0x1c: {  	[tilespmem:s10], [sflag:$0x2] =	stream.linear.gather [hbm4b:s9+s2], $0x40, $0x38;
	[tilespmem:$0xC100] =	vst v63  }
0x1d: {  	_ =	swait.ge [sflag:s8], $0x40  }
0x1e: {  	[sflag:s8] =	ssyncset.done $0x0  }
0x1f: {  	[sflag:s8] =	ssyncadd.s32 $0xFFFFFFC0  }
0x20: {  	v3 =	vld [tilespmem:$0x0];
	_ =	sdelay $0x4  }
0x21: {  	v4 =	vshrl.u32 v3, $0x3  }
0x22: {  	v4 =	vmul.u32 $0x30, v4  }
0x23: {  	v3 =	vand.u32 $0x7, v3  }
0x24: {  	v3 =	vor.u32 v3, v4  }
0x25: {  	v4 =	vperm.xlane v3, v0;
	_ =	sdelay $0x1  }
0x26: {  	v4 =	vadd.s32 v1, v4;
	_ =	sdelay $0x3  }
0x27: {  	v3 =	vperm.xlane v3, v2  }
0x28: {  	[hbm4b:s3+s2] =	stream.indirect_vreg.scatter [tilespmem:s7], [sflag:$0x1], $0x80, v4, vm0, $0xb8;
	[tilespmem:$0xC100] =	vst v63  }
0x29: {  	s9 =	simm.s32 $0x900;
	v3 =	vadd.s32 v1, v3  }
0x2a: {  	[hbm4b:s4+s2] =	stream.indirect_vreg.scatter [tilespmem:s9], [sflag:$0x1], $0x80, v4, vm0, $0xb8;
	[tilespmem:$0xC100] =	vst v63  }
0x2b: {  	s10 =	simm.s32 $0x1100  }
0x2c: {  	[hbm4b:s5+s2] =	stream.indirect_vreg.scatter [tilespmem:s10], [sflag:$0x1], $0x80, v4, vm0, $0xb8;
	[tilespmem:$0xC100] =	vst v63  }
0x2d: {  	_ = 	snop  }
0x2e: {  	[hbm4b:s3+s2] =	stream.indirect_vreg.scatter [tilespmem:s11], [sflag:$0x1], $0x80, v3, vm0, $0xb8;
	[tilespmem:$0xC100] =	vst v63  }
0x2f: {  	_ = 	snop  }
0x30: {  	[hbm4b:s4+s2] =	stream.indirect_vreg.scatter [tilespmem:s12], [sflag:$0x1], $0x80, v3, vm0, $0xb8;
	[tilespmem:$0xC100] =	vst v63  }
0x31: {  	_ = 	snop  }
0x32: {  	[hbm4b:s5+s2] =	stream.indirect_vreg.scatter [tilespmem:s13], [sflag:$0x1], $0x80, v3, vm0, $0xb8;
	[tilespmem:$0xC100] =	vst v63  }
0x33: {  	v3 =	vld [tilespmem:$0x10];
	_ =	sdelay $0x4  }
0x34: {  	v57 =	vshrl.u32 v3, $0x3  }
0x35: {  	v4 =	vmul.u32 $0x30, v57  }
0x36: {  	v3 =	vand.u32 $0x7, v3  }
0x37: {  	v3 =	vor.u32 v3, v4  }
0x38: {  	v4 =	vperm.xlane v3, v0;
	_ =	sdelay $0x1  }
0x39: {  	v4 =	vadd.s32 v1, v4;
	_ =	sdelay $0x3  }
0x3a: {  	v3 =	vperm.xlane v3, v2  }
0x3b: {  	[hbm4b:s3+s2] =	stream.indirect_vreg.scatter [tilespmem:s14], [sflag:$0x1], $0x80, v4, vm0, $0xb8;
	[tilespmem:$0xC100] =	vst v63  }
0x3c: {  	v3 =	vadd.s32 v1, v3  }
0x3d: {  	[hbm4b:s4+s2] =	stream.indirect_vreg.scatter [tilespmem:s15], [sflag:$0x1], $0x80, v4, vm0, $0xb8;
	[tilespmem:$0xC100] =	vst v63  }
0x3e: {  	_ = 	snop  }
0x3f: {  	[hbm4b:s5+s2] =	stream.indirect_vreg.scatter [tilespmem:s16], [sflag:$0x1], $0x80, v4, vm0, $0xb8;
	[tilespmem:$0xC100] =	vst v63  }
0x40: {  	_ = 	snop  }
0x41: {  	[hbm4b:s3+s2] =	stream.indirect_vreg.scatter [tilespmem:s17], [sflag:$0x1], $0x80, v3, vm0, $0xb8;
	[tilespmem:$0xC100] =	vst v63  }
0x42: {  	_ = 	snop  }
0x43: {  	[hbm4b:s4+s2] =	stream.indirect_vreg.scatter [tilespmem:s18], [sflag:$0x1], $0x80, v3, vm0, $0xb8;
	[tilespmem:$0xC100] =	vst v63  }
0x44: {  	_ = 	snop  }
0x45: {  	[hbm4b:s5+s2] =	stream.indirect_vreg.scatter [tilespmem:s19], [sflag:$0x1], $0x80, v3, vm0, $0xb8;
	[tilespmem:$0xC100] =	vst v63  }
0x46: {  	v3 =	vld [tilespmem:$0x20];
	_ =	sdelay $0x4  }
0x47: {  	v58 =	vshrl.u32 v3, $0x3  }
0x48: {  	v4 =	vmul.u32 $0x30, v58  }
0x49: {  	v3 =	vand.u32 $0x7, v3  }
0x4a: {  	v3 =	vor.u32 v3, v4  }
0x4b: {  	v4 =	vperm.xlane v3, v0;
	_ =	sdelay $0x1  }
0x4c: {  	v4 =	vadd.s32 v1, v4;
	_ =	sdelay $0x3  }
0x4d: {  	v3 =	vperm.xlane v3, v2  }
0x4e: {  	[hbm4b:s3+s2] =	stream.indirect_vreg.scatter [tilespmem:s20], [sflag:$0x1], $0x80, v4, vm0, $0xb8;
	[tilespmem:$0xC100] =	vst v63  }
0x4f: {  	v3 =	vadd.s32 v1, v3  }
0x50: {  	[hbm4b:s4+s2] =	stream.indirect_vreg.scatter [tilespmem:s21], [sflag:$0x1], $0x80, v4, vm0, $0xb8;
	[tilespmem:$0xC100] =	vst v63  }
0x51: {  	_ = 	snop  }
0x52: {  	[hbm4b:s5+s2] =	stream.indirect_vreg.scatter [tilespmem:s22], [sflag:$0x1], $0x80, v4, vm0, $0xb8;
	[tilespmem:$0xC100] =	vst v63  }
0x53: {  	_ = 	snop  }
0x54: {  	[hbm4b:s3+s2] =	stream.indirect_vreg.scatter [tilespmem:s23], [sflag:$0x1], $0x80, v3, vm0, $0xb8;
	[tilespmem:$0xC100] =	vst v63  }
0x55: {  	_ = 	snop  }
0x56: {  	[hbm4b:s4+s2] =	stream.indirect_vreg.scatter [tilespmem:s24], [sflag:$0x1], $0x80, v3, vm0, $0xb8;
	[tilespmem:$0xC100] =	vst v63  }
0x57: {  	_ = 	snop  }
0x58: {  	[hbm4b:s5+s2] =	stream.indirect_vreg.scatter [tilespmem:s25], [sflag:$0x1], $0x80, v3, vm0, $0xb8;
	[tilespmem:$0xC100] =	vst v63  }
0x59: {  	v3 =	vld [tilespmem:$0x30];
	_ =	sdelay $0x4  }
0x5a: {  	v59 =	vshrl.u32 v3, $0x3  }
0x5b: {  	v4 =	vmul.u32 $0x30, v59  }
0x5c: {  	v3 =	vand.u32 $0x7, v3  }
0x5d: {  	v3 =	vor.u32 v3, v4  }
0x5e: {  	v4 =	vperm.xlane v3, v0;
	_ =	sdelay $0x1  }
0x5f: {  	v4 =	vadd.s32 v1, v4;
	_ =	sdelay $0x3  }
0x60: {  	v3 =	vperm.xlane v3, v2  }
0x61: {  	[hbm4b:s3+s2] =	stream.indirect_vreg.scatter [tilespmem:s26], [sflag:$0x1], $0x80, v4, vm0, $0xb8;
	[tilespmem:$0xC100] =	vst v63  }
0x62: {  	v3 =	vadd.s32 v1, v3  }
0x63: {  	[hbm4b:s4+s2] =	stream.indirect_vreg.scatter [tilespmem:s28], [sflag:$0x1], $0x80, v4, vm0, $0xb8;
	[tilespmem:$0xC100] =	vst v63  }
0x64: {  	_ = 	snop  }
0x65: {  	[hbm4b:s5+s2] =	stream.indirect_vreg.scatter [tilespmem:s29], [sflag:$0x1], $0x80, v4, vm0, $0xb8;
	[tilespmem:$0xC100] =	vst v63  }
0x66: {  	_ = 	snop  }
0x67: {  	[hbm4b:s3+s2] =	stream.indirect_vreg.scatter [tilespmem:s30], [sflag:$0x1], $0x80, v3, vm0, $0xb8;
	[tilespmem:$0xC100] =	vst v63  }
0x68: {  	_ = 	snop  }
0x69: {  	[hbm4b:s4+s2] =	stream.indirect_vreg.scatter [tilespmem:s31], [sflag:$0x1], $0x80, v3, vm0, $0xb8;
	[tilespmem:$0xC100] =	vst v63  }
0x6a: {  	_ = 	snop  }
0x6b: {  	[hbm4b:s5+s2] =	stream.indirect_vreg.scatter [tilespmem:s1], [sflag:$0x1], $0x80, v3, vm0, $0xb8;
	[tilespmem:$0xC100] =	vst v63  }
0x6c: {  	v3 =	vld [tilespmem:$0x80];
	_ =	sdelay $0x4  }
0x6d: {  	v60 =	vshrl.u32 v3, $0x3  }
0x6e: {  	v4 =	vmul.u32 $0x30, v60  }
0x6f: {  	v3 =	vand.u32 $0x7, v3  }
0x70: {  	v3 =	vor.u32 v3, v4  }
0x71: {  	v4 =	vperm.xlane v3, v0;
	_ =	sdelay $0x1  }
0x72: {  	v4 =	vadd.s32 v1, v4;
	_ =	sdelay $0x3  }
0x73: {  	v3 =	vperm.xlane v3, v2  }
0x74: {  	[hbm4b:s3+s2] =	stream.indirect_vreg.scatter [tilespmem:s7], [sflag:$0x1], $0x80, v4, vm0, $0xb8;
	[tilespmem:$0xC100] =	vst v63  }
0x75: {  	v3 =	vadd.s32 v1, v3  }
0x76: {  	[hbm4b:s4+s2] =	stream.indirect_vreg.scatter [tilespmem:s9], [sflag:$0x1], $0x80, v4, vm0, $0xb8;
	[tilespmem:$0xC100] =	vst v63  }
0x77: {  	_ = 	snop  }
0x78: {  	[hbm4b:s5+s2] =	stream.indirect_vreg.scatter [tilespmem:s10], [sflag:$0x1], $0x80, v4, vm0, $0xb8;
	[tilespmem:$0xC100] =	vst v63  }
0x79: {  	_ = 	snop  }
0x7a: {  	[hbm4b:s3+s2] =	stream.indirect_vreg.scatter [tilespmem:s11], [sflag:$0x1], $0x80, v3, vm0, $0xb8;
	[tilespmem:$0xC100] =	vst v63  }
0x7b: {  	_ = 	snop  }
0x7c: {  	[hbm4b:s4+s2] =	stream.indirect_vreg.scatter [tilespmem:s12], [sflag:$0x1], $0x80, v3, vm0, $0xb8;
	[tilespmem:$0xC100] =	vst v63  }
0x7d: {  	_ = 	snop  }
0x7e: {  	[hbm4b:s5+s2] =	stream.indirect_vreg.scatter [tilespmem:s13], [sflag:$0x1], $0x80, v3, vm0, $0xb8;
	[tilespmem:$0xC100] =	vst v63  }
0x7f: {  	v3 =	vld [tilespmem:$0x90];
	_ =	sdelay $0x4  }
0x80: {  	v61 =	vshrl.u32 v3, $0x3  }
0x81: {  	v4 =	vmul.u32 $0x30, v61  }
0x82: {  	v3 =	vand.u32 $0x7, v3  }
0x83: {  	v3 =	vor.u32 v3, v4  }
0x84: {  	v4 =	vperm.xlane v3, v0;
	_ =	sdelay $0x1  }
0x85: {  	v4 =	vadd.s32 v1, v4;
	_ =	sdelay $0x3  }
0x86: {  	v3 =	vperm.xlane v3, v2  }
0x87: {  	[hbm4b:s3+s2] =	stream.indirect_vreg.scatter [tilespmem:s14], [sflag:$0x1], $0x80, v4, vm0, $0xb8;
	[tilespmem:$0xC100] =	vst v63  }
0x88: {  	v3 =	vadd.s32 v1, v3  }
0x89: {  	[hbm4b:s4+s2] =	stream.indirect_vreg.scatter [tilespmem:s15], [sflag:$0x1], $0x80, v4, vm0, $0xb8;
	[tilespmem:$0xC100] =	vst v63  }
0x8a: {  	_ = 	snop  }
0x8b: {  	[hbm4b:s5+s2] =	stream.indirect_vreg.scatter [tilespmem:s16], [sflag:$0x1], $0x80, v4, vm0, $0xb8;
	[tilespmem:$0xC100] =	vst v63  }
0x8c: {  	_ = 	snop  }
0x8d: {  	[hbm4b:s3+s2] =	stream.indirect_vreg.scatter [tilespmem:s17], [sflag:$0x1], $0x80, v3, vm0, $0xb8;
	[tilespmem:$0xC100] =	vst v63  }
0x8e: {  	_ = 	snop  }
0x8f: {  	[hbm4b:s4+s2] =	stream.indirect_vreg.scatter [tilespmem:s18], [sflag:$0x1], $0x80, v3, vm0, $0xb8;
	[tilespmem:$0xC100] =	vst v63  }
0x90: {  	_ = 	snop  }
0x91: {  	[hbm4b:s5+s2] =	stream.indirect_vreg.scatter [tilespmem:s19], [sflag:$0x1], $0x80, v3, vm0, $0xb8;
	[tilespmem:$0xC100] =	vst v63  }
0x92: {  	v3 =	vld [tilespmem:$0xA0];
	_ =	sdelay $0x4  }
0x93: {  	v62 =	vshrl.u32 v3, $0x3  }
0x94: {  	v4 =	vmul.u32 $0x30, v62  }
0x95: {  	v3 =	vand.u32 $0x7, v3  }
0x96: {  	v3 =	vor.u32 v3, v4  }
0x97: {  	v4 =	vperm.xlane v3, v0;
	_ =	sdelay $0x1  }
0x98: {  	v4 =	vadd.s32 v1, v4;
	_ =	sdelay $0x3  }
0x99: {  	v3 =	vperm.xlane v3, v2  }
0x9a: {  	[hbm4b:s3+s2] =	stream.indirect_vreg.scatter [tilespmem:s20], [sflag:$0x1], $0x80, v4, vm0, $0xb8;
	[tilespmem:$0xC100] =	vst v63  }
0x9b: {  	v3 =	vadd.s32 v1, v3  }
0x9c: {  	[hbm4b:s4+s2] =	stream.indirect_vreg.scatter [tilespmem:s21], [sflag:$0x1], $0x80, v4, vm0, $0xb8;
	[tilespmem:$0xC100] =	vst v63  }
0x9d: {  	_ = 	snop  }
0x9e: {  	[hbm4b:s5+s2] =	stream.indirect_vreg.scatter [tilespmem:s22], [sflag:$0x1], $0x80, v4, vm0, $0xb8;
	[tilespmem:$0xC100] =	vst v63  }
0x9f: {  	_ = 	snop  }
0xa0: {  	[hbm4b:s3+s2] =	stream.indirect_vreg.scatter [tilespmem:s23], [sflag:$0x1], $0x80, v3, vm0, $0xb8;
	[tilespmem:$0xC100] =	vst v63  }
0xa1: {  	_ = 	snop  }
0xa2: {  	[hbm4b:s4+s2] =	stream.indirect_vreg.scatter [tilespmem:s24], [sflag:$0x1], $0x80, v3, vm0, $0xb8;
	[tilespmem:$0xC100] =	vst v63  }
0xa3: {  	_ = 	snop  }
0xa4: {  	[hbm4b:s5+s2] =	stream.indirect_vreg.scatter [tilespmem:s25], [sflag:$0x1], $0x80, v3, vm0, $0xb8;
	[tilespmem:$0xC100] =	vst v63  }
0xa5: {  	v3 =	vld [tilespmem:$0xB0];
	_ =	sdelay $0x4  }
0xa6: {  	v63 =	vshrl.u32 v3, $0x3  }
0xa7: {  	v4 =	vmul.u32 $0x30, v63  }
0xa8: {  	v3 =	vand.u32 $0x7, v3  }
0xa9: {  	v3 =	vor.u32 v3, v4  }
0xaa: {  	v4 =	vperm.xlane v3, v0;
	_ =	sdelay $0x1  }
0xab: {  	v4 =	vadd.s32 v1, v4;
	_ =	sdelay $0x3  }
0xac: {  	v3 =	vperm.xlane v3, v2  }
0xad: {  	[hbm4b:s3+s2] =	stream.indirect_vreg.scatter [tilespmem:s26], [sflag:$0x1], $0x80, v4, vm0, $0xb8;
	[tilespmem:$0xC100] =	vst v63  }
0xae: {  	v3 =	vadd.s32 v1, v3  }
0xaf: {  	[hbm4b:s4+s2] =	stream.indirect_vreg.scatter [tilespmem:s28], [sflag:$0x1], $0x80, v4, vm0, $0xb8;
	[tilespmem:$0xC100] =	vst v63  }
0xb0: {  	_ = 	snop  }
0xb1: {  	[hbm4b:s5+s2] =	stream.indirect_vreg.scatter [tilespmem:s29], [sflag:$0x1], $0x80, v4, vm0, $0xb8;
	[tilespmem:$0xC100] =	vst v63  }
0xb2: {  	_ = 	snop  }
0xb3: {  	[hbm4b:s3+s2] =	stream.indirect_vreg.scatter [tilespmem:s30], [sflag:$0x1], $0x80, v3, vm0, $0xb8;
	[tilespmem:$0xC100] =	vst v63  }
0xb4: {  	_ = 	snop  }
0xb5: {  	[hbm4b:s4+s2] =	stream.indirect_vreg.scatter [tilespmem:s31], [sflag:$0x1], $0x80, v3, vm0, $0xb8;
	[tilespmem:$0xC100] =	vst v63  }
0xb6: {  	_ = 	snop  }
0xb7: {  	[hbm4b:s5+s2] =	stream.indirect_vreg.scatter [tilespmem:s1], [sflag:$0x1], $0x80, v3, vm0, $0xb8;
	[tilespmem:$0xC100] =	vst v63  }
0xb8: {  	p0 =	sne.s32 s6, $0x1;
	_ =	swait.ge [sflag:s0], $0xC000  }
.Ltmp0:
0xb9: {  	[sflag:s0] =	ssyncset.done $0x0;
	(pc) =	sbr.rel @p0 .LBB2_1-.Ltmp0, $4  }
0xba: {  	[sflag:s0] =	ssyncadd.s32 $0xFFFF4000  }
0xbb: {  	_ =	swait.ge [sflag:s0], $0xC000  }
0xbc: {  	[sflag:s0] =	ssyncset.done $0x0  }
0xbd: {  	s6 =	sadd.s32 $0xFFFFFFFF, s6;
	[sflag:s0] =	ssyncadd.s32 $0xFFFF4000  }
0xbe: {  	_ =	sfence.sel $0x180000  }
0xbf: {  	[bflag:$0x0] =	sbarrier.arrive $0xFFFF  }
0xc0: {  	_ =	strace $0x90000047  }
0xc1: {  	s0 =	stileid.u32;
	[bflag:$0x2] =	sbarrier.arrive $0xFFFF  }
0xc2: {  	p0 =	sne.s32 s0, $0x0;
	s0 =	rddreg [dreg:$0x2]  }
0xc3: {  	s0 =	sadd.s32 @!p0 $0x100000, s0  }
0xc4: {  	[sflag:s0] =	ssyncadd.tile.s32 @!p0 $0x1;
	_ =	shalt  }
.Lfunc_end2:
_tile_overlayer_lowered:
.L_overlay_start_2:
0xc5: {  	(tag) =	ssettag $0x2  }
0xc6: {  	s0 =	rddreg [dreg:$0x0];
	s2 =	stileid.u32  }
0xc7: {  	s1 =	rddreg [dreg:$0x1];
	p0 =	sne.s32 s2, $0x0  }
0xc8: {  	s3 =	rddreg [dreg:$0x2];
	[bflag:$0x3] =	sbarrier.arrive $0xFFFF;
	s2 =	simm.s32 @!p0 $0x1C02  }
0xc9: {  	[timem:s3], [sflag:s2] =	dma.local @!p0 [hbm:s0], s1  }
0xca: {  	s0 =	simm.s32 @!p0 $0x2  }
0xcb: {  	_ =	swait.ge @!p0 [sflag:s0], s1  }
0xcc: {  	s1 =	ssub.s32 @!p0 $0x0, s1;
	[sflag:s0] =	ssyncset.done @!p0 $0x0  }
0xcd: {  	[sflag:s0] =	ssyncadd.s32 @!p0 s1  }
0xce: {  	[bflag:$0x3] =	sbarrier.arrive $0xFFFF  }
0xcf: {  	_ =	shalt  }

// kernel: kernel.16.cloned.1.call-start
scs
__scs_entry_jumppad:
0x0: {  	(pc) =	sbr.rel $0x88, $3  }
0x1: {  	(tag) =	ssettag $0x0;
	lr =	simm.s32 $0x1  }
0x2: {  	[smem:$0x3F6D] =	sst lr;
	_ =	strace $0xD0000000  }
0x3: {  	_ = 	snop  }
0x4: {  	_ = 	snop  }
0x5: {  	_ = 	snop  }
0x6: {  	_ = 	snop  }
0x7: {  	_ = 	snop  }
__scs_overlays_trampoline_lowered:
0x8: {  	[smem:$0x3F7C] =	sst s0  }
0x9: {  	[smem:$0x3F7D] =	sst s1  }
0xa: {  	[smem:$0x3F7E] =	sst s2  }
0xb: {  	[smem:$0x3F7F] =	sst s3  }
0xc: {  	[smem:$0x3F80] =	sst s4  }
0xd: {  	[smem:$0x3F81] =	sst s5  }
0xe: {  	[smem:$0x3F82] =	sst s6  }
0xf: {  	[smem:$0x3F83] =	sst s7  }
0x10: {  	[smem:$0x3F84] =	sst s8  }
0x11: {  	[smem:$0x3F85] =	sst s9;
	s0 =	simm.s32 @!p0 $0x0  }
0x12: {  	s1 =	sld [smem:$0x3F6B];
	s0 =	simm.s32 @p0 $0x1  }
0x13: {  	[smem:$0x3F86] =	sst s0;
	s0 =	simm.s32 @!p1 $0x0  }
0x14: {  	s2 =	sld [smem:$0x3F6A];
	s0 =	simm.s32 @p1 $0x1  }
0x15: {  	[smem:$0x3F87] =	sst s0;
	s0 =	simm.s32 @!p2 $0x0  }
0x16: {  	s3 =	sld [smem:$0x3FDB];
	s0 =	simm.s32 @p2 $0x1  }
0x17: {  	s4 =	simm.s32 $0x1BF5;
	[smem:$0x3F89] =	sst s0  }
0x18: {  	s0 =	sld [smem:$0x3F6C];
	_ =	swait.ge [sflag:s4], $0x0  }
0x19: {  	s7 =	sld [smem:$0x3F6D]  }
0x1a: {  	s8 =	sadd.s32 $0xFFFFE003, lr  }
0x1b: {  	s9 =	sadd.s32 $0xFFFFFEF7, lr;
	s5 =	simm.s32 $0xFFFFFFFF;
	p2 =	slt.u32 s8, $0xFFFFF086  }
0x1c: {  	p1 =	slt.u32 s9, $0xF7A;
	s5 =	simm.s32 @!p2 $0x0  }
0x1d: {  	s5 =	simm.s32 @p1 $0x1;
	p0 =	seq.s32 s7, s2  }
0x1e: {  	s7 =	smul.u32 @!p0 $0xF7A, s2;
	p2 =	seq.s32 @!p0 s5, $0x0  }
0x1f: {  	s9 =	smul.u32 $0xF7A, s1;
	s8 =	simm.s32 @!p0 $0x1BF5;
	p2 =	por !p2, p0  }
0x20: {  	[sflag:s8] =	ssyncset.s32 @!p0 $0xFFFFF086;
	s6 =	sadd.s32 @!p0 s3, s7;
	s7 =	simm.s32 @!p0 $0x108  }
0x21: {  	s3 =	sadd.s32 s3, s9;
	s6 =	sadd.s32 @!p0 $0x88, s6;
	s7 =	simm.s32 @p2 $0x1082  }
0x22: {  	[simem:s7], [sflag:s8] =	dma.local @!p0 [hbm:s6], $0xF7A  }
0x23: {  	s9 =	sor.u32 $0xD0000000, s2;
	s6 =	simm.s32 $0x108;
	_ =	swait.ge @!p0 [sflag:s8], $0x0  }
0x24: {  	s3 =	sadd.s32 $0x88, s3;
	s6 =	simm.s32 @!p1 $0x1082;
	[sflag:s4] =	ssyncset.s32 $0xFFFFF086  }
0x25: {  	[simem:s6], [sflag:s4] =	dma.local [hbm:s3], $0xF7A  }
0x26: {  	[smem:$0x3F6D] =	sst s1;
	(tag) =	ssettag s2;
	_ =	strace s9  }
0x27: {  	s1 =	sld [smem:$0x3F7D]  }
0x28: {  	s2 =	sld [smem:$0x3F7E]  }
0x29: {  	s4 =	sld [smem:$0x3F80]  }
0x2a: {  	p0 =	seq.s32 s5, $0x0;
	s5 =	sld [smem:$0x3F81]  }
0x2b: {  	s6 =	sld [smem:$0x3F82]  }
0x2c: {  	s7 =	sld [smem:$0x3F83]  }
0x2d: {  	s3 =	simm.s32 $0x108;
	s8 =	sld [smem:$0x3F84]  }
0x2e: {  	s3 =	simm.s32 @!p0 $0x1082;
	s9 =	sld [smem:$0x3F85]  }
0x2f: {  	lr =	sadd.s32 s0, s3;
	s0 =	sld [smem:$0x3F7C]  }
0x30: {  	s3 =	sld [smem:$0x3F7F]  }
0x31: {  	[smem:$0x3F88] =	sst s10  }
0x32: {  	s10 =	sld [smem:$0x3F86];
	_ =	sdelay $0x3  }
0x33: {  	p0 =	seq.s32 s10, $0x1;
	s10 =	sld [smem:$0x3F88];
	_ =	sdelay $0x3  }
0x34: {  	[smem:$0x3F88] =	sst s10  }
0x35: {  	s10 =	sld [smem:$0x3F87];
	_ =	sdelay $0x3  }
0x36: {  	p1 =	seq.s32 s10, $0x1;
	s10 =	sld [smem:$0x3F88];
	_ =	sdelay $0x3  }
0x37: {  	[smem:$0x3F88] =	sst s10  }
0x38: {  	s10 =	sld [smem:$0x3F89]  }
0x39: {  	_ = 	snop;
	(pc) =	sbr.ind lr, $3  }
0x3a: {  	_ = 	snop  }
0x3b: {  	_ = 	snop  }
0x3c: {  	p2 =	seq.s32 s10, $0x1;
	s10 =	sld [smem:$0x3F88]  }
0x3d: {  	_ =	shalt  }
0x3e: {  	_ =	shalt  }
0x3f: {  	_ =	shalt  }
0x40: {  	_ =	shalt  }
0x41: {  	_ =	shalt  }
0x42: {  	_ =	shalt  }
0x43: {  	_ =	shalt  }
0x44: {  	_ =	shalt  }
0x45: {  	_ =	shalt  }
0x46: {  	_ =	shalt  }
0x47: {  	_ =	shalt  }
0x48: {  	_ =	shalt  }
0x49: {  	_ =	shalt  }
0x4a: {  	_ =	shalt  }
0x4b: {  	_ =	shalt  }
0x4c: {  	_ =	shalt  }
0x4d: {  	_ =	shalt  }
0x4e: {  	_ =	shalt  }
0x4f: {  	_ =	shalt  }
0x50: {  	_ =	shalt  }
0x51: {  	_ =	shalt  }
0x52: {  	_ =	shalt  }
0x53: {  	_ =	shalt  }
0x54: {  	_ =	shalt  }
0x55: {  	_ =	shalt  }
0x56: {  	_ =	shalt  }
0x57: {  	_ =	shalt  }
0x58: {  	_ =	shalt  }
0x59: {  	_ =	shalt  }
0x5a: {  	_ =	shalt  }
0x5b: {  	_ =	shalt  }
0x5c: {  	_ =	shalt  }
0x5d: {  	_ =	shalt  }
0x5e: {  	_ =	shalt  }
0x5f: {  	_ =	shalt  }
0x60: {  	_ =	shalt  }
0x61: {  	_ =	shalt  }
0x62: {  	_ =	shalt  }
0x63: {  	_ =	shalt  }
0x64: {  	_ =	shalt  }
0x65: {  	_ =	shalt  }
0x66: {  	_ =	shalt  }
0x67: {  	_ =	shalt  }
0x68: {  	_ =	shalt  }
0x69: {  	_ =	shalt  }
0x6a: {  	_ =	shalt  }
0x6b: {  	_ =	shalt  }
0x6c: {  	_ =	shalt  }
0x6d: {  	_ =	shalt  }
0x6e: {  	_ =	shalt  }
0x6f: {  	_ =	shalt  }
0x70: {  	_ =	shalt  }
0x71: {  	_ =	shalt  }
0x72: {  	_ =	shalt  }
0x73: {  	_ =	shalt  }
0x74: {  	_ =	shalt  }
0x75: {  	_ =	shalt  }
0x76: {  	_ =	shalt  }
0x77: {  	_ =	shalt  }
0x78: {  	_ =	shalt  }
0x79: {  	_ =	shalt  }
0x7a: {  	_ =	shalt  }
0x7b: {  	_ =	shalt  }
0x7c: {  	_ =	shalt  }
0x7d: {  	_ =	shalt  }
0x7e: {  	_ =	shalt  }
0x7f: {  	_ =	shalt  }
0x80: {  	_ =	shalt  }
0x81: {  	_ =	shalt  }
0x82: {  	_ =	shalt  }
0x83: {  	_ =	shalt  }
0x84: {  	_ =	shalt  }
0x85: {  	_ =	shalt  }
0x86: {  	_ =	shalt  }
0x87: {  	_ =	shalt  }
.Lfunc_end0:
.L_simem_size_0:
called_computation.1_lowered:
.L_overlay_start_0:
0x88: {  	s2 =	sld [smem:$0x3FD9]  }
0x89: {  	s3 =	sld [smem:$0x3FFE];
	_ =	sdelay $0x1  }
0x8a: {  	s1 =	srdreg.scid  }
0x8b: {  	s0 =	sand.u32 $0x1, s1  }
0x8c: {  	s17 =	sshll.u32 s0, $0xA;
	s2 =	sadd.s32 s3, s2  }
0x8d: {  	s2 =	sadd.s32 s2, s17  }
0x8e: {  	[smem:$0x3F94] =	sst s2  }
0x8f: {  	_ = 	snop  }
0x90: {  	s2 =	sld [smem:$0x3FD0];
	(tm) =	ssettm $0x1  }
0x91: {  	s18 =	sld [smem:$0x3FFB];
	_ =	sdelay $0x3  }
0x92: {  	_ =	strace s18  }
0x93: {  	s3 =	sld [smem:$0x3FFC];
	_ =	sdelay $0x3  }
0x94: {  	_ =	strace s3  }
0x95: {  	s3 =	sld [smem:$0x3FFD];
	_ =	sdelay $0x3  }
0x96: {  	_ =	strace s3  }
0x97: {  	_ =	strace $0x8FFFFFFF  }
0x98: {  	s19 =	sld [smem:$0x3FDB];
	_ =	sdelay $0x1  }
0x99: {  	s4 =	simm.s32 $_scs_section_size  }
0x9a: {  	s5 =	simm.s32 $_size__tile_overlayer_lowered;
	s6 =	simm.s32 $_tile_overlayer_lowered  }
0x9b: {  	s22 =	simm.s32 $0x1BFF;
	s21 =	sshll.u32 s6, $0x1;
	s3 =	sadd.s32 s4, s19  }
0x9c: {  	s7 =	simm.s32 $0x0;
	s20 =	sshll.u32 s5, $0x1;
	s5 =	sadd.s32 s21, s3  }
0x9d: {  	[timem:s7], [sflag:s22] =	dma.local [hbm:s5], s20  }
0x9e: {  	_ =	swait.ge [sflag:s22], s20  }
0x9f: {  	s4 =	ssub.s32 $0x0, s20;
	[sflag:s22] =	ssyncset.done $0x0  }
0xa0: {  	[sflag:s22] =	ssyncadd.s32 s4;
	_ =	sdelay $0x1  }
0xa1: {  	s23 =	simm.s32 $0x1B8B  }
0xa2: {  	_ =	swait.ge [sflag:s23], $0x1  }
0xa3: {  	[sflag:s23] =	ssyncset.done $0x0  }
0xa4: {  	s25 =	simm.s32 $0x1B8E;
	s24 =	sld [smem:$0x3FFE];
	[sflag:s23] =	ssyncadd.s32 $0xFFFFFFFF  }
0xa5: {  	s26 =	simm.s32 $execute0_lowered;
	[smem:$0x3FD2] =	sst s25  }
0xa6: {  	s5 =	sshll.u32 s26, $0x1;
	_ =	strace $0x80000049;
	[dreg:$0x1] =	wrdreg $0xFFFFFFFF  }
0xa7: {  	s28 =	simm.s32 $_size_execute0_lowered;
	s3 =	sadd.s32 s3, s5;
	[dreg:$0x0] =	wrdreg $0x0  }
0xa8: {  	s5 =	sshll.u32 s28, $0x1;
	[dreg:$0x2] =	wrdreg s3  }
0xa9: {  	[dreg:$0x3] =	wrdreg s5  }
0xaa: {  	[dreg:$0x4] =	wrdreg $0xC0  }
0xab: {  	_ =	task [dreg:s7], $0x5FFFF  }
0xac: {  	[dreg:$0x1] =	wrdreg $0xFFFFFFFF  }
0xad: {  	[dreg:$0x0] =	wrdreg $0x60  }
0xae: {  	[dreg:$0x2] =	wrdreg s24  }
0xaf: {  	[dreg:$0x3] =	wrdreg s2  }
0xb0: {  	[dreg:$0x4] =	wrdreg $0x9  }
0xb1: {  	_ =	task.clear_ibuf [dreg:s7], $0x5FFFF;
	_ =	strace $0x90000049  }
0xb2: {  	s29 =	simm.s32 $0x9;
	_ =	strace $0x8000004B  }
0xb3: {  	_ =	swait.ge [sflag:s29], $0x1  }
0xb4: {  	[sflag:s29] =	ssyncadd.s32 $0xFFFFFFFF  }
0xb5: {  	_ =	strace $0x9000004B  }
0xb6: {  	_ =	sfence  }
0xb7: {  	s30 =	sld [smem:$0x0];
	_ =	sdelay $0x2  }
0xb8: {  	s31 =	sshll.u32 s1, $0xD;
	s1 =	sshrl.u32 s1, $0x2  }
0xb9: {  	s3 =	sand.u32 $0x4000, s31;
	s1 =	sadd.s32 s1, s30  }
0xba: {  	s0 =	sor.u32 s3, s0;
	s1 =	sshll.u32 s1, $0x11  }
0xbb: {  	s0 =	sor.u32 s1, s0  }
0xbc: {  	s0 =	sadd.s32 $0x8F2B, s0  }
0xbd: {  	[sflag:s0] =	ssyncadd.remote.s32 $0x1  }
0xbe: {  	_ =	sfence.sel $0xFFFF  }
0xbf: {  	[dreg:$0x0] =	wrdreg $0xFFFFFFFF;
	(pc) =	sbr.abs _section_cstart, $3  }
0xc0: {  	[dreg:$0x1] =	wrdreg $0xFFFFFFFF  }
0xc1: {  	_ =	task.clear_ibuf [dreg:s7], $0x2FFFF;
	_ =	strace $0x9FFFFFFF  }
0xc2: {  	(tm) =	ssettm $0x7FFFFFFF  }
0xc3: {  	_ =	shalt  }
tec
execute0_lowered:
.L_overlay_start_1:
0x0: {  	(tag) =	ssettag $0x1  }
0x1: {  	s0 =	rddreg [dreg:$0x0]  }
0x2: {  	s1 =	rddreg [dreg:$0x1]  }
0x3: {  	s3 =	srdreg.scid;
	s2 =	simm.s32 $0x0;
	s5 =	stileid.u32  }
0x4: {  	s12 =	simm.s32 $0x2;
	s13 =	simm.s32 $0x100;
	s22 =	simm.s32 $0x17900  }
0x5: {  	s23 =	simm.s32 $0x18100;
	s24 =	simm.s32 $0x1A100;
	s25 =	simm.s32 $0x1  }
0x6: {  	s26 =	simm.s32 $0x0;
	s4 =	sand.u32 $0x1, s3;
	[smem:$0x7FF] =	sst s2  }
0x7: {  	s5 =	sshll.u32 s5, $0x7;
	s3 =	sadd.s32 $0xAE800, s0;
	s6 =	sshll.u32 s4, $0x6  }
0x8: {  	_ =	strace $0x8000004A;
	s4 =	ssub.s32 $0x2, s4;
	s5 =	sor.u32 s6, s5  }
0x9: {  	s31 =	sshrl.u32 s4, $0x1;
	s6 =	sshrl.u32 s5, $0x3;
	s5 =	sshll.u32 s5, $0x4  }
0xa: {  	s11 =	ssub.s32 s4, s31;
	s7 =	sadd.s32 s6, s0;
	s9 =	sadd.s32 s5, s0  }
0xb: {  	v2 =	vlaneseq.u32;
	s10 =	smul.u32 $0x300, s6;
	s6 =	sadd.s32 $0xAE900, s0;
	s11 =	smax.u32 s11, $0x1  }
0xc: {  	vm0 =	vmmov $0xffff;
	v1 =	vshrl.u32 v2, $0x3;
	s4 =	sadd.s32 $0x18400, s7;
	s5 =	sadd.s32 $0x18600, s7;
	s7 =	sadd.s32 $0xAEA00, s0  }
0xd: {  	v0 =	vand.u32 $0x7, v2;
	v2 =	vor.u32 $0x8, v2;
	v1 =	vmul.u32 $0x8, v1;
	s8 =	sadd.s32 $0x8400, s9;
	s9 =	sadd.s32 $0x10400, s9;
	s10 =	sadd.s32 s1, s10  }
.LBB2_1:
0xe: {  	[tilespmem:s2], [sflag:$0x2] =	stream.linear.gather [hbm4b:s4+s2], $0x40, $0x38;
	[tilespmem:$0x1C100] =	vst v63  }
0xf: {  	_ =	swait.ge [sflag:s12], $0x40  }
0x10: {  	[sflag:s12] =	ssyncset.done $0x0  }
0x11: {  	s28 =	simm.s32 $0x80;
	[sflag:s12] =	ssyncadd.s32 $0xFFFFFFC0  }
0x12: {  	[tilespmem:s28], [sflag:$0x2] =	stream.linear.gather [hbm4b:s5+s2], $0x40, $0x38;
	[tilespmem:$0x1C100] =	vst v63  }
0x13: {  	_ =	swait.ge [sflag:s12], $0x40  }
0x14: {  	[sflag:s12] =	ssyncset.done $0x0  }
0x15: {  	[sflag:s12] =	ssyncadd.s32 $0xFFFFFFC0  }
0x16: {  	v3 =	vld [tilespmem:$0x0];
	_ =	sdelay $0x4  }
0x17: {  	v4 =	vshrl.u32 v3, $0x3  }
0x18: {  	v4 =	vmul.u32 $0x30, v4  }
0x19: {  	v3 =	vand.u32 $0x7, v3  }
0x1a: {  	v3 =	vor.u32 v3, v4  }
0x1b: {  	v4 =	vperm.xlane v3, v0;
	_ =	sdelay $0x1  }
0x1c: {  	v4 =	vadd.s32 v1, v4;
	_ =	sdelay $0x3  }
0x1d: {  	v3 =	vperm.xlane v3, v2  }
0x1e: {  	[tilespmem:s13], [sflag:$0x1] =	stream.indirect_vreg.gather [hbm4b:s3+s2], $0x80, v4, vm0, $0xb8;
	[tilespmem:$0x1C100] =	vst v63  }
0x1f: {  	s0 =	simm.s32 $0x900;
	v3 =	vadd.s32 v1, v3  }
0x20: {  	[tilespmem:s0], [sflag:$0x1] =	stream.indirect_vreg.gather [hbm4b:s6+s2], $0x80, v4, vm0, $0xb8;
	[tilespmem:$0x1C100] =	vst v63  }
0x21: {  	s19 =	simm.s32 $0x1100  }
0x22: {  	[tilespmem:s19], [sflag:$0x1] =	stream.indirect_vreg.gather [hbm4b:s7+s2], $0x80, v4, vm0, $0xb8;
	[tilespmem:$0x1C100] =	vst v63  }
0x23: {  	s20 =	simm.s32 $0x1900  }
0x24: {  	[tilespmem:s20], [sflag:$0x1] =	stream.indirect_vreg.gather [hbm4b:s3+s2], $0x80, v3, vm0, $0xb8;
	[tilespmem:$0x1C100] =	vst v63  }
0x25: {  	s21 =	simm.s32 $0x2100  }
0x26: {  	[tilespmem:s21], [sflag:$0x1] =	stream.indirect_vreg.gather [hbm4b:s6+s2], $0x80, v3, vm0, $0xb8;
	[tilespmem:$0x1C100] =	vst v63  }
0x27: {  	s1 =	simm.s32 $0x2900  }
0x28: {  	[tilespmem:s1], [sflag:$0x1] =	stream.indirect_vreg.gather [hbm4b:s7+s2], $0x80, v3, vm0, $0xb8;
	[tilespmem:$0x1C100] =	vst v63  }
0x29: {  	v3 =	vld [tilespmem:$0x10];
	_ =	sdelay $0x4  }
0x2a: {  	v4 =	vshrl.u32 v3, $0x3  }
0x2b: {  	v4 =	vmul.u32 $0x30, v4  }
0x2c: {  	v3 =	vand.u32 $0x7, v3  }
0x2d: {  	v3 =	vor.u32 v3, v4  }
0x2e: {  	v4 =	vperm.xlane v3, v0;
	_ =	sdelay $0x1  }
0x2f: {  	v4 =	vadd.s32 v1, v4;
	_ =	sdelay $0x3  }
0x30: {  	s14 =	simm.s32 $0x3100;
	v3 =	vperm.xlane v3, v2  }
0x31: {  	[tilespmem:s14], [sflag:$0x1] =	stream.indirect_vreg.gather [hbm4b:s3+s2], $0x80, v4, vm0, $0xb8;
	[tilespmem:$0x1C100] =	vst v63  }
0x32: {  	s15 =	simm.s32 $0x3900;
	v3 =	vadd.s32 v1, v3  }
0x33: {  	[tilespmem:s15], [sflag:$0x1] =	stream.indirect_vreg.gather [hbm4b:s6+s2], $0x80, v4, vm0, $0xb8;
	[tilespmem:$0x1C100] =	vst v63  }
0x34: {  	s16 =	simm.s32 $0x4100  }
0x35: {  	[tilespmem:s16], [sflag:$0x1] =	stream.indirect_vreg.gather [hbm4b:s7+s2], $0x80, v4, vm0, $0xb8;
	[tilespmem:$0x1C100] =	vst v63  }
0x36: {  	s17 =	simm.s32 $0x4900  }
0x37: {  	[tilespmem:s17], [sflag:$0x1] =	stream.indirect_vreg.gather [hbm4b:s3+s2], $0x80, v3, vm0, $0xb8;
	[tilespmem:$0x1C100] =	vst v63  }
0x38: {  	s18 =	simm.s32 $0x5100  }
0x39: {  	[tilespmem:s18], [sflag:$0x1] =	stream.indirect_vreg.gather [hbm4b:s6+s2], $0x80, v3, vm0, $0xb8;
	[tilespmem:$0x1C100] =	vst v63  }
0x3a: {  	s19 =	simm.s32 $0x5900  }
0x3b: {  	[tilespmem:s19], [sflag:$0x1] =	stream.indirect_vreg.gather [hbm4b:s7+s2], $0x80, v3, vm0, $0xb8;
	[tilespmem:$0x1C100] =	vst v63  }
0x3c: {  	v3 =	vld [tilespmem:$0x20];
	_ =	sdelay $0x4  }
0x3d: {  	v4 =	vshrl.u32 v3, $0x3  }
0x3e: {  	v4 =	vmul.u32 $0x30, v4  }
0x3f: {  	v3 =	vand.u32 $0x7, v3  }
0x40: {  	v3 =	vor.u32 v3, v4  }
0x41: {  	v4 =	vperm.xlane v3, v0;
	_ =	sdelay $0x1  }
0x42: {  	v4 =	vadd.s32 v1, v4;
	_ =	sdelay $0x3  }
0x43: {  	s20 =	simm.s32 $0x6100;
	v3 =	vperm.xlane v3, v2  }
0x44: {  	[tilespmem:s20], [sflag:$0x1] =	stream.indirect_vreg.gather [hbm4b:s3+s2], $0x80, v4, vm0, $0xb8;
	[tilespmem:$0x1C100] =	vst v63  }
0x45: {  	s21 =	simm.s32 $0x6900;
	v3 =	vadd.s32 v1, v3  }
0x46: {  	[tilespmem:s21], [sflag:$0x1] =	stream.indirect_vreg.gather [hbm4b:s6+s2], $0x80, v4, vm0, $0xb8;
	[tilespmem:$0x1C100] =	vst v63  }
0x47: {  	s1 =	simm.s32 $0x7100  }
0x48: {  	[tilespmem:s1], [sflag:$0x1] =	stream.indirect_vreg.gather [hbm4b:s7+s2], $0x80, v4, vm0, $0xb8;
	[tilespmem:$0x1C100] =	vst v63  }
0x49: {  	s14 =	simm.s32 $0x7900  }
0x4a: {  	[tilespmem:s14], [sflag:$0x1] =	stream.indirect_vreg.gather [hbm4b:s3+s2], $0x80, v3, vm0, $0xb8;
	[tilespmem:$0x1C100] =	vst v63  }
0x4b: {  	s15 =	simm.s32 $0x8100  }
0x4c: {  	[tilespmem:s15], [sflag:$0x1] =	stream.indirect_vreg.gather [hbm4b:s6+s2], $0x80, v3, vm0, $0xb8;
	[tilespmem:$0x1C100] =	vst v63  }
0x4d: {  	s16 =	simm.s32 $0x8900  }
0x4e: {  	[tilespmem:s16], [sflag:$0x1] =	stream.indirect_vreg.gather [hbm4b:s7+s2], $0x80, v3, vm0, $0xb8;
	[tilespmem:$0x1C100] =	vst v63  }
0x4f: {  	v3 =	vld [tilespmem:$0x30];
	_ =	sdelay $0x4  }
0x50: {  	v4 =	vshrl.u32 v3, $0x3  }
0x51: {  	v4 =	vmul.u32 $0x30, v4  }
0x52: {  	v3 =	vand.u32 $0x7, v3  }
0x53: {  	v3 =	vor.u32 v3, v4  }
0x54: {  	v4 =	vperm.xlane v3, v0;
	_ =	sdelay $0x1  }
0x55: {  	v4 =	vadd.s32 v1, v4;
	_ =	sdelay $0x3  }
0x56: {  	s17 =	simm.s32 $0x9100;
	v3 =	vperm.xlane v3, v2  }
0x57: {  	[tilespmem:s17], [sflag:$0x1] =	stream.indirect_vreg.gather [hbm4b:s3+s2], $0x80, v4, vm0, $0xb8;
	[tilespmem:$0x1C100] =	vst v63  }
0x58: {  	s18 =	simm.s32 $0x9900;
	v3 =	vadd.s32 v1, v3  }
0x59: {  	[tilespmem:s18], [sflag:$0x1] =	stream.indirect_vreg.gather [hbm4b:s6+s2], $0x80, v4, vm0, $0xb8;
	[tilespmem:$0x1C100] =	vst v63  }
0x5a: {  	s19 =	simm.s32 $0xA100  }
0x5b: {  	[tilespmem:s19], [sflag:$0x1] =	stream.indirect_vreg.gather [hbm4b:s7+s2], $0x80, v4, vm0, $0xb8;
	[tilespmem:$0x1C100] =	vst v63  }
0x5c: {  	s20 =	simm.s32 $0xA900  }
0x5d: {  	[tilespmem:s20], [sflag:$0x1] =	stream.indirect_vreg.gather [hbm4b:s3+s2], $0x80, v3, vm0, $0xb8;
	[tilespmem:$0x1C100] =	vst v63  }
0x5e: {  	s21 =	simm.s32 $0xB100  }
0x5f: {  	[tilespmem:s21], [sflag:$0x1] =	stream.indirect_vreg.gather [hbm4b:s6+s2], $0x80, v3, vm0, $0xb8;
	[tilespmem:$0x1C100] =	vst v63  }
0x60: {  	s1 =	simm.s32 $0xB900  }
0x61: {  	[tilespmem:s1], [sflag:$0x1] =	stream.indirect_vreg.gather [hbm4b:s7+s2], $0x80, v3, vm0, $0xb8;
	[tilespmem:$0x1C100] =	vst v63  }
0x62: {  	v3 =	vld [tilespmem:$0x80];
	_ =	sdelay $0x4  }
0x63: {  	v4 =	vshrl.u32 v3, $0x3  }
0x64: {  	v4 =	vmul.u32 $0x30, v4  }
0x65: {  	v3 =	vand.u32 $0x7, v3  }
0x66: {  	v3 =	vor.u32 v3, v4  }
0x67: {  	v4 =	vperm.xlane v3, v0;
	_ =	sdelay $0x1  }
0x68: {  	v4 =	vadd.s32 v1, v4;
	_ =	sdelay $0x3  }
0x69: {  	s14 =	simm.s32 $0xC100;
	v3 =	vperm.xlane v3, v2  }
0x6a: {  	[tilespmem:s14], [sflag:$0x1] =	stream.indirect_vreg.gather [hbm4b:s3+s2], $0x80, v4, vm0, $0xb8;
	[tilespmem:$0x1C100] =	vst v63  }
0x6b: {  	s15 =	simm.s32 $0xC900;
	v3 =	vadd.s32 v1, v3  }
0x6c: {  	[tilespmem:s15], [sflag:$0x1] =	stream.indirect_vreg.gather [hbm4b:s6+s2], $0x80, v4, vm0, $0xb8;
	[tilespmem:$0x1C100] =	vst v63  }
0x6d: {  	s16 =	simm.s32 $0xD100  }
0x6e: {  	[tilespmem:s16], [sflag:$0x1] =	stream.indirect_vreg.gather [hbm4b:s7+s2], $0x80, v4, vm0, $0xb8;
	[tilespmem:$0x1C100] =	vst v63  }
0x6f: {  	s17 =	simm.s32 $0xD900  }
0x70: {  	[tilespmem:s17], [sflag:$0x1] =	stream.indirect_vreg.gather [hbm4b:s3+s2], $0x80, v3, vm0, $0xb8;
	[tilespmem:$0x1C100] =	vst v63  }
0x71: {  	s18 =	simm.s32 $0xE100  }
0x72: {  	[tilespmem:s18], [sflag:$0x1] =	stream.indirect_vreg.gather [hbm4b:s6+s2], $0x80, v3, vm0, $0xb8;
	[tilespmem:$0x1C100] =	vst v63  }
0x73: {  	s19 =	simm.s32 $0xE900  }
0x74: {  	[tilespmem:s19], [sflag:$0x1] =	stream.indirect_vreg.gather [hbm4b:s7+s2], $0x80, v3, vm0, $0xb8;
	[tilespmem:$0x1C100] =	vst v63  }
0x75: {  	v3 =	vld [tilespmem:$0x90];
	_ =	sdelay $0x4  }
0x76: {  	v4 =	vshrl.u32 v3, $0x3  }
0x77: {  	v4 =	vmul.u32 $0x30, v4  }
0x78: {  	v3 =	vand.u32 $0x7, v3  }
0x79: {  	v3 =	vor.u32 v3, v4  }
0x7a: {  	v4 =	vperm.xlane v3, v0;
	_ =	sdelay $0x1  }
0x7b: {  	v4 =	vadd.s32 v1, v4;
	_ =	sdelay $0x3  }
0x7c: {  	s20 =	simm.s32 $0xF100;
	v3 =	vperm.xlane v3, v2  }
0x7d: {  	[tilespmem:s20], [sflag:$0x1] =	stream.indirect_vreg.gather [hbm4b:s3+s2], $0x80, v4, vm0, $0xb8;
	[tilespmem:$0x1C100] =	vst v63  }
0x7e: {  	s21 =	simm.s32 $0xF900;
	v3 =	vadd.s32 v1, v3  }
0x7f: {  	[tilespmem:s21], [sflag:$0x1] =	stream.indirect_vreg.gather [hbm4b:s6+s2], $0x80, v4, vm0, $0xb8;
	[tilespmem:$0x1C100] =	vst v63  }
0x80: {  	s1 =	simm.s32 $0x10100  }
0x81: {  	[tilespmem:s1], [sflag:$0x1] =	stream.indirect_vreg.gather [hbm4b:s7+s2], $0x80, v4, vm0, $0xb8;
	[tilespmem:$0x1C100] =	vst v63  }
0x82: {  	s14 =	simm.s32 $0x10900  }
0x83: {  	[tilespmem:s14], [sflag:$0x1] =	stream.indirect_vreg.gather [hbm4b:s3+s2], $0x80, v3, vm0, $0xb8;
	[tilespmem:$0x1C100] =	vst v63  }
0x84: {  	s15 =	simm.s32 $0x11100  }
0x85: {  	[tilespmem:s15], [sflag:$0x1] =	stream.indirect_vreg.gather [hbm4b:s6+s2], $0x80, v3, vm0, $0xb8;
	[tilespmem:$0x1C100] =	vst v63  }
0x86: {  	s16 =	simm.s32 $0x11900  }
0x87: {  	[tilespmem:s16], [sflag:$0x1] =	stream.indirect_vreg.gather [hbm4b:s7+s2], $0x80, v3, vm0, $0xb8;
	[tilespmem:$0x1C100] =	vst v63  }
0x88: {  	v3 =	vld [tilespmem:$0xA0];
	_ =	sdelay $0x4  }
0x89: {  	v4 =	vshrl.u32 v3, $0x3  }
0x8a: {  	v4 =	vmul.u32 $0x30, v4  }
0x8b: {  	v3 =	vand.u32 $0x7, v3  }
0x8c: {  	v3 =	vor.u32 v3, v4  }
0x8d: {  	v4 =	vperm.xlane v3, v0;
	_ =	sdelay $0x1  }
0x8e: {  	v4 =	vadd.s32 v1, v4;
	_ =	sdelay $0x3  }
0x8f: {  	s17 =	simm.s32 $0x12100;
	v3 =	vperm.xlane v3, v2  }
0x90: {  	[tilespmem:s17], [sflag:$0x1] =	stream.indirect_vreg.gather [hbm4b:s3+s2], $0x80, v4, vm0, $0xb8;
	[tilespmem:$0x1C100] =	vst v63  }
0x91: {  	s18 =	simm.s32 $0x12900;
	v3 =	vadd.s32 v1, v3  }
0x92: {  	[tilespmem:s18], [sflag:$0x1] =	stream.indirect_vreg.gather [hbm4b:s6+s2], $0x80, v4, vm0, $0xb8;
	[tilespmem:$0x1C100] =	vst v63  }
0x93: {  	s19 =	simm.s32 $0x13100  }
0x94: {  	[tilespmem:s19], [sflag:$0x1] =	stream.indirect_vreg.gather [hbm4b:s7+s2], $0x80, v4, vm0, $0xb8;
	[tilespmem:$0x1C100] =	vst v63  }
0x95: {  	s20 =	simm.s32 $0x13900  }
0x96: {  	[tilespmem:s20], [sflag:$0x1] =	stream.indirect_vreg.gather [hbm4b:s3+s2], $0x80, v3, vm0, $0xb8;
	[tilespmem:$0x1C100] =	vst v63  }
0x97: {  	s21 =	simm.s32 $0x14100  }
0x98: {  	[tilespmem:s21], [sflag:$0x1] =	stream.indirect_vreg.gather [hbm4b:s6+s2], $0x80, v3, vm0, $0xb8;
	[tilespmem:$0x1C100] =	vst v63  }
0x99: {  	s1 =	simm.s32 $0x14900  }
0x9a: {  	[tilespmem:s1], [sflag:$0x1] =	stream.indirect_vreg.gather [hbm4b:s7+s2], $0x80, v3, vm0, $0xb8;
	[tilespmem:$0x1C100] =	vst v63  }
0x9b: {  	v3 =	vld [tilespmem:$0xB0];
	_ =	sdelay $0x4  }
0x9c: {  	v4 =	vshrl.u32 v3, $0x3  }
0x9d: {  	v4 =	vmul.u32 $0x30, v4  }
0x9e: {  	v3 =	vand.u32 $0x7, v3  }
0x9f: {  	v3 =	vor.u32 v3, v4  }
0xa0: {  	v4 =	vperm.xlane v3, v0;
	_ =	sdelay $0x1  }
0xa1: {  	v4 =	vadd.s32 v1, v4;
	_ =	sdelay $0x3  }
0xa2: {  	s14 =	simm.s32 $0x15100;
	v3 =	vperm.xlane v3, v2  }
0xa3: {  	[tilespmem:s14], [sflag:$0x1] =	stream.indirect_vreg.gather [hbm4b:s3+s2], $0x80, v4, vm0, $0xb8;
	[tilespmem:$0x1C100] =	vst v63  }
0xa4: {  	s15 =	simm.s32 $0x15900;
	v3 =	vadd.s32 v1, v3  }
0xa5: {  	[tilespmem:s15], [sflag:$0x1] =	stream.indirect_vreg.gather [hbm4b:s6+s2], $0x80, v4, vm0, $0xb8;
	[tilespmem:$0x1C100] =	vst v63  }
0xa6: {  	s16 =	simm.s32 $0x16100  }
0xa7: {  	[tilespmem:s16], [sflag:$0x1] =	stream.indirect_vreg.gather [hbm4b:s7+s2], $0x80, v4, vm0, $0xb8;
	[tilespmem:$0x1C100] =	vst v63  }
0xa8: {  	s17 =	simm.s32 $0x16900  }
0xa9: {  	[tilespmem:s17], [sflag:$0x1] =	stream.indirect_vreg.gather [hbm4b:s3+s2], $0x80, v3, vm0, $0xb8;
	[tilespmem:$0x1C100] =	vst v63  }
0xaa: {  	s18 =	simm.s32 $0x17100  }
0xab: {  	[tilespmem:s18], [sflag:$0x1] =	stream.indirect_vreg.gather [hbm4b:s6+s2], $0x80, v3, vm0, $0xb8;
	[tilespmem:$0x1C100] =	vst v63  }
0xac: {  	_ = 	snop  }
0xad: {  	[tilespmem:s22], [sflag:$0x1] =	stream.indirect_vreg.gather [hbm4b:s7+s2], $0x80, v3, vm0, $0xb8;
	[tilespmem:$0x1C100] =	vst v63  }
0xae: {  	_ = 	snop  }
0xaf: {  	[tilespmem:s23], [sflag:$0x2] =	stream.linear.gather [hbm4b:s8+s2], $0x2000, $0x38;
	[tilespmem:$0x1C100] =	vst v63  }
0xb0: {  	_ =	swait.ge [sflag:s12], $0x2000  }
0xb1: {  	[sflag:s12] =	ssyncset.done $0x0  }
0xb2: {  	[sflag:s12] =	ssyncadd.s32 $0xFFFFE000  }
0xb3: {  	[tilespmem:s24], [sflag:$0x2] =	stream.linear.gather [hbm4b:s9+s2], $0x2000, $0x38;
	[tilespmem:$0x1C100] =	vst v63  }
0xb4: {  	_ =	swait.ge [sflag:s12], $0x2000  }
0xb5: {  	[sflag:s12] =	ssyncset.done $0x0  }
0xb6: {  	[sflag:s12] =	ssyncadd.s32 $0xFFFFE000  }
0xb7: {  	_ =	swait.ge [sflag:s25], $0xC000  }
0xb8: {  	[sflag:s25] =	ssyncset.done $0x0  }
0xb9: {  	[sflag:s25] =	ssyncadd.s32 $0xFFFF4000  }
0xba: {  	_ =	swait.ge [sflag:s25], $0xC000  }
0xbb: {  	s19 =	simm.s32 $0x0;
	[sflag:s25] =	ssyncset.done $0x0  }
0xbc: {  	s29 =	simm.s32 $0x18180;
	s14 =	smul.u32 $0x1800, s19;
	[sflag:s25] =	ssyncadd.s32 $0xFFFF4000  }
0xbd: {  	s30 =	simm.s32 $0x1A180;
	s1 =	sand.u32 $0x380, s28;
	v5 =	vld [tilespmem:s29+$0x0]  }
0xbe: {  	s0 =	sor.u32 s14, s1;
	v6 =	vld [tilespmem:s30+$0x0]  }
0xbf: {  	v3 =	vld [tilespmem:s0+$0x100]  }
0xc0: {  	v4 =	vld [tilespmem:s0+$0xC100]  }
0xc1: {  	v7 =	vld [tilespmem:s0+$0x110]  }
0xc2: {  	v8 =	vld [tilespmem:s0+$0xC110]  }
0xc3: {  	v9 =	vld [tilespmem:s0+$0x120]  }
0xc4: {  	v10 =	vld [tilespmem:s0+$0xC120]  }
0xc5: {  	v11 =	vld [tilespmem:s0+$0x130]  }
0xc6: {  	v12 =	vld [tilespmem:s0+$0xC130]  }
0xc7: {  	v13 =	vld [tilespmem:s0+$0x140]  }
0xc8: {  	v14 =	vld [tilespmem:s0+$0xC140]  }
0xc9: {  	v15 =	vld [tilespmem:s0+$0x150]  }
0xca: {  	v16 =	vld [tilespmem:s0+$0xC150]  }
0xcb: {  	v17 =	vld [tilespmem:s0+$0x160]  }
0xcc: {  	v18 =	vld [tilespmem:s0+$0xC160]  }
0xcd: {  	v19 =	vld [tilespmem:s0+$0x170]  }
0xce: {  	v20 =	vld [tilespmem:s0+$0xC170]  }
0xcf: {  	v21 =	vld [tilespmem:s0+$0x500]  }
0xd0: {  	v22 =	vld [tilespmem:s0+$0xC500]  }
0xd1: {  	v23 =	vld [tilespmem:s0+$0x510]  }
0xd2: {  	v24 =	vld [tilespmem:s0+$0xC510]  }
0xd3: {  	v25 =	vld [tilespmem:s0+$0x520]  }
0xd4: {  	v26 =	vld [tilespmem:s0+$0xC520];
	v3 =	vmul.f32 v3, v5;
	v4 =	vmul.f32 v4, v6  }
0xd5: {  	v27 =	vld [tilespmem:s0+$0x530];
	v7 =	vmul.f32 v7, v5;
	v8 =	vmul.f32 v8, v6  }
0xd6: {  	v32 =	vld [tilespmem:s0+$0xC570];
	v3 =	vadd.f32 v4, v3;
	v4 =	vmul.f32 v9, v5;
	v9 =	vmul.f32 v10, v6  }
0xd7: {  	v33 =	vld [tilespmem:s0+$0xC540];
	v7 =	vadd.f32 v8, v7;
	v8 =	vmul.f32 v11, v5;
	v11 =	vmul.f32 v12, v6  }
0xd8: {  	v10 =	vld [tilespmem:s0+$0xC530];
	[tilespmem:s0+$0x100] =	vst v3;
	v3 =	vadd.f32 v9, v4;
	v4 =	vmul.f32 v13, v5;
	v9 =	vmul.f32 v14, v6  }
0xd9: {  	v13 =	vld [tilespmem:s0+$0x550];
	[tilespmem:s0+$0x110] =	vst v7;
	v7 =	vadd.f32 v11, v8;
	v8 =	vmul.f32 v15, v5;
	v11 =	vmul.f32 v16, v6  }
0xda: {  	v14 =	vld [tilespmem:s0+$0xC550];
	[tilespmem:s0+$0x120] =	vst v3;
	v3 =	vadd.f32 v9, v4;
	v4 =	vmul.f32 v17, v5;
	v9 =	vmul.f32 v18, v6  }
0xdb: {  	v15 =	vld [tilespmem:s0+$0x560];
	[tilespmem:s0+$0x130] =	vst v7;
	v7 =	vadd.f32 v11, v8;
	v8 =	vmul.f32 v19, v5;
	v11 =	vmul.f32 v20, v6  }
0xdc: {  	v16 =	vld [tilespmem:s0+$0xC560];
	[tilespmem:s0+$0x140] =	vst v3;
	v3 =	vadd.f32 v9, v4;
	v4 =	vmul.f32 v21, v5;
	v9 =	vmul.f32 v22, v6  }
0xdd: {  	v17 =	vld [tilespmem:s0+$0x570];
	[tilespmem:s0+$0x150] =	vst v7;
	v7 =	vadd.f32 v11, v8;
	v8 =	vmul.f32 v23, v5;
	v11 =	vmul.f32 v24, v6  }
0xde: {  	v12 =	vld [tilespmem:s0+$0x540];
	[tilespmem:s0+$0x160] =	vst v3;
	v3 =	vadd.f32 v9, v4;
	v4 =	vmul.f32 v25, v5;
	v9 =	vmul.f32 v26, v6  }
0xdf: {  	v10 =	vmul.f32 v10, v6;
	[tilespmem:s0+$0x170] =	vst v7;
	v7 =	vadd.f32 v11, v8;
	v8 =	vmul.f32 v27, v5  }
0xe0: {  	[tilespmem:s0+$0x500] =	vst v3;
	v3 =	vadd.f32 v9, v4;
	v4 =	vmul.f32 v13, v5;
	v9 =	vmul.f32 v14, v6  }
0xe1: {  	[tilespmem:s0+$0x510] =	vst v7;
	v7 =	vadd.f32 v10, v8;
	v8 =	vmul.f32 v15, v5;
	v10 =	vmul.f32 v16, v6  }
0xe2: {  	[tilespmem:s0+$0x520] =	vst v3;
	v3 =	vadd.f32 v9, v4;
	v4 =	vmul.f32 v17, v5;
	v9 =	vmul.f32 v32, v6  }
0xe3: {  	v11 =	vmul.f32 v33, v6;
	[tilespmem:s0+$0x530] =	vst v7;
	v7 =	vmul.f32 v12, v5;
	v8 =	vadd.f32 v10, v8  }
0xe4: {  	[tilespmem:s0+$0x550] =	vst v3;
	v3 =	vadd.f32 v9, v4  }
0xe5: {  	v4 =	vadd.f32 v11, v7;
	[tilespmem:s0+$0x560] =	vst v8  }
0xe6: {  	s15 =	sadd.s32 $0x800, s14;
	[tilespmem:s0+$0x570] =	vst v3  }
0xe7: {  	s17 =	sor.u32 s1, s15;
	[tilespmem:s0+$0x540] =	vst v4  }
0xe8: {  	v3 =	vld [tilespmem:s17+$0x100]  }
0xe9: {  	v4 =	vld [tilespmem:s17+$0xC100]  }
0xea: {  	v7 =	vld [tilespmem:s17+$0x110]  }
0xeb: {  	v8 =	vld [tilespmem:s17+$0xC110]  }
0xec: {  	v9 =	vld [tilespmem:s17+$0x120]  }
0xed: {  	v10 =	vld [tilespmem:s17+$0xC120]  }
0xee: {  	v11 =	vld [tilespmem:s17+$0x130]  }
0xef: {  	v12 =	vld [tilespmem:s17+$0xC130]  }
0xf0: {  	v13 =	vld [tilespmem:s17+$0x140]  }
0xf1: {  	v14 =	vld [tilespmem:s17+$0x150]  }
0xf2: {  	v15 =	vld [tilespmem:s17+$0xC150]  }
0xf3: {  	v16 =	vld [tilespmem:s17+$0x160]  }
0xf4: {  	v17 =	vld [tilespmem:s17+$0xC160]  }
0xf5: {  	v34 =	vld [tilespmem:s17+$0x170];
	v3 =	vmul.f32 v3, v5;
	v4 =	vmul.f32 v4, v6  }
0xf6: {  	v35 =	vld [tilespmem:s17+$0xC170];
	v7 =	vmul.f32 v7, v5;
	v8 =	vmul.f32 v8, v6  }
0xf7: {  	v3 =	vadd.f32 v4, v3;
	v4 =	vmul.f32 v9, v5;
	v9 =	vmul.f32 v10, v6;
	v10 =	vld [tilespmem:s17+$0xC140]  }
0xf8: {  	s20 =	simm.s32 $0x0;
	v7 =	vadd.f32 v8, v7;
	v8 =	vmul.f32 v11, v5;
	v11 =	vmul.f32 v12, v6  }
0xf9: {  	s0 =	sand.u32 $0x300, s20;
	[tilespmem:s17+$0x100] =	vst v3;
	v3 =	vadd.f32 v9, v4;
	v4 =	vmul.f32 v14, v5;
	v9 =	vmul.f32 v15, v6  }
0xfa: {  	s18 =	sor.u32 s0, s14;
	[tilespmem:s17+$0x110] =	vst v7;
	v7 =	vadd.f32 v11, v8;
	v8 =	vmul.f32 v16, v5;
	v11 =	vmul.f32 v17, v6  }
0xfb: {  	v43 =	vld [tilespmem:s18+$0xC120];
	[tilespmem:s17+$0x120] =	vst v3;
	v3 =	vadd.f32 v9, v4;
	v4 =	vmul.f32 v34, v5;
	v9 =	vmul.f32 v35, v6  }
0xfc: {  	v44 =	vld [tilespmem:s18+$0xC130];
	[tilespmem:s17+$0x130] =	vst v7;
	v7 =	vmul.f32 v13, v5;
	v8 =	vadd.f32 v11, v8;
	v10 =	vmul.f32 v10, v6  }
0xfd: {  	v45 =	vld [tilespmem:s18+$0x140];
	[tilespmem:s17+$0x150] =	vst v3;
	v3 =	vadd.f32 v9, v4  }
0xfe: {  	v46 =	vld [tilespmem:s18+$0xC140];
	[tilespmem:s17+$0x160] =	vst v8;
	v4 =	vadd.f32 v10, v7  }
0xff: {  	s16 =	sadd.s32 $0xC00, s14;
	v55 =	vld [tilespmem:s18+$0x170];
	[tilespmem:s17+$0x170] =	vst v3  }
0x100: {  	s19 =	sor.u32 s1, s16;
	v58 =	vld [tilespmem:s18+$0xC170];
	[tilespmem:s17+$0x140] =	vst v4  }
0x101: {  	v3 =	vld [tilespmem:s19+$0x100]  }
0x102: {  	v4 =	vld [tilespmem:s19+$0xC100]  }
0x103: {  	v10 =	vld [tilespmem:s19+$0x110]  }
0x104: {  	v13 =	vld [tilespmem:s19+$0xC110]  }
0x105: {  	v14 =	vld [tilespmem:s19+$0x120]  }
0x106: {  	v15 =	vld [tilespmem:s19+$0xC120]  }
0x107: {  	v16 =	vld [tilespmem:s19+$0x130]  }
0x108: {  	v17 =	vld [tilespmem:s19+$0xC130]  }
0x109: {  	v36 =	vld [tilespmem:s19+$0x140]  }
0x10a: {  	v37 =	vld [tilespmem:s19+$0x150]  }
0x10b: {  	v38 =	vld [tilespmem:s19+$0xC150]  }
0x10c: {  	v39 =	vld [tilespmem:s19+$0x160]  }
0x10d: {  	v40 =	vld [tilespmem:s19+$0xC160]  }
0x10e: {  	v41 =	vld [tilespmem:s19+$0x170];
	v3 =	vmul.f32 v3, v5;
	v4 =	vmul.f32 v4, v6  }
0x10f: {  	v42 =	vld [tilespmem:s19+$0xC170];
	v10 =	vmul.f32 v10, v5;
	v13 =	vmul.f32 v13, v6  }
0x110: {  	v3 =	vadd.f32 v4, v3;
	v4 =	vmul.f32 v14, v5;
	v14 =	vmul.f32 v15, v6;
	v15 =	vld [tilespmem:s19+$0xC140]  }
0x111: {  	v61 =	vld [tilespmem:s18+$0x500];
	v10 =	vadd.f32 v13, v10;
	v13 =	vmul.f32 v16, v5;
	v16 =	vmul.f32 v17, v6  }
0x112: {  	v12 =	vld [tilespmem:s18+$0x100];
	[tilespmem:s19+$0x100] =	vst v3;
	v3 =	vadd.f32 v14, v4;
	v4 =	vmul.f32 v37, v5;
	v14 =	vmul.f32 v38, v6  }
0x113: {  	v11 =	vld [tilespmem:s18+$0xC100];
	[tilespmem:s19+$0x110] =	vst v10;
	v10 =	vadd.f32 v16, v13;
	v13 =	vmul.f32 v39, v5;
	v16 =	vmul.f32 v40, v6  }
0x114: {  	v9 =	vld [tilespmem:s18+$0x110];
	[tilespmem:s19+$0x120] =	vst v3;
	v3 =	vadd.f32 v14, v4;
	v4 =	vmul.f32 v41, v5;
	v14 =	vmul.f32 v42, v6  }
0x115: {  	v8 =	vld [tilespmem:s18+$0x120];
	[tilespmem:s19+$0x130] =	vst v10;
	v10 =	vmul.f32 v36, v5;
	v13 =	vadd.f32 v16, v13;
	v15 =	vmul.f32 v15, v6  }
0x116: {  	v7 =	vld [tilespmem:s18+$0xC110];
	[tilespmem:s19+$0x150] =	vst v3;
	v3 =	vadd.f32 v14, v4  }
0x117: {  	v17 =	vld [tilespmem:s18+$0x130];
	[tilespmem:s19+$0x160] =	vst v13;
	v4 =	vadd.f32 v15, v10  }
0x118: {  	s17 =	sadd.s32 $0x1000, s14;
	v37 =	vld [tilespmem:s18+$0xC500];
	[tilespmem:s19+$0x170] =	vst v3  }
0x119: {  	s21 =	sor.u32 s1, s17;
	v39 =	vld [tilespmem:s18+$0x510];
	[tilespmem:s19+$0x140] =	vst v4  }
0x11a: {  	v3 =	vld [tilespmem:s21+$0x100]  }
0x11b: {  	v4 =	vld [tilespmem:s21+$0xC100]  }
0x11c: {  	v15 =	vld [tilespmem:s21+$0x110]  }
0x11d: {  	v47 =	vld [tilespmem:s21+$0xC110]  }
0x11e: {  	v48 =	vld [tilespmem:s21+$0x120]  }
0x11f: {  	v49 =	vld [tilespmem:s21+$0xC120]  }
0x120: {  	v50 =	vld [tilespmem:s21+$0x130]  }
0x121: {  	v51 =	vld [tilespmem:s21+$0x140]  }
0x122: {  	v52 =	vld [tilespmem:s21+$0xC140]  }
0x123: {  	v28 =	vld [tilespmem:s21+$0x150]  }
0x124: {  	v29 =	vld [tilespmem:s21+$0xC150]  }
0x125: {  	v30 =	vld [tilespmem:s21+$0x160]  }
0x126: {  	v32 =	vld [tilespmem:s21+$0x170]  }
0x127: {  	v33 =	vld [tilespmem:s21+$0xC170]  }
0x128: {  	v31 =	vld [tilespmem:s21+$0xC160];
	v3 =	vmul.f32 v3, v5;
	v4 =	vmul.f32 v4, v6  }
0x129: {  	v34 =	vld [tilespmem:s21+$0xC130];
	v15 =	vmul.f32 v15, v5;
	v18 =	vmul.f32 v47, v6  }
0x12a: {  	v22 =	vmul.f32 v48, v5;
	v23 =	vmul.f32 v49, v6;
	v35 =	vadd.f32 v4, v3;
	v3 =	vld [tilespmem:s29+$0xFFFFFF80]  }
0x12b: {  	v56 =	vmul.f32 v28, v5;
	v57 =	vmul.f32 v29, v6;
	v15 =	vadd.f32 v18, v15;
	v4 =	vld [tilespmem:s30+$0xFFFFFF80]  }
0x12c: {  	v16 =	vld [tilespmem:s18+$0x150];
	v63 =	vmul.f32 v32, v5;
	v36 =	vmul.f32 v33, v6;
	v22 =	vadd.f32 v23, v22;
	[tilespmem:s21+$0x100] =	vst v35  }
0x12d: {  	v41 =	vld [tilespmem:s18+$0xC510];
	v53 =	vmul.f32 v51, v5;
	v54 =	vmul.f32 v52, v6;
	v62 =	vadd.f32 v57, v56;
	[tilespmem:s21+$0x110] =	vst v15  }
0x12e: {  	v14 =	vld [tilespmem:s18+$0xC150];
	v24 =	vmul.f32 v50, v5;
	v38 =	vmul.f32 v34, v6;
	v40 =	vadd.f32 v36, v63;
	[tilespmem:s21+$0x120] =	vst v22  }
0x12f: {  	v13 =	vld [tilespmem:s18+$0xC160];
	v59 =	vmul.f32 v30, v5;
	v60 =	vmul.f32 v31, v6;
	v15 =	vadd.f32 v54, v53;
	[tilespmem:s21+$0x150] =	vst v62  }
0x130: {  	v10 =	vld [tilespmem:s18+$0x160];
	v24 =	vadd.f32 v38, v24;
	[tilespmem:s21+$0x170] =	vst v40;
	v12 =	vmul.f32 v12, v3;
	v11 =	vmul.f32 v11, v4  }
0x131: {  	v48 =	vld [tilespmem:s18+$0x560];
	[tilespmem:s21+$0x140] =	vst v15;
	v15 =	vadd.f32 v60, v59;
	v9 =	vmul.f32 v9, v3;
	v7 =	vmul.f32 v7, v4  }
0x132: {  	[tilespmem:s21+$0x130] =	vst v24;
	v8 =	vmul.f32 v8, v3;
	v42 =	vmul.f32 v43, v4;
	v43 =	vld [tilespmem:s18+$0xC540];
	v11 =	vadd.f32 v11, v12  }
0x133: {  	v17 =	vmul.f32 v17, v3;
	v19 =	vmul.f32 v44, v4;
	[tilespmem:s21+$0x160] =	vst v15;
	v15 =	vld [tilespmem:s18+$0x520];
	v7 =	vadd.f32 v7, v9  }
0x134: {  	v20 =	vmul.f32 v45, v3;
	v21 =	vmul.f32 v46, v4;
	v12 =	vld [tilespmem:s18+$0xC520];
	v8 =	vadd.f32 v42, v8;
	[tilespmem:s18+$0x100] =	vst v11  }
0x135: {  	v16 =	vmul.f32 v16, v3;
	v14 =	vmul.f32 v14, v4;
	v9 =	vld [tilespmem:s18+$0x530];
	[tilespmem:s18+$0x110] =	vst v7;
	v7 =	vadd.f32 v19, v17  }
0x136: {  	v10 =	vmul.f32 v10, v3;
	v13 =	vmul.f32 v13, v4;
	v11 =	vld [tilespmem:s18+$0xC530];
	[tilespmem:s18+$0x120] =	vst v8;
	v8 =	vadd.f32 v21, v20  }
0x137: {  	v44 =	vmul.f32 v55, v3;
	v45 =	vmul.f32 v58, v4;
	v17 =	vld [tilespmem:s18+$0x540];
	[tilespmem:s18+$0x130] =	vst v7;
	v7 =	vadd.f32 v14, v16  }
0x138: {  	v46 =	vmul.f32 v37, v4;
	v14 =	vld [tilespmem:s18+$0x550];
	v16 =	vmul.f32 v61, v3;
	[tilespmem:s18+$0x140] =	vst v8;
	v8 =	vadd.f32 v13, v10  }
0x139: {  	v47 =	vmul.f32 v41, v4;
	v10 =	vld [tilespmem:s18+$0xC550];
	v13 =	vmul.f32 v39, v3;
	[tilespmem:s18+$0x150] =	vst v7;
	v7 =	vadd.f32 v45, v44  }
0x13a: {  	v15 =	vmul.f32 v15, v3;
	v12 =	vmul.f32 v12, v4;
	[tilespmem:s18+$0x160] =	vst v8;
	v8 =	vadd.f32 v46, v16;
	v16 =	vld [tilespmem:s18+$0xC560]  }
0x13b: {  	s14 =	sadd.s32 $0x1400, s14;
	v9 =	vmul.f32 v9, v3;
	v11 =	vmul.f32 v11, v4;
	[tilespmem:s18+$0x170] =	vst v7;
	v7 =	vadd.f32 v47, v13;
	v13 =	vld [tilespmem:s18+$0x570]  }
0x13c: {  	s19 =	sor.u32 s1, s14;
	v49 =	vmul.f32 v43, v4;
	v17 =	vmul.f32 v17, v3;
	[tilespmem:s18+$0x500] =	vst v8;
	v8 =	vadd.f32 v12, v15;
	v12 =	vld [tilespmem:s18+$0xC570]  }
0x13d: {  	v9 =	vadd.f32 v11, v9;
	v11 =	vmul.f32 v14, v3;
	v14 =	vld [tilespmem:s19+$0xC170];
	[tilespmem:s18+$0x510] =	vst v7  }
0x13e: {  	v10 =	vmul.f32 v10, v4;
	v7 =	vld [tilespmem:s19+$0x170];
	[tilespmem:s18+$0x520] =	vst v8;
	v8 =	vadd.f32 v49, v17  }
0x13f: {  	v15 =	vmul.f32 v48, v3;
	[tilespmem:s18+$0x530] =	vst v9;
	v9 =	vld [tilespmem:s19+$0x100];
	v16 =	vmul.f32 v16, v4  }
0x140: {  	s20 =	sor.u32 s0, s15;
	v10 =	vadd.f32 v10, v11;
	v11 =	vld [tilespmem:s19+$0xC100];
	[tilespmem:s18+$0x540] =	vst v8  }
0x141: {  	v8 =	vld [tilespmem:s20+$0x100];
	v13 =	vmul.f32 v13, v3;
	v12 =	vmul.f32 v12, v4;
	v15 =	vadd.f32 v16, v15  }
0x142: {  	[tilespmem:s18+$0x550] =	vst v10;
	v16 =	vld [tilespmem:s19+$0x110]  }
0x143: {  	v10 =	vld [tilespmem:s20+$0x110];
	v12 =	vadd.f32 v12, v13;
	[tilespmem:s18+$0x560] =	vst v15  }
0x144: {  	v13 =	vld [tilespmem:s20+$0x120]  }
0x145: {  	[tilespmem:s18+$0x570] =	vst v12;
	v12 =	vld [tilespmem:s19+$0xC110]  }
0x146: {  	v15 =	vld [tilespmem:s20+$0x130]  }
0x147: {  	v17 =	vld [tilespmem:s20+$0xC100]  }
0x148: {  	v50 =	vld [tilespmem:s20+$0xC110]  }
0x149: {  	v51 =	vld [tilespmem:s20+$0xC120]  }
0x14a: {  	v52 =	vld [tilespmem:s20+$0xC130]  }
0x14b: {  	v53 =	vld [tilespmem:s20+$0x140]  }
0x14c: {  	v8 =	vmul.f32 v8, v3;
	v54 =	vld [tilespmem:s20+$0xC140];
	v17 =	vmul.f32 v17, v4  }
0x14d: {  	v55 =	vld [tilespmem:s20+$0x150];
	v10 =	vmul.f32 v10, v3;
	v18 =	vmul.f32 v50, v4  }
0x14e: {  	v56 =	vld [tilespmem:s20+$0xC150];
	v13 =	vmul.f32 v13, v3;
	v8 =	vadd.f32 v17, v8;
	v17 =	vmul.f32 v51, v4  }
0x14f: {  	v59 =	vld [tilespmem:s20+$0x170];
	v10 =	vadd.f32 v18, v10  }
0x150: {  	v58 =	vld [tilespmem:s20+$0x160];
	v15 =	vmul.f32 v15, v3;
	v57 =	vmul.f32 v52, v4;
	[tilespmem:s20+$0x100] =	vst v8;
	v8 =	vadd.f32 v17, v13  }
0x151: {  	v14 =	vmul.f32 v14, v6;
	v7 =	vmul.f32 v7, v5;
	v13 =	vld [tilespmem:s20+$0xC160];
	[tilespmem:s20+$0x110] =	vst v10  }
0x152: {  	v17 =	vmul.f32 v53, v3;
	v10 =	vadd.f32 v57, v15;
	v15 =	vmul.f32 v54, v4;
	[tilespmem:s20+$0x120] =	vst v8;
	v8 =	vld [tilespmem:s20+$0xC170]  }
0x153: {  	v7 =	vadd.f32 v14, v7;
	v14 =	vmul.f32 v16, v5;
	v16 =	vld [tilespmem:s19+$0xC160];
	v60 =	vmul.f32 v55, v3  }
0x154: {  	v18 =	vmul.f32 v59, v3;
	v59 =	vld [tilespmem:s19+$0xC150];
	[tilespmem:s20+$0x130] =	vst v10;
	v10 =	vadd.f32 v15, v17;
	v15 =	vmul.f32 v56, v4  }
0x155: {  	s21 =	sor.u32 s0, s16;
	v53 =	vld [tilespmem:s19+$0xC140]  }
0x156: {  	v20 =	vmul.f32 v58, v3;
	v61 =	vld [tilespmem:s21+$0x100];
	[tilespmem:s20+$0x140] =	vst v10;
	v10 =	vadd.f32 v15, v60;
	v13 =	vmul.f32 v13, v4  }
0x157: {  	v17 =	vld [tilespmem:s19+$0x120];
	v8 =	vmul.f32 v8, v4  }
0x158: {  	v62 =	vld [tilespmem:s21+$0x110];
	[tilespmem:s20+$0x150] =	vst v10;
	v10 =	vadd.f32 v13, v20  }
0x159: {  	v56 =	vld [tilespmem:s19+$0x150];
	v8 =	vadd.f32 v8, v18  }
0x15a: {  	v63 =	vld [tilespmem:s21+$0x120];
	[tilespmem:s20+$0x160] =	vst v10  }
0x15b: {  	v32 =	vld [tilespmem:s21+$0x130];
	[tilespmem:s20+$0x170] =	vst v8  }
0x15c: {  	v33 =	vld [tilespmem:s21+$0xC100]  }
0x15d: {  	v34 =	vld [tilespmem:s21+$0xC110]  }
0x15e: {  	v35 =	vld [tilespmem:s21+$0xC120]  }
0x15f: {  	v36 =	vld [tilespmem:s21+$0xC130]  }
0x160: {  	v37 =	vld [tilespmem:s21+$0x140]  }
0x161: {  	v38 =	vld [tilespmem:s21+$0xC140]  }
0x162: {  	v39 =	vld [tilespmem:s21+$0x150]  }
0x163: {  	v41 =	vld [tilespmem:s21+$0xC150]  }
0x164: {  	v43 =	vld [tilespmem:s21+$0x160]  }
0x165: {  	v19 =	vmul.f32 v61, v3;
	v45 =	vld [tilespmem:s21+$0xC160];
	v22 =	vmul.f32 v33, v4  }
0x166: {  	v21 =	vmul.f32 v62, v3;
	v48 =	vld [tilespmem:s21+$0x170];
	v23 =	vmul.f32 v34, v4  }
0x167: {  	v20 =	vmul.f32 v63, v3;
	v49 =	vld [tilespmem:s21+$0xC170];
	v40 =	vmul.f32 v35, v4;
	v19 =	vadd.f32 v22, v19  }
0x168: {  	v15 =	vld [tilespmem:s19+$0xC120];
	v18 =	vmul.f32 v32, v3;
	v42 =	vmul.f32 v36, v4;
	v21 =	vadd.f32 v23, v21  }
0x169: {  	v13 =	vld [tilespmem:s19+$0x130];
	v46 =	vmul.f32 v37, v3;
	v47 =	vmul.f32 v38, v4;
	v44 =	vadd.f32 v40, v20;
	[tilespmem:s21+$0x100] =	vst v19  }
0x16a: {  	v10 =	vld [tilespmem:s19+$0xC130];
	v50 =	vmul.f32 v39, v3;
	v52 =	vmul.f32 v41, v4;
	v18 =	vadd.f32 v42, v18;
	[tilespmem:s21+$0x110] =	vst v21  }
0x16b: {  	v62 =	vld [tilespmem:s19+$0x160];
	v25 =	vmul.f32 v43, v3;
	v51 =	vadd.f32 v47, v46;
	v20 =	vmul.f32 v45, v4;
	[tilespmem:s21+$0x120] =	vst v44  }
0x16c: {  	s1 =	sor.u32 s0, s17;
	v8 =	vld [tilespmem:s19+$0x140];
	v55 =	vadd.f32 v52, v50;
	v23 =	vmul.f32 v48, v3;
	[tilespmem:s21+$0x130] =	vst v18;
	v19 =	vmul.f32 v49, v4  }
0x16d: {  	v58 =	vadd.f32 v20, v25;
	v54 =	vld [tilespmem:s1+$0x100];
	[tilespmem:s21+$0x140] =	vst v51  }
0x16e: {  	v57 =	vld [tilespmem:s1+$0x110];
	[tilespmem:s21+$0x150] =	vst v55;
	v61 =	vadd.f32 v19, v23  }
0x16f: {  	v9 =	vmul.f32 v9, v5;
	v11 =	vmul.f32 v11, v6;
	v60 =	vld [tilespmem:s1+$0x120];
	[tilespmem:s21+$0x160] =	vst v58  }
0x170: {  	v12 =	vmul.f32 v12, v6;
	v63 =	vld [tilespmem:s1+$0x130];
	[tilespmem:s21+$0x170] =	vst v61  }
0x171: {  	v9 =	vadd.f32 v11, v9;
	v11 =	vmul.f32 v17, v5;
	v15 =	vmul.f32 v15, v6;
	v17 =	vld [tilespmem:s1+$0xC100]  }
0x172: {  	[tilespmem:s19+$0x170] =	vst v7;
	v7 =	vadd.f32 v12, v14;
	v12 =	vmul.f32 v13, v5;
	v10 =	vmul.f32 v10, v6;
	v13 =	vld [tilespmem:s1+$0xC110]  }
0x173: {  	[tilespmem:s19+$0x100] =	vst v9;
	v9 =	vadd.f32 v15, v11;
	v11 =	vmul.f32 v53, v6;
	v8 =	vmul.f32 v8, v5;
	v14 =	vld [tilespmem:s1+$0xC120]  }
0x174: {  	[tilespmem:s19+$0x110] =	vst v7;
	v7 =	vadd.f32 v10, v12;
	v10 =	vmul.f32 v56, v5;
	v12 =	vmul.f32 v59, v6;
	v18 =	vld [tilespmem:s1+$0xC130]  }
0x175: {  	[tilespmem:s19+$0x120] =	vst v9;
	v9 =	vmul.f32 v62, v5;
	v8 =	vadd.f32 v11, v8;
	v11 =	vmul.f32 v16, v6;
	v5 =	vld [tilespmem:s1+$0x140]  }
0x176: {  	[tilespmem:s19+$0x130] =	vst v7;
	v10 =	vadd.f32 v12, v10;
	v6 =	vld [tilespmem:s1+$0xC140];
	v15 =	vmul.f32 v54, v3;
	v12 =	vmul.f32 v17, v4  }
0x177: {  	[tilespmem:s19+$0x140] =	vst v8;
	v19 =	vadd.f32 v11, v9;
	v8 =	vld [tilespmem:s1+$0x150];
	v16 =	vmul.f32 v57, v3;
	v17 =	vmul.f32 v13, v4  }
0x178: {  	[tilespmem:s19+$0x150] =	vst v10;
	v9 =	vld [tilespmem:s1+$0xC150];
	v11 =	vmul.f32 v60, v3;
	v13 =	vadd.f32 v12, v15;
	v15 =	vmul.f32 v14, v4  }
0x179: {  	s31 =	sor.u32 s0, s14;
	s0 =	simm.s32 $0x0;
	[tilespmem:s19+$0x160] =	vst v19;
	v10 =	vld [tilespmem:s1+$0x160];
	v7 =	vmul.f32 v63, v3;
	v14 =	vadd.f32 v17, v16;
	v12 =	vmul.f32 v18, v4  }
.LBB2_2:
0x17a: {  	s0 =	sadd.s32 $0x2, s0;
	[tilespmem:s1+$0x100] =	vst v13;
	v11 =	vadd.f32 v15, v11;
	v13 =	vmul.f32 v5, v3;
	v15 =	vld [tilespmem:s1+$0xC160]  }
0x17b: {  	s14 =	sshrl.u32 s0, $0x3;
	p0 =	slt.u32 s0, $0x3E;
	[tilespmem:s1+$0x110] =	vst v14;
	v7 =	vadd.f32 v12, v7;
	v6 =	vmul.f32 v6, v4;
	v12 =	vld [tilespmem:s1+$0x170]  }
0x17c: {  	s29 =	sadd.s32 $0x100, s29;
	s28 =	sadd.s32 $0x100, s28;
	s17 =	smul.u32 $0x1800, s14;
	[tilespmem:s1+$0x120] =	vst v11;
	v8 =	vmul.f32 v8, v3;
	v11 =	vld [tilespmem:s1+$0xC170]  }
0x17d: {  	s30 =	sadd.s32 $0x100, s30;
	s18 =	sand.u32 $0x380, s28;
	s14 =	sadd.s32 $0xFFFFFF80, s28;
	v5 =	vld [tilespmem:s29+$0x0];
	[tilespmem:s1+$0x130] =	vst v7;
	v7 =	vadd.f32 v6, v13;
	v9 =	vmul.f32 v9, v4  }
0x17e: {  	s19 =	sand.u32 $0x300, s14;
	v6 =	vld [tilespmem:s30+$0x0];
	s15 =	sor.u32 s17, s18;
	v10 =	vmul.f32 v10, v3  }
0x17f: {  	s14 =	sor.u32 s19, s17;
	v13 =	vld [tilespmem:s15+$0x100];
	[tilespmem:s1+$0x140] =	vst v7;
	v7 =	vadd.f32 v9, v8;
	v8 =	vmul.f32 v15, v4  }
0x180: {  	v9 =	vld [tilespmem:s15+$0xC100];
	v12 =	vmul.f32 v12, v3  }
0x181: {  	v14 =	vld [tilespmem:s15+$0x110];
	[tilespmem:s1+$0x150] =	vst v7;
	v7 =	vadd.f32 v8, v10;
	v8 =	vmul.f32 v11, v4  }
0x182: {  	v10 =	vld [tilespmem:s15+$0xC110]  }
0x183: {  	v11 =	vld [tilespmem:s15+$0x120];
	[tilespmem:s1+$0x160] =	vst v7;
	v7 =	vadd.f32 v8, v12  }
0x184: {  	v8 =	vld [tilespmem:s15+$0xC120]  }
0x185: {  	v12 =	vld [tilespmem:s15+$0x130];
	[tilespmem:s1+$0x170] =	vst v7  }
0x186: {  	v7 =	vld [tilespmem:s15+$0xC130]  }
0x187: {  	v15 =	vld [tilespmem:s15+$0x140]  }
0x188: {  	v16 =	vld [tilespmem:s15+$0xC140]  }
0x189: {  	v17 =	vld [tilespmem:s15+$0x150]  }
0x18a: {  	v18 =	vld [tilespmem:s15+$0xC150]  }
0x18b: {  	v19 =	vld [tilespmem:s15+$0x160]  }
0x18c: {  	v20 =	vld [tilespmem:s15+$0xC160]  }
0x18d: {  	v21 =	vld [tilespmem:s15+$0x170]  }
0x18e: {  	v22 =	vld [tilespmem:s15+$0xC170]  }
0x18f: {  	v23 =	vld [tilespmem:s15+$0x500]  }
0x190: {  	v24 =	vld [tilespmem:s15+$0xC500]  }
0x191: {  	v25 =	vld [tilespmem:s15+$0x510]  }
0x192: {  	v26 =	vld [tilespmem:s15+$0xC510]  }
0x193: {  	v27 =	vld [tilespmem:s15+$0x520]  }
0x194: {  	v13 =	vmul.f32 v13, v5;
	v9 =	vmul.f32 v9, v6;
	v28 =	vld [tilespmem:s15+$0xC520]  }
0x195: {  	v14 =	vmul.f32 v14, v5;
	v10 =	vmul.f32 v10, v6;
	v29 =	vld [tilespmem:s15+$0x530]  }
0x196: {  	v9 =	vadd.f32 v9, v13;
	v11 =	vmul.f32 v11, v5;
	v8 =	vmul.f32 v8, v6;
	v13 =	vld [tilespmem:s15+$0xC530]  }
0x197: {  	v10 =	vadd.f32 v10, v14;
	v12 =	vmul.f32 v12, v5;
	v7 =	vmul.f32 v7, v6;
	v14 =	vld [tilespmem:s15+$0x540]  }
0x198: {  	v8 =	vadd.f32 v8, v11;
	v11 =	vmul.f32 v16, v6;
	[tilespmem:s15+$0x100] =	vst v9;
	v9 =	vmul.f32 v15, v5;
	v15 =	vld [tilespmem:s15+$0x550]  }
0x199: {  	v7 =	vadd.f32 v7, v12;
	v12 =	vmul.f32 v18, v6;
	[tilespmem:s15+$0x110] =	vst v10;
	v10 =	vmul.f32 v17, v5;
	v16 =	vld [tilespmem:s15+$0xC550]  }
0x19a: {  	[tilespmem:s15+$0x120] =	vst v8;
	v8 =	vadd.f32 v11, v9;
	v9 =	vmul.f32 v19, v5;
	v11 =	vmul.f32 v20, v6;
	v17 =	vld [tilespmem:s15+$0x560]  }
0x19b: {  	[tilespmem:s15+$0x130] =	vst v7;
	v7 =	vadd.f32 v12, v10;
	v10 =	vmul.f32 v21, v5;
	v12 =	vmul.f32 v22, v6;
	v18 =	vld [tilespmem:s15+$0xC560]  }
0x19c: {  	[tilespmem:s15+$0x140] =	vst v8;
	v8 =	vadd.f32 v11, v9;
	v9 =	vmul.f32 v23, v5;
	v11 =	vmul.f32 v24, v6;
	v19 =	vld [tilespmem:s15+$0x570]  }
0x19d: {  	v20 =	vmul.f32 v26, v6;
	[tilespmem:s15+$0x150] =	vst v7;
	v10 =	vadd.f32 v12, v10;
	v12 =	vmul.f32 v25, v5;
	v21 =	vld [tilespmem:s15+$0xC570]  }
0x19e: {  	v22 =	vmul.f32 v28, v6;
	[tilespmem:s15+$0x160] =	vst v8;
	v9 =	vadd.f32 v11, v9;
	v11 =	vmul.f32 v27, v5;
	v23 =	vld [tilespmem:s15+$0xC540]  }
0x19f: {  	v13 =	vmul.f32 v13, v6;
	v7 =	vld [tilespmem:s14+$0x100];
	[tilespmem:s15+$0x170] =	vst v10;
	v10 =	vadd.f32 v20, v12;
	v12 =	vmul.f32 v29, v5  }
0x1a0: {  	v15 =	vmul.f32 v15, v5;
	v16 =	vmul.f32 v16, v6;
	v8 =	vld [tilespmem:s14+$0xC100];
	[tilespmem:s15+$0x500] =	vst v9;
	v11 =	vadd.f32 v22, v11  }
0x1a1: {  	v9 =	vld [tilespmem:s14+$0x110];
	[tilespmem:s15+$0x510] =	vst v10;
	v12 =	vadd.f32 v13, v12;
	v13 =	vmul.f32 v17, v5;
	v17 =	vmul.f32 v18, v6  }
0x1a2: {  	v15 =	vadd.f32 v16, v15;
	v16 =	vmul.f32 v19, v5;
	v10 =	vld [tilespmem:s14+$0xC110];
	[tilespmem:s15+$0x520] =	vst v11;
	v18 =	vmul.f32 v21, v6  }
0x1a3: {  	v14 =	vmul.f32 v14, v5;
	v11 =	vld [tilespmem:s14+$0x120];
	[tilespmem:s15+$0x530] =	vst v12;
	v19 =	vmul.f32 v23, v6;
	v17 =	vadd.f32 v17, v13  }
0x1a4: {  	v12 =	vld [tilespmem:s14+$0xC120];
	[tilespmem:s15+$0x550] =	vst v15;
	v15 =	vadd.f32 v18, v16  }
0x1a5: {  	s1 =	sadd.s32 $0x800, s17;
	v13 =	vld [tilespmem:s14+$0x130];
	v16 =	vadd.f32 v19, v14;
	[tilespmem:s15+$0x560] =	vst v17  }
0x1a6: {  	s16 =	sor.u32 s19, s1;
	s1 =	sor.u32 s18, s1;
	v14 =	vld [tilespmem:s14+$0xC130];
	[tilespmem:s15+$0x570] =	vst v15  }
0x1a7: {  	[tilespmem:s15+$0x540] =	vst v16;
	v15 =	vld [tilespmem:s1+$0x100]  }
0x1a8: {  	v16 =	vld [tilespmem:s1+$0xC100]  }
0x1a9: {  	v17 =	vld [tilespmem:s1+$0x110]  }
0x1aa: {  	v18 =	vld [tilespmem:s1+$0xC110]  }
0x1ab: {  	v19 =	vld [tilespmem:s1+$0x120]  }
0x1ac: {  	v20 =	vld [tilespmem:s1+$0xC120]  }
0x1ad: {  	v21 =	vld [tilespmem:s1+$0x130]  }
0x1ae: {  	v22 =	vld [tilespmem:s1+$0xC130]  }
0x1af: {  	v23 =	vld [tilespmem:s1+$0x140]  }
0x1b0: {  	v24 =	vld [tilespmem:s1+$0x150]  }
0x1b1: {  	v25 =	vld [tilespmem:s1+$0xC150]  }
0x1b2: {  	v26 =	vld [tilespmem:s1+$0x160]  }
0x1b3: {  	v27 =	vld [tilespmem:s1+$0xC160]  }
0x1b4: {  	v15 =	vmul.f32 v15, v5;
	v16 =	vmul.f32 v16, v6;
	v28 =	vld [tilespmem:s1+$0x170]  }
0x1b5: {  	v17 =	vmul.f32 v17, v5;
	v18 =	vmul.f32 v18, v6;
	v29 =	vld [tilespmem:s1+$0xC170]  }
0x1b6: {  	v30 =	vadd.f32 v16, v15;
	v19 =	vmul.f32 v19, v5;
	v20 =	vmul.f32 v20, v6;
	v31 =	vld [tilespmem:s1+$0xC140]  }
0x1b7: {  	v18 =	vadd.f32 v18, v17;
	v21 =	vmul.f32 v21, v5;
	v22 =	vmul.f32 v22, v6;
	v15 =	vld [tilespmem:s14+$0x140]  }
0x1b8: {  	v19 =	vadd.f32 v20, v19;
	v20 =	vmul.f32 v24, v5;
	v24 =	vmul.f32 v25, v6;
	v16 =	vld [tilespmem:s14+$0xC140];
	[tilespmem:s1+$0x100] =	vst v30  }
0x1b9: {  	v21 =	vadd.f32 v22, v21;
	v22 =	vmul.f32 v26, v5;
	v25 =	vmul.f32 v27, v6;
	v17 =	vld [tilespmem:s14+$0x150];
	[tilespmem:s1+$0x110] =	vst v18  }
0x1ba: {  	v20 =	vadd.f32 v24, v20;
	v24 =	vmul.f32 v28, v5;
	v18 =	vld [tilespmem:s14+$0xC150];
	[tilespmem:s1+$0x120] =	vst v19;
	v26 =	vmul.f32 v29, v6  }
0x1bb: {  	v23 =	vmul.f32 v23, v5;
	v22 =	vadd.f32 v25, v22;
	v19 =	vld [tilespmem:s14+$0x160];
	[tilespmem:s1+$0x130] =	vst v21;
	v27 =	vmul.f32 v31, v6  }
0x1bc: {  	v21 =	vld [tilespmem:s14+$0xC160];
	[tilespmem:s1+$0x150] =	vst v20;
	v24 =	vadd.f32 v26, v24  }
0x1bd: {  	s20 =	sadd.s32 $0xC00, s17;
	v20 =	vld [tilespmem:s14+$0x170];
	v23 =	vadd.f32 v27, v23;
	[tilespmem:s1+$0x160] =	vst v22  }
0x1be: {  	s15 =	sor.u32 s19, s20;
	s20 =	sor.u32 s18, s20;
	v22 =	vld [tilespmem:s14+$0xC170];
	[tilespmem:s1+$0x170] =	vst v24  }
0x1bf: {  	[tilespmem:s1+$0x140] =	vst v23;
	v23 =	vld [tilespmem:s20+$0x100]  }
0x1c0: {  	v24 =	vld [tilespmem:s20+$0xC100]  }
0x1c1: {  	v25 =	vld [tilespmem:s20+$0x110]  }
0x1c2: {  	v26 =	vld [tilespmem:s20+$0xC110]  }
0x1c3: {  	v27 =	vld [tilespmem:s20+$0x120]  }
0x1c4: {  	v28 =	vld [tilespmem:s20+$0xC120]  }
0x1c5: {  	v29 =	vld [tilespmem:s20+$0x130]  }
0x1c6: {  	v30 =	vld [tilespmem:s20+$0xC130]  }
0x1c7: {  	v31 =	vld [tilespmem:s20+$0x140]  }
0x1c8: {  	v32 =	vld [tilespmem:s20+$0x150]  }
0x1c9: {  	v33 =	vld [tilespmem:s20+$0xC150]  }
0x1ca: {  	v34 =	vld [tilespmem:s20+$0x160]  }
0x1cb: {  	v35 =	vld [tilespmem:s20+$0xC160]  }
0x1cc: {  	v23 =	vmul.f32 v23, v5;
	v24 =	vmul.f32 v24, v6;
	v36 =	vld [tilespmem:s20+$0x170]  }
0x1cd: {  	v25 =	vmul.f32 v25, v5;
	v26 =	vmul.f32 v26, v6;
	v37 =	vld [tilespmem:s20+$0xC170]  }
0x1ce: {  	v38 =	vadd.f32 v24, v23;
	v27 =	vmul.f32 v27, v5;
	v28 =	vmul.f32 v28, v6;
	v39 =	vld [tilespmem:s20+$0xC140]  }
0x1cf: {  	v26 =	vadd.f32 v26, v25;
	v29 =	vmul.f32 v29, v5;
	v30 =	vmul.f32 v30, v6;
	v23 =	vld [tilespmem:s14+$0x500]  }
0x1d0: {  	v27 =	vadd.f32 v28, v27;
	v28 =	vmul.f32 v32, v5;
	v32 =	vmul.f32 v33, v6;
	v24 =	vld [tilespmem:s14+$0xC500];
	[tilespmem:s20+$0x100] =	vst v38  }
0x1d1: {  	v29 =	vadd.f32 v30, v29;
	v30 =	vmul.f32 v34, v5;
	v33 =	vmul.f32 v35, v6;
	v25 =	vld [tilespmem:s14+$0x510];
	[tilespmem:s20+$0x110] =	vst v26  }
0x1d2: {  	v28 =	vadd.f32 v32, v28;
	v32 =	vmul.f32 v36, v5;
	v26 =	vld [tilespmem:s14+$0xC510];
	[tilespmem:s20+$0x120] =	vst v27;
	v34 =	vmul.f32 v37, v6  }
0x1d3: {  	v31 =	vmul.f32 v31, v5;
	v30 =	vadd.f32 v33, v30;
	v27 =	vld [tilespmem:s14+$0x520];
	[tilespmem:s20+$0x130] =	vst v29;
	v35 =	vmul.f32 v39, v6  }
0x1d4: {  	v29 =	vld [tilespmem:s14+$0xC520];
	[tilespmem:s20+$0x150] =	vst v28;
	v32 =	vadd.f32 v34, v32  }
0x1d5: {  	s21 =	sadd.s32 $0x1000, s17;
	v28 =	vld [tilespmem:s14+$0x530];
	v33 =	vadd.f32 v35, v31;
	[tilespmem:s20+$0x160] =	vst v30  }
0x1d6: {  	s1 =	sor.u32 s19, s21;
	s21 =	sor.u32 s18, s21;
	v31 =	vld [tilespmem:s14+$0xC530];
	[tilespmem:s20+$0x170] =	vst v32  }
0x1d7: {  	[tilespmem:s20+$0x140] =	vst v33;
	v30 =	vld [tilespmem:s21+$0x100]  }
0x1d8: {  	v32 =	vld [tilespmem:s21+$0xC100]  }
0x1d9: {  	v33 =	vld [tilespmem:s21+$0x110]  }
0x1da: {  	v34 =	vld [tilespmem:s21+$0xC110]  }
0x1db: {  	v35 =	vld [tilespmem:s21+$0x120]  }
0x1dc: {  	v36 =	vld [tilespmem:s21+$0xC120]  }
0x1dd: {  	v37 =	vld [tilespmem:s21+$0x130]  }
0x1de: {  	v38 =	vld [tilespmem:s21+$0x140]  }
0x1df: {  	v39 =	vld [tilespmem:s21+$0xC140]  }
0x1e0: {  	v40 =	vld [tilespmem:s21+$0x150]  }
0x1e1: {  	v41 =	vld [tilespmem:s21+$0xC150]  }
0x1e2: {  	v42 =	vld [tilespmem:s21+$0x160]  }
0x1e3: {  	v43 =	vld [tilespmem:s21+$0xC160]  }
0x1e4: {  	v30 =	vmul.f32 v30, v5;
	v32 =	vmul.f32 v32, v6;
	v44 =	vld [tilespmem:s21+$0x170]  }
0x1e5: {  	v33 =	vmul.f32 v33, v5;
	v34 =	vmul.f32 v34, v6;
	v45 =	vld [tilespmem:s21+$0xC170]  }
0x1e6: {  	v30 =	vadd.f32 v32, v30;
	v32 =	vmul.f32 v35, v5;
	v35 =	vmul.f32 v36, v6;
	v36 =	vld [tilespmem:s21+$0xC130]  }
0x1e7: {  	v33 =	vadd.f32 v34, v33;
	v34 =	vmul.f32 v38, v5;
	v38 =	vmul.f32 v39, v6;
	v46 =	vld [tilespmem:s14+$0x540]  }
0x1e8: {  	v39 =	vld [tilespmem:s14+$0xC540];
	[tilespmem:s21+$0x100] =	vst v30;
	v30 =	vadd.f32 v35, v32;
	v32 =	vmul.f32 v40, v5;
	v35 =	vmul.f32 v41, v6  }
0x1e9: {  	v40 =	vld [tilespmem:s14+$0x550];
	[tilespmem:s21+$0x110] =	vst v33;
	v33 =	vadd.f32 v38, v34;
	v34 =	vmul.f32 v42, v5;
	v38 =	vmul.f32 v43, v6  }
0x1ea: {  	v41 =	vld [tilespmem:s14+$0xC550];
	[tilespmem:s21+$0x120] =	vst v30;
	v30 =	vadd.f32 v35, v32;
	v32 =	vmul.f32 v44, v5;
	v35 =	vmul.f32 v45, v6  }
0x1eb: {  	v37 =	vmul.f32 v37, v5;
	v42 =	vld [tilespmem:s14+$0x560];
	v36 =	vmul.f32 v36, v6;
	[tilespmem:s21+$0x140] =	vst v33;
	v33 =	vadd.f32 v38, v34  }
0x1ec: {  	v34 =	vld [tilespmem:s14+$0xC560];
	[tilespmem:s21+$0x150] =	vst v30;
	v30 =	vadd.f32 v35, v32  }
0x1ed: {  	s17 =	sadd.s32 $0x1400, s17;
	v35 =	vld [tilespmem:s14+$0x570];
	v32 =	vadd.f32 v36, v37;
	[tilespmem:s21+$0x160] =	vst v33  }
0x1ee: {  	s19 =	sor.u32 s19, s17;
	s17 =	sor.u32 s18, s17;
	v33 =	vld [tilespmem:s14+$0xC570];
	[tilespmem:s21+$0x170] =	vst v30  }
0x1ef: {  	[tilespmem:s21+$0x130] =	vst v32;
	v36 =	vld [tilespmem:s17+$0x170]  }
0x1f0: {  	v37 =	vld [tilespmem:s17+$0xC170]  }
0x1f1: {  	v32 =	vld [tilespmem:s29+$0xFFFFFF80]  }
0x1f2: {  	v30 =	vld [tilespmem:s30+$0xFFFFFF80]  }
0x1f3: {  	v38 =	vld [tilespmem:s31+$0x100]  }
0x1f4: {  	v43 =	vld [tilespmem:s31+$0xC100]  }
0x1f5: {  	v36 =	vmul.f32 v36, v5;
	v37 =	vmul.f32 v37, v6;
	v44 =	vld [tilespmem:s31+$0x110]  }
0x1f6: {  	v7 =	vmul.f32 v7, v32;
	v9 =	vmul.f32 v9, v32;
	v45 =	vld [tilespmem:s31+$0xC110]  }
0x1f7: {  	v8 =	vmul.f32 v8, v30;
	v10 =	vmul.f32 v10, v30;
	v36 =	vadd.f32 v37, v36;
	v37 =	vld [tilespmem:s31+$0x120]  }
0x1f8: {  	v11 =	vmul.f32 v11, v32;
	v12 =	vmul.f32 v12, v30;
	v47 =	vld [tilespmem:s31+$0xC120]  }
0x1f9: {  	v7 =	vadd.f32 v8, v7;
	v8 =	vmul.f32 v13, v32;
	v13 =	vmul.f32 v14, v30;
	[tilespmem:s17+$0x170] =	vst v36;
	v14 =	vld [tilespmem:s31+$0x130]  }
0x1fa: {  	v9 =	vadd.f32 v10, v9;
	v10 =	vmul.f32 v15, v32;
	v15 =	vmul.f32 v16, v30;
	v16 =	vld [tilespmem:s31+$0xC130]  }
0x1fb: {  	[tilespmem:s14+$0x100] =	vst v7;
	v7 =	vadd.f32 v12, v11;
	v11 =	vmul.f32 v17, v32;
	v12 =	vmul.f32 v18, v30;
	v17 =	vld [tilespmem:s31+$0x140]  }
0x1fc: {  	v8 =	vadd.f32 v13, v8;
	v13 =	vmul.f32 v21, v30;
	[tilespmem:s14+$0x110] =	vst v9;
	v9 =	vmul.f32 v19, v32;
	v18 =	vld [tilespmem:s31+$0xC140]  }
0x1fd: {  	[tilespmem:s14+$0x120] =	vst v7;
	v7 =	vadd.f32 v15, v10;
	v10 =	vmul.f32 v20, v32;
	v15 =	vmul.f32 v22, v30;
	v19 =	vld [tilespmem:s31+$0x150]  }
0x1fe: {  	[tilespmem:s14+$0x130] =	vst v8;
	v8 =	vadd.f32 v12, v11;
	v11 =	vmul.f32 v23, v32;
	v12 =	vmul.f32 v24, v30;
	v20 =	vld [tilespmem:s31+$0xC150]  }
0x1ff: {  	[tilespmem:s14+$0x140] =	vst v7;
	v7 =	vadd.f32 v13, v9;
	v9 =	vmul.f32 v25, v32;
	v13 =	vmul.f32 v26, v30;
	v21 =	vld [tilespmem:s31+$0x160]  }
0x200: {  	[tilespmem:s14+$0x150] =	vst v8;
	v8 =	vadd.f32 v15, v10;
	v10 =	vmul.f32 v27, v32;
	v15 =	vmul.f32 v29, v30;
	v22 =	vld [tilespmem:s31+$0xC160]  }
0x201: {  	[tilespmem:s14+$0x160] =	vst v7;
	v7 =	vadd.f32 v12, v11;
	v11 =	vmul.f32 v28, v32;
	v12 =	vmul.f32 v31, v30;
	v23 =	vld [tilespmem:s31+$0x170]  }
0x202: {  	[tilespmem:s14+$0x170] =	vst v8;
	v8 =	vadd.f32 v13, v9;
	v9 =	vmul.f32 v46, v32;
	v13 =	vmul.f32 v39, v30;
	v24 =	vld [tilespmem:s31+$0xC170]  }
0x203: {  	[tilespmem:s14+$0x500] =	vst v7;
	v7 =	vadd.f32 v15, v10;
	v10 =	vmul.f32 v40, v32;
	v15 =	vmul.f32 v41, v30;
	v25 =	vld [tilespmem:s17+$0x100]  }
0x204: {  	[tilespmem:s14+$0x510] =	vst v8;
	v8 =	vadd.f32 v12, v11;
	v11 =	vmul.f32 v42, v32;
	v12 =	vmul.f32 v34, v30;
	v26 =	vld [tilespmem:s17+$0xC100]  }
0x205: {  	[tilespmem:s14+$0x520] =	vst v7;
	v7 =	vadd.f32 v13, v9;
	v9 =	vmul.f32 v35, v32;
	v13 =	vmul.f32 v33, v30;
	v27 =	vld [tilespmem:s17+$0x110]  }
0x206: {  	[tilespmem:s14+$0x530] =	vst v8;
	v8 =	vadd.f32 v15, v10;
	v10 =	vadd.f32 v12, v11;
	v11 =	vld [tilespmem:s17+$0xC110];
	v12 =	vmul.f32 v38, v3  }
0x207: {  	v15 =	vmul.f32 v44, v3;
	[tilespmem:s14+$0x540] =	vst v7;
	v7 =	vadd.f32 v13, v9;
	v9 =	vld [tilespmem:s16+$0x100];
	v13 =	vmul.f32 v43, v4  }
0x208: {  	v29 =	vmul.f32 v37, v3;
	v28 =	vmul.f32 v45, v4;
	[tilespmem:s14+$0x550] =	vst v8;
	v8 =	vld [tilespmem:s16+$0x110]  }
0x209: {  	v14 =	vmul.f32 v14, v3;
	[tilespmem:s14+$0x560] =	vst v10;
	v10 =	vld [tilespmem:s16+$0x120];
	v12 =	vadd.f32 v13, v12;
	v13 =	vmul.f32 v47, v4  }
0x20a: {  	v16 =	vmul.f32 v16, v4;
	v17 =	vmul.f32 v17, v3;
	v15 =	vadd.f32 v28, v15;
	[tilespmem:s14+$0x570] =	vst v7;
	v7 =	vld [tilespmem:s16+$0x130]  }
0x20b: {  	v28 =	vld [tilespmem:s16+$0xC100];
	[tilespmem:s31+$0x100] =	vst v12;
	v12 =	vadd.f32 v13, v29;
	v13 =	vmul.f32 v18, v4;
	v18 =	vmul.f32 v19, v3  }
0x20c: {  	v14 =	vadd.f32 v16, v14;
	v9 =	vmul.f32 v9, v32;
	v19 =	vld [tilespmem:s16+$0xC110];
	[tilespmem:s31+$0x110] =	vst v15;
	v15 =	vmul.f32 v20, v4  }
0x20d: {  	v8 =	vmul.f32 v8, v32;
	v16 =	vld [tilespmem:s16+$0xC120];
	[tilespmem:s31+$0x120] =	vst v12;
	v12 =	vadd.f32 v13, v17;
	v13 =	vmul.f32 v21, v3  }
0x20e: {  	v10 =	vmul.f32 v10, v32;
	v17 =	vld [tilespmem:s16+$0xC130];
	[tilespmem:s31+$0x130] =	vst v14;
	v14 =	vadd.f32 v15, v18;
	v15 =	vmul.f32 v22, v4  }
0x20f: {  	v7 =	vmul.f32 v7, v32;
	v18 =	vld [tilespmem:s16+$0x140];
	[tilespmem:s31+$0x140] =	vst v12;
	v12 =	vmul.f32 v23, v3;
	v3 =	vmov v32  }
0x210: {  	v20 =	vmul.f32 v28, v30;
	v21 =	vld [tilespmem:s16+$0xC140];
	[tilespmem:s31+$0x150] =	vst v14;
	v13 =	vadd.f32 v15, v13;
	v14 =	vmul.f32 v24, v4  }
0x211: {  	v22 =	vmul.f32 v25, v5;
	v4 =	vmov v30;
	v15 =	vmul.f32 v19, v30;
	v19 =	vld [tilespmem:s16+$0x150]  }
0x212: {  	v23 =	vmul.f32 v26, v6;
	v9 =	vadd.f32 v20, v9;
	v16 =	vmul.f32 v16, v4;
	v20 =	vld [tilespmem:s16+$0xC150];
	[tilespmem:s31+$0x160] =	vst v13  }
0x213: {  	v8 =	vadd.f32 v15, v8;
	v13 =	vmul.f32 v17, v4;
	v15 =	vld [tilespmem:s16+$0x160];
	v17 =	vmul.f32 v27, v5  }
0x214: {  	v11 =	vmul.f32 v11, v6;
	[tilespmem:s16+$0x100] =	vst v9;
	v9 =	vadd.f32 v16, v10;
	v10 =	vmul.f32 v18, v3;
	v16 =	vld [tilespmem:s16+$0xC160]  }
0x215: {  	v12 =	vadd.f32 v14, v12;
	[tilespmem:s16+$0x110] =	vst v8;
	v7 =	vadd.f32 v13, v7;
	v8 =	vmul.f32 v21, v4;
	v13 =	vld [tilespmem:s16+$0x170]  }
0x216: {  	v18 =	vadd.f32 v23, v22;
	v11 =	vadd.f32 v11, v17;
	[tilespmem:s16+$0x120] =	vst v9;
	v9 =	vmul.f32 v19, v3;
	v14 =	vld [tilespmem:s16+$0xC170]  }
0x217: {  	[tilespmem:s16+$0x130] =	vst v7;
	v7 =	vadd.f32 v8, v10;
	v8 =	vmul.f32 v20, v4;
	v10 =	vld [tilespmem:s17+$0x120]  }
0x218: {  	v15 =	vmul.f32 v15, v3;
	v17 =	vld [tilespmem:s15+$0x100];
	[tilespmem:s31+$0x170] =	vst v12;
	s31 =	smov.u32 s19  }
0x219: {  	[tilespmem:s16+$0x140] =	vst v7;
	v7 =	vadd.f32 v8, v9;
	v8 =	vmul.f32 v16, v4;
	v9 =	vld [tilespmem:s17+$0xC120]  }
0x21a: {  	v12 =	vmul.f32 v13, v3;
	v13 =	vld [tilespmem:s15+$0x110];
	[tilespmem:s17+$0x100] =	vst v18  }
0x21b: {  	[tilespmem:s16+$0x150] =	vst v7;
	v7 =	vadd.f32 v8, v15;
	v8 =	vmul.f32 v14, v4;
	v14 =	vld [tilespmem:s17+$0x130]  }
0x21c: {  	v15 =	vld [tilespmem:s15+$0x120];
	[tilespmem:s17+$0x110] =	vst v11;
	v10 =	vmul.f32 v10, v5  }
0x21d: {  	[tilespmem:s16+$0x160] =	vst v7;
	v7 =	vadd.f32 v8, v12;
	v8 =	vmul.f32 v17, v3;
	v11 =	vld [tilespmem:s17+$0xC130]  }
0x21e: {  	v12 =	vld [tilespmem:s15+$0x130];
	v9 =	vmul.f32 v9, v6  }
0x21f: {  	[tilespmem:s16+$0x170] =	vst v7;
	v7 =	vmul.f32 v13, v3;
	v13 =	vld [tilespmem:s17+$0x140]  }
0x220: {  	v16 =	vld [tilespmem:s15+$0xC100];
	v9 =	vadd.f32 v9, v10;
	v10 =	vmul.f32 v14, v5  }
0x221: {  	v14 =	vld [tilespmem:s15+$0xC110];
	v15 =	vmul.f32 v15, v3  }
0x222: {  	v17 =	vld [tilespmem:s15+$0xC120];
	[tilespmem:s17+$0x120] =	vst v9;
	v9 =	vmul.f32 v11, v6  }
0x223: {  	v11 =	vmul.f32 v12, v3;
	v12 =	vld [tilespmem:s15+$0xC130]  }
0x224: {  	v18 =	vld [tilespmem:s15+$0x140];
	v9 =	vadd.f32 v9, v10;
	v10 =	vmul.f32 v13, v5  }
0x225: {  	v13 =	vmul.f32 v16, v4;
	v16 =	vld [tilespmem:s15+$0xC140]  }
0x226: {  	v14 =	vmul.f32 v14, v4;
	v19 =	vld [tilespmem:s15+$0x150];
	[tilespmem:s17+$0x130] =	vst v9  }
0x227: {  	v8 =	vadd.f32 v13, v8;
	v9 =	vmul.f32 v17, v4;
	v13 =	vld [tilespmem:s15+$0xC150]  }
0x228: {  	v7 =	vadd.f32 v14, v7;
	v12 =	vmul.f32 v12, v4;
	v14 =	vld [tilespmem:s15+$0x160]  }
0x229: {  	[tilespmem:s15+$0x100] =	vst v8;
	v8 =	vadd.f32 v9, v15;
	v9 =	vmul.f32 v18, v3;
	v15 =	vld [tilespmem:s15+$0xC160]  }
0x22a: {  	[tilespmem:s15+$0x110] =	vst v7;
	v7 =	vadd.f32 v12, v11;
	v11 =	vmul.f32 v16, v4;
	v12 =	vld [tilespmem:s15+$0x170]  }
0x22b: {  	[tilespmem:s15+$0x120] =	vst v8;
	v8 =	vmul.f32 v19, v3;
	v16 =	vld [tilespmem:s15+$0xC170]  }
0x22c: {  	[tilespmem:s15+$0x130] =	vst v7;
	v7 =	vadd.f32 v11, v9;
	v9 =	vmul.f32 v13, v4;
	v11 =	vld [tilespmem:s17+$0xC140]  }
0x22d: {  	v13 =	vmul.f32 v14, v3;
	v14 =	vld [tilespmem:s1+$0x100]  }
0x22e: {  	[tilespmem:s15+$0x140] =	vst v7;
	v7 =	vadd.f32 v9, v8;
	v8 =	vmul.f32 v15, v4;
	v9 =	vld [tilespmem:s17+$0x150]  }
0x22f: {  	v12 =	vmul.f32 v12, v3;
	v15 =	vld [tilespmem:s1+$0x110]  }
0x230: {  	[tilespmem:s15+$0x150] =	vst v7;
	v7 =	vadd.f32 v8, v13;
	v8 =	vmul.f32 v16, v4;
	v13 =	vld [tilespmem:s17+$0xC150]  }
0x231: {  	v16 =	vld [tilespmem:s1+$0x120];
	v11 =	vmul.f32 v11, v6  }
0x232: {  	[tilespmem:s15+$0x160] =	vst v7;
	v7 =	vadd.f32 v8, v12;
	v12 =	vmul.f32 v14, v3;
	v8 =	vld [tilespmem:s17+$0x160]  }
0x233: {  	v14 =	vld [tilespmem:s1+$0x130];
	v10 =	vadd.f32 v11, v10;
	v9 =	vmul.f32 v9, v5  }
0x234: {  	[tilespmem:s15+$0x170] =	vst v7;
	v17 =	vmul.f32 v15, v3;
	v15 =	vld [tilespmem:s17+$0xC160]  }
0x235: {  	v18 =	vld [tilespmem:s1+$0xC100];
	[tilespmem:s17+$0x140] =	vst v10;
	v7 =	vmul.f32 v13, v6  }
0x236: {  	v10 =	vld [tilespmem:s1+$0xC110];
	v11 =	vmul.f32 v16, v3  }
0x237: {  	v16 =	vld [tilespmem:s1+$0xC120];
	v9 =	vadd.f32 v7, v9;
	v13 =	vmul.f32 v8, v5  }
0x238: {  	v7 =	vmul.f32 v14, v3;
	v19 =	vld [tilespmem:s1+$0xC130]  }
.Ltmp0:
0x239: {  	v5 =	vld [tilespmem:s1+$0x140];
	[tilespmem:s17+$0x150] =	vst v9;
	v9 =	vmul.f32 v15, v6;
	(pc) =	sbr.rel @p0 .LBB2_2-.Ltmp0, $4  }
0x23a: {  	v14 =	vmul.f32 v18, v4;
	v6 =	vld [tilespmem:s1+$0xC140]  }
0x23b: {  	v10 =	vmul.f32 v10, v4;
	v8 =	vld [tilespmem:s1+$0x150];
	v18 =	vadd.f32 v9, v13  }
0x23c: {  	v13 =	vadd.f32 v14, v12;
	v15 =	vmul.f32 v16, v4;
	v9 =	vld [tilespmem:s1+$0xC150]  }
0x23d: {  	v14 =	vadd.f32 v10, v17;
	v12 =	vmul.f32 v19, v4;
	v10 =	vld [tilespmem:s1+$0x160];
	[tilespmem:s17+$0x160] =	vst v18  }
0x23e: {  	v31 =	vld [tilespmem:s1+$0xC160]  }
0x23f: {  	v32 =	vld [tilespmem:s1+$0x170]  }
0x240: {  	v33 =	vld [tilespmem:s1+$0xC170];
	_ =	sdelay $0x1  }
0x241: {  	[tilespmem:s1+$0x100] =	vst v13;
	v11 =	vadd.f32 v15, v11;
	v5 =	vmul.f32 v5, v3;
	v6 =	vmul.f32 v6, v4  }
0x242: {  	[tilespmem:s1+$0x110] =	vst v14;
	v7 =	vadd.f32 v12, v7;
	v8 =	vmul.f32 v8, v3;
	v9 =	vmul.f32 v9, v4  }
0x243: {  	[tilespmem:s1+$0x120] =	vst v11;
	v5 =	vadd.f32 v6, v5;
	v34 =	vmul.f32 v10, v3;
	v35 =	vmul.f32 v31, v4  }
0x244: {  	[tilespmem:s1+$0x130] =	vst v7;
	v36 =	vadd.f32 v9, v8;
	v37 =	vmul.f32 v32, v3;
	v38 =	vmul.f32 v33, v4  }
0x245: {  	[tilespmem:s1+$0x140] =	vst v5;
	v39 =	vadd.f32 v35, v34  }
0x246: {  	[tilespmem:s1+$0x150] =	vst v36;
	v40 =	vadd.f32 v38, v37  }
0x247: {  	[tilespmem:s1+$0x160] =	vst v39  }
0x248: {  	[tilespmem:s1+$0x170] =	vst v40  }
0x249: {  	v5 =	vld [tilespmem:s31+$0x100]  }
0x24a: {  	v6 =	vld [tilespmem:s31+$0xC100]  }
0x24b: {  	v7 =	vld [tilespmem:s31+$0x110]  }
0x24c: {  	v41 =	vld [tilespmem:s31+$0xC110]  }
0x24d: {  	v42 =	vld [tilespmem:s31+$0x120]  }
0x24e: {  	v43 =	vld [tilespmem:s31+$0xC120]  }
0x24f: {  	v44 =	vld [tilespmem:s31+$0x130]  }
0x250: {  	v45 =	vld [tilespmem:s31+$0xC130]  }
0x251: {  	v46 =	vld [tilespmem:s31+$0x140]  }
0x252: {  	v47 =	vld [tilespmem:s31+$0xC140]  }
0x253: {  	v48 =	vld [tilespmem:s31+$0x150]  }
0x254: {  	v16 =	vld [tilespmem:s31+$0xC150]  }
0x255: {  	v17 =	vld [tilespmem:s31+$0x160]  }
0x256: {  	v18 =	vld [tilespmem:s31+$0xC160];
	v5 =	vmul.f32 v5, v3;
	v6 =	vmul.f32 v6, v4  }
0x257: {  	v19 =	vld [tilespmem:s31+$0x170];
	v7 =	vmul.f32 v7, v3;
	v8 =	vmul.f32 v41, v4  }
0x258: {  	v20 =	vld [tilespmem:s31+$0xC170];
	v9 =	vmul.f32 v42, v3;
	v49 =	vmul.f32 v43, v4;
	v5 =	vadd.f32 v6, v5  }
0x259: {  	v50 =	vmul.f32 v44, v3;
	v51 =	vmul.f32 v45, v4;
	v7 =	vadd.f32 v8, v7  }
0x25a: {  	v52 =	vmul.f32 v46, v3;
	v54 =	vmul.f32 v47, v4;
	v53 =	vadd.f32 v49, v9;
	[tilespmem:s31+$0x100] =	vst v5  }
0x25b: {  	v55 =	vmul.f32 v48, v3;
	v57 =	vmul.f32 v16, v4;
	v56 =	vadd.f32 v51, v50;
	[tilespmem:s31+$0x110] =	vst v7  }
0x25c: {  	v59 =	vmul.f32 v17, v3;
	v60 =	vmul.f32 v18, v4;
	v58 =	vadd.f32 v54, v52;
	[tilespmem:s31+$0x120] =	vst v53  }
0x25d: {  	v3 =	vmul.f32 v19, v3;
	v62 =	vmul.f32 v20, v4;
	v61 =	vadd.f32 v57, v55;
	[tilespmem:s31+$0x130] =	vst v56  }
0x25e: {  	v63 =	vadd.f32 v60, v59;
	[tilespmem:s31+$0x140] =	vst v58  }
0x25f: {  	s26 =	sadd.s32 $0x1, s26;
	v3 =	vadd.f32 v62, v3;
	[tilespmem:s31+$0x150] =	vst v61  }
0x260: {  	p0 =	sne.s32 s26, s11;
	[tilespmem:s31+$0x160] =	vst v63  }
.Ltmp1:
0x261: {  	[tilespmem:s31+$0x170] =	vst v3;
	(pc) =	sbr.rel @p0 .LBB2_1-.Ltmp1, $4  }
0x262: {  	[hbm4b:s10+s2] =	stream.linear.scatter [tilespmem:s13], [sflag:$0x2], $0xC000, $0x38;
	[tilespmem:$0x1C100] =	vst v63  }
0x263: {  	_ =	swait.ge [sflag:s12], $0xC000  }
0x264: {  	[sflag:s12] =	ssyncset.done $0x0  }
0x265: {  	[sflag:s12] =	ssyncadd.s32 $0xFFFF4000  }
0x266: {  	_ =	sfence.sel $0x180000  }
0x267: {  	[bflag:$0x0] =	sbarrier.arrive $0xFFFF  }
0x268: {  	_ =	strace $0x9000004A  }
0x269: {  	s0 =	stileid.u32;
	[bflag:$0x2] =	sbarrier.arrive $0xFFFF  }
0x26a: {  	p0 =	sne.s32 s0, $0x0;
	s0 =	rddreg [dreg:$0x2]  }
0x26b: {  	s0 =	sadd.s32 @!p0 $0x100000, s0  }
0x26c: {  	[sflag:s0] =	ssyncadd.tile.s32 @!p0 $0x1;
	_ =	shalt  }
.Lfunc_end2:
_tile_overlayer_lowered:
.L_overlay_start_2:
0x26d: {  	(tag) =	ssettag $0x2  }
0x26e: {  	s0 =	rddreg [dreg:$0x0];
	s2 =	stileid.u32  }
0x26f: {  	s1 =	rddreg [dreg:$0x1];
	p0 =	sne.s32 s2, $0x0  }
0x270: {  	s3 =	rddreg [dreg:$0x2];
	[bflag:$0x3] =	sbarrier.arrive $0xFFFF;
	s2 =	simm.s32 @!p0 $0x1C02  }
0x271: {  	[timem:s3], [sflag:s2] =	dma.local @!p0 [hbm:s0], s1  }
0x272: {  	s0 =	simm.s32 @!p0 $0x2  }
0x273: {  	_ =	swait.ge @!p0 [sflag:s0], s1  }
0x274: {  	s1 =	ssub.s32 @!p0 $0x0, s1;
	[sflag:s0] =	ssyncset.done @!p0 $0x0  }
0x275: {  	[sflag:s0] =	ssyncadd.s32 @!p0 s1  }
0x276: {  	[bflag:$0x3] =	sbarrier.arrive $0xFFFF  }
0x277: {  	_ =	shalt  }

</sc_bundles>
